<compile_context>
chip_gen: v7x
topology: tpu7x:2x2x1
jax: 0.10.2.dev20260603
libtpu: 0.0.44.dev20260713+nightly
codegen_flags: <defaults>
</compile_context>

<pallas_src>
import jax
import jax.numpy as jnp
from jax import lax
from jax.experimental import pallas as pl
from jax.experimental.pallas import tpu as pltpu
from jax.experimental.pallas import tpu_sc as plsc

H = 1024
F = 2048
E = 16
S = 2048
K = 2
P = K * S
TILE = 256
NT = 32
PAD = NT * TILE

NC, NS = 2, 16
NW = NC * NS
PPW = P // NW
CH = 32
NCH = PPW // CH


def _router_body(x_ref, wr_ref, inv_ref, w_ref, gidx_ref, ntot_ref):
    x = x_ref[...]
    logits = jnp.dot(x, wr_ref[...], preferred_element_type=jnp.float32)
    m = jnp.max(logits, axis=-1, keepdims=True)
    ex = jnp.exp(logits - m)
    probs = ex / jnp.sum(ex, axis=-1, keepdims=True)
    ids = lax.broadcasted_iota(jnp.int32, probs.shape, 1)
    m1 = jnp.max(probs, axis=-1, keepdims=True)
    i1 = jnp.min(jnp.where(probs == m1, ids, E), axis=-1, keepdims=True)
    masked = jnp.where(ids == i1, -1.0, probs)
    m2 = jnp.max(masked, axis=-1, keepdims=True)
    i2 = jnp.min(jnp.where(masked == m2, ids, E), axis=-1, keepdims=True)
    denom = m1 + m2
    w_ref[...] = jnp.concatenate([m1 / denom, m2 / denom], axis=1)

    e_all = jnp.concatenate([i1, i2], axis=0)
    onehot = (e_all == lax.broadcasted_iota(jnp.int32, (P, E), 1)
              ).astype(jnp.float32)
    c = onehot
    d = 1
    while d < P:
        c = c + jnp.concatenate(
            [jnp.zeros((d, E), jnp.float32), c[:-d, :]], axis=0)
        d *= 2
    counts = c[P - 1:P, :]
    tiles = jnp.floor((counts + (TILE - 1)) * (1.0 / TILE))
    incl = tiles
    d = 1
    while d < E:
        incl = incl + jnp.concatenate(
            [jnp.zeros((1, d), jnp.float32), incl[:, :-d]], axis=1)
        d *= 2
    tb_excl = incl - tiles
    base = tb_excl * TILE
    slot = jnp.sum((base + c - 1.0) * onehot, axis=1, keepdims=True)
    inv_ref[...] = slot.astype(jnp.int32)

    jj = lax.broadcasted_iota(jnp.int32, (NT, E), 0).astype(jnp.float32)
    g = jnp.sum((incl <= jj).astype(jnp.float32), axis=1, keepdims=True)
    gidx_ref[...] = jnp.minimum(g, float(E - 1)).astype(jnp.int32)
    ntot_ref[...] = incl[:, E - 1:E].astype(jnp.int32)


def _gmm_outer(gidx_ref, ntot_ref, xs_hbm, w1_hbm, v1_hbm, w2_hbm, ys_hbm):
    ntiles = ntot_ref[0]

    def inner(xs_ref, w1_ref, v1_ref, w2_ref, ys_ref):
        xt = xs_ref[...]
        a = jnp.dot(xt, w1_ref[0], preferred_element_type=jnp.float32)
        bb = jnp.dot(xt, v1_ref[0], preferred_element_type=jnp.float32)
        h = a * jax.nn.sigmoid(a) * bb
        ys_ref[...] = jnp.dot(h, w2_ref[0], preferred_element_type=jnp.float32)

    wspec = lambda: pl.BlockSpec(
        (1, H, F), lambda j: (gidx_ref[j], 0, 0),
        pipeline_mode=pl.Buffered(buffer_count=2, use_lookahead=True))
    w2spec = pl.BlockSpec(
        (1, F, H), lambda j: (gidx_ref[j], 0, 0),
        pipeline_mode=pl.Buffered(buffer_count=2, use_lookahead=True))
    pltpu.emit_pipeline(
        inner,
        grid=(ntiles,),
        in_specs=[
            pl.BlockSpec((TILE, H), lambda j: (j, 0)),
            wspec(), wspec(), w2spec,
        ],
        out_specs=[pl.BlockSpec((TILE, H), lambda j: (j, 0))],
    )(xs_hbm, w1_hbm, v1_hbm, w2_hbm, ys_hbm)


def _combine_body(w_ref, y0_ref, y1_ref, out_ref):
    w0 = w_ref[:, 0:1]
    w1 = w_ref[:, 1:2]
    out_ref[...] = w0 * y0_ref[...] + w1 * y1_ref[...]


def _dispatch_x_body(x_hbm, inv_hbm, xs_hbm, idx_v, rows0, rows1,
                     isem0, isem1, osem0, osem1):
    wid = lax.axis_index("s") * NC + lax.axis_index("c")
    pltpu.sync_copy(inv_hbm.at[pl.ds(wid * NCH, NCH)], idx_v)
    rows = (rows0, rows1)
    isem = (isem0, isem1)
    osem = (osem0, osem1)

    def start_in(c, b):
        t0 = lax.rem(wid * PPW + c * CH, S)
        pltpu.make_async_copy(x_hbm.at[pl.ds(t0, CH)], rows[b], isem[b]).start()

    start_in(0, 0)
    start_in(1, 1)
    for c in range(NCH):
        b = c % 2
        pltpu.make_async_copy(
            x_hbm.at[pl.ds(0, CH)], rows[b], isem[b]).wait()
        scat = pltpu.make_async_copy(rows[b], xs_hbm.at[idx_v.at[c]], osem[b])
        scat.start()
        if c + 2 < NCH:
            scat.wait()
            start_in(c + 2, b)
        else:
            scat.wait()


def _gather_y_body(ys_hbm, inv_hbm, ysg_hbm, idx_v, rows0, rows1,
                   isem0, isem1, osem0, osem1):
    wid = lax.axis_index("s") * NC + lax.axis_index("c")
    pltpu.sync_copy(inv_hbm.at[pl.ds(wid * NCH, NCH)], idx_v)
    rows = (rows0, rows1)
    isem = (isem0, isem1)
    osem = (osem0, osem1)

    def start_gat(c, b):
        pltpu.make_async_copy(ys_hbm.at[idx_v.at[c]], rows[b], isem[b]).start()

    start_gat(0, 0)
    start_gat(1, 1)
    for c in range(NCH):
        b = c % 2
        pltpu.make_async_copy(
            ys_hbm.at[idx_v.at[c]], rows[b], isem[b]).wait()
        out = pltpu.make_async_copy(
            rows[b], ysg_hbm.at[pl.ds(wid * PPW + c * CH, CH)], osem[b])
        out.start()
        if c + 2 < NCH:
            out.wait()
            start_gat(c + 2, b)
        else:
            out.wait()


def _sc_call(body, out_rows):
    mesh = plsc.VectorSubcoreMesh(
        core_axis_name="c", subcore_axis_name="s", num_cores=NC)
    return pl.kernel(
        body,
        mesh=mesh,
        out_type=jax.ShapeDtypeStruct((out_rows, H), jnp.float32),
        scratch_types=[
            pltpu.VMEM((NCH, CH), jnp.int32),
            pltpu.VMEM((CH, H), jnp.float32),
            pltpu.VMEM((CH, H), jnp.float32),
            pltpu.SemaphoreType.DMA,
            pltpu.SemaphoreType.DMA,
            pltpu.SemaphoreType.DMA,
            pltpu.SemaphoreType.DMA,
        ],
    )


@jax.jit
def kernel(x, Wr, W1, V1, W2):
    b, s, hd = x.shape
    xf = x.reshape(s, hd)

    inv, wcomb, gidx, ntot = pl.pallas_call(
        _router_body,
        out_shape=(
            jax.ShapeDtypeStruct((P, 1), jnp.int32),
            jax.ShapeDtypeStruct((S, K), jnp.float32),
            jax.ShapeDtypeStruct((NT, 1), jnp.int32),
            jax.ShapeDtypeStruct((1, 1), jnp.int32),
        ),
    )(xf, Wr)

    inv_chunks = inv.reshape(NW * NCH, CH)

    xs = _sc_call(_dispatch_x_body, PAD)(xf, inv_chunks)

    ys = pl.pallas_call(
        _gmm_outer,
        grid_spec=pltpu.PrefetchScalarGridSpec(
            num_scalar_prefetch=2,
            grid=(1,),
            in_specs=[
                pl.BlockSpec(memory_space=pltpu.MemorySpace.HBM),
                pl.BlockSpec(memory_space=pltpu.MemorySpace.HBM),
                pl.BlockSpec(memory_space=pltpu.MemorySpace.HBM),
                pl.BlockSpec(memory_space=pltpu.MemorySpace.HBM),
            ],
            out_specs=pl.BlockSpec(memory_space=pltpu.MemorySpace.HBM),
        ),
        out_shape=jax.ShapeDtypeStruct((PAD, H), jnp.float32),
        compiler_params=pltpu.CompilerParams(
            vmem_limit_bytes=100 * 1024 * 1024),
    )(gidx.reshape(NT), ntot.reshape(1), xs, W1, V1, W2)

    ysg = _sc_call(_gather_y_body, P)(ys, inv_chunks)

    out = pl.pallas_call(
        _combine_body,
        grid=(1,),
        in_specs=[
            pl.BlockSpec((S, K), lambda i: (0, 0)),
            pl.BlockSpec((S, H), lambda i: (0, 0)),
            pl.BlockSpec((S, H), lambda i: (1, 0)),
        ],
        out_specs=pl.BlockSpec((S, H), lambda i: (0, 0)),
        out_shape=jax.ShapeDtypeStruct((S, H), jnp.float32),
    )(wcomb, ysg, ysg)

    return out.reshape(b, s, hd)

# --- scband reference (transcript-rebuilt; emitter-appended) ---
"""Pipeline reference for scband-rnamo-ewrapper-39625368273408 (READ-ONLY COPY).

The authoritative reference and input builder live on the scoring server;
editing this copy changes nothing except your own understanding.
"""

import jax, jax.numpy as jnp
import numpy as np

H = 1024
F = 2048
E = 16
K = 2
B = 1
S = 2048


def setup_inputs(seed: int = 0) -> dict:
    key = jax.random.key(seed)
    ks = jax.random.split(key, 5)
    x = jax.random.normal(ks[0], (B, S, H), dtype=jnp.float32)
    Wr = jax.random.normal(ks[1], (H, E), dtype=jnp.float32) * 0.02
    W1 = jax.random.normal(ks[2], (E, H, F), dtype=jnp.float32) * 0.02
    V1 = jax.random.normal(ks[3], (E, H, F), dtype=jnp.float32) * 0.02
    W2 = jax.random.normal(ks[4], (E, F, H), dtype=jnp.float32) * 0.02
    return {"x": x, "Wr": Wr, "W1": W1, "V1": V1, "W2": W2}


def reference(x, Wr, W1, V1, W2):
    # Faithful jax translation of megablocks dMoE (dropless MoE) with GLU experts:
    # router -> softmax -> top-k -> L1 weight normalization (moe_normalize_expert_weights=1)
    # -> sort-based dropless dispatch -> per-expert grouped GLU MLP -> weighted combine.
    b, s, hd = x.shape
    e_total = Wr.shape[1]
    k = K
    xf = x.reshape(-1, hd)
    logits = xf @ Wr
    probs = jax.nn.softmax(logits, axis=-1)
    topv, topi = jax.lax.top_k(probs, k)
    # moe_normalize_expert_weights = 1 -> divide by L1 norm of top-k weights
    w = topv / jnp.sum(jnp.abs(topv), axis=-1, keepdims=True)
    out = jnp.zeros_like(xf)
    for e in range(e_total):
        we = jnp.sum(jnp.where(topi == e, w, 0.0), axis=-1)
        he = jax.nn.silu(xf @ W1[e]) * (xf @ V1[e])  # GLU (mlp_type='glu', silu act)
        ye = he @ W2[e]
        out = out + ye * we[:, None]
    return out.reshape(b, s, hd)

if __name__ == "__main__":
    import jax
    _d = setup_inputs()
    print(jax.jit(kernel)(*tuple(_d.values())))

</pallas_src>

<mosaic_0001>
#map = affine_map<(d0, d1) -> (0, 0)>
module attributes {stable_mosaic.version = 14 : i64} {
  func.func @_dispatch_x_body(%arg0: i32, %arg1: i32, %arg2: memref<2048x1024xf32, #tpu.memory_space<hbm>>, %arg3: memref<128x32xi32, #tpu.memory_space<hbm>>, %arg4: memref<8192x1024xf32, #tpu.memory_space<hbm>>, %arg5: memref<4x32xi32, #tpu.memory_space<vmem>>, %arg6: memref<32x1024xf32, #tpu.memory_space<vmem>>, %arg7: memref<32x1024xf32, #tpu.memory_space<vmem>>, %arg8: memref<!tpu.dma_semaphore, #tpu.memory_space<semaphore_mem>>, %arg9: memref<!tpu.dma_semaphore, #tpu.memory_space<semaphore_mem>>, %arg10: memref<!tpu.dma_semaphore, #tpu.memory_space<semaphore_mem>>, %arg11: memref<!tpu.dma_semaphore, #tpu.memory_space<semaphore_mem>>) attributes {dimension_semantics = [#tpu.dimension_semantics<core_parallel>, #tpu.dimension_semantics<subcore_parallel>], iteration_bounds = array<i64: 2, 16>, scalar_prefetch = 0 : i64, scratch_operands = 7 : i64, tpu.core_type = #tpu.core_type<sc_vector_subcore>, window_params = [{transform_indices = #map}, {transform_indices = #map}, {transform_indices = #map}]} {
    %mul3A = arith.constant 2 : i32
    %mul3A_0 = arith.muli %arg1, %mul3A : i32
    %add3A = arith.addi %mul3A_0, %arg0 : i32
    %mul3A_1 = arith.constant 4 : i32
    %mul3A_2 = arith.muli %add3A, %mul3A_1 : i32
    "tpu.region"() ({
      %run_scoped3A = tpu.sem_alloc : memref<!tpu.dma_semaphore, #tpu.memory_space<semaphore_mem>>
      %dma_start3A_120 = arith.constant 0 : i32
      %dma_start3A_121 = tpu.memref_slice %arg3[%mul3A_2, %dma_start3A_120] : memref<128x32xi32, #tpu.memory_space<hbm>> -> memref<4x32xi32, #tpu.memory_space<hbm>>
      %dma_start3A_122 = arith.constant 0 : i32
      %dma_start3A_123 = tpu.memref_slice %arg3[%mul3A_2, %dma_start3A_122] : memref<128x32xi32, #tpu.memory_space<hbm>> -> memref<4x32xi32, #tpu.memory_space<hbm>>
      tpu.enqueue_dma source(%dma_start3A_123 : memref<4x32xi32, #tpu.memory_space<hbm>>) target(%arg5 : memref<4x32xi32, #tpu.memory_space<vmem>>) target_semaphore(%run_scoped3A : memref<!tpu.dma_semaphore, #tpu.memory_space<semaphore_mem>>)
      %dma_wait3A_124 = arith.constant 0 : i32
      %dma_wait3A_125 = tpu.memref_slice %arg3[%mul3A_2, %dma_wait3A_124] : memref<128x32xi32, #tpu.memory_space<hbm>> -> memref<4x32xi32, #tpu.memory_space<hbm>>
      %dma_wait3A_126 = arith.constant 0 : i32
      %dma_wait3A_127 = tpu.memref_slice %arg3[%mul3A_2, %dma_wait3A_126] : memref<128x32xi32, #tpu.memory_space<hbm>> -> memref<4x32xi32, #tpu.memory_space<hbm>>
      tpu.wait_dma2 semaphore(%run_scoped3A : memref<!tpu.dma_semaphore, #tpu.memory_space<semaphore_mem>>) src(%dma_wait3A_127 : memref<4x32xi32, #tpu.memory_space<hbm>>) dst(%arg5 : memref<4x32xi32, #tpu.memory_space<vmem>>)
      tpu.yield
    }) : () -> ()
    %mul3A_3 = arith.constant 128 : i32
    %mul3A_4 = arith.muli %add3A, %mul3A_3 : i32
    %add3A_5 = arith.constant 0 : i32
    %add3A_6 = arith.addi %mul3A_4, %add3A_5 : i32
    %rem3A = arith.constant 2048 : i32
    %rem3A_7 = arith.remsi %add3A_6, %rem3A : i32
    %dma_start3A = arith.constant 0 : i32
    %dma_start3A_8 = tpu.memref_slice %arg2[%rem3A_7, %dma_start3A] : memref<2048x1024xf32, #tpu.memory_space<hbm>> -> memref<32x1024xf32, #tpu.memory_space<hbm>>
    %dma_start3A_9 = arith.constant 0 : i32
    %dma_start3A_10 = tpu.memref_slice %arg2[%rem3A_7, %dma_start3A_9] : memref<2048x1024xf32, #tpu.memory_space<hbm>> -> memref<32x1024xf32, #tpu.memory_space<hbm>>
    tpu.enqueue_dma source(%dma_start3A_10 : memref<32x1024xf32, #tpu.memory_space<hbm>>) target(%arg6 : memref<32x1024xf32, #tpu.memory_space<vmem>>) target_semaphore(%arg8 : memref<!tpu.dma_semaphore, #tpu.memory_space<semaphore_mem>>)
    %mul3A_11 = arith.constant 128 : i32
    %mul3A_12 = arith.muli %add3A, %mul3A_11 : i32
    %add3A_13 = arith.constant 32 : i32
    %add3A_14 = arith.addi %mul3A_12, %add3A_13 : i32
    %rem3A_15 = arith.constant 2048 : i32
    %rem3A_16 = arith.remsi %add3A_14, %rem3A_15 : i32
    %dma_start3A_17 = arith.constant 0 : i32
    %dma_start3A_18 = tpu.memref_slice %arg2[%rem3A_16, %dma_start3A_17] : memref<2048x1024xf32, #tpu.memory_space<hbm>> -> memref<32x1024xf32, #tpu.memory_space<hbm>>
    %dma_start3A_19 = arith.constant 0 : i32
    %dma_start3A_20 = tpu.memref_slice %arg2[%rem3A_16, %dma_start3A_19] : memref<2048x1024xf32, #tpu.memory_space<hbm>> -> memref<32x1024xf32, #tpu.memory_space<hbm>>
    tpu.enqueue_dma source(%dma_start3A_20 : memref<32x1024xf32, #tpu.memory_space<hbm>>) target(%arg7 : memref<32x1024xf32, #tpu.memory_space<vmem>>) target_semaphore(%arg9 : memref<!tpu.dma_semaphore, #tpu.memory_space<semaphore_mem>>)
    %dma_wait3A = arith.constant 0 : i32
    %dma_wait3A_21 = arith.constant 0 : i32
    %dma_wait3A_22 = tpu.memref_slice %arg2[%dma_wait3A, %dma_wait3A_21] : memref<2048x1024xf32, #tpu.memory_space<hbm>> -> memref<32x1024xf32, #tpu.memory_space<hbm>>
    %dma_wait3A_23 = arith.constant 0 : i32
    %dma_wait3A_24 = arith.constant 0 : i32
    %dma_wait3A_25 = tpu.memref_slice %arg2[%dma_wait3A_23, %dma_wait3A_24] : memref<2048x1024xf32, #tpu.memory_space<hbm>> -> memref<32x1024xf32, #tpu.memory_space<hbm>>
    tpu.wait_dma2 semaphore(%arg8 : memref<!tpu.dma_semaphore, #tpu.memory_space<semaphore_mem>>) src(%dma_wait3A_25 : memref<32x1024xf32, #tpu.memory_space<hbm>>) dst(%arg6 : memref<32x1024xf32, #tpu.memory_space<vmem>>)
    %dma_start3A_26 = arith.constant 0 : i32
    %dma_start3A_27 = arith.constant 0 : i32
    %dma_start3A_28 = tpu.memref_slice %arg5[%dma_start3A_26, %dma_start3A_27] : memref<4x32xi32, #tpu.memory_space<vmem>> -> memref<1x32xi32, #tpu.memory_space<vmem>>
    %dma_start3A_29 = tpu.memref_squeeze %dma_start3A_28 : memref<1x32xi32, #tpu.memory_space<vmem>> -> memref<32xi32, #tpu.memory_space<vmem>>
    %dma_start3A_30 = arith.constant 0 : i32
    %dma_start3A_31 = arith.constant 0 : i32
    %dma_start3A_32 = tpu.memref_slice %arg4[%dma_start3A_30, %dma_start3A_31] : memref<8192x1024xf32, #tpu.memory_space<hbm>> -> memref<8192x1024xf32, #tpu.memory_space<hbm>>
    tpu.enqueue_indirect_dma source(%arg6 : memref<32x1024xf32, #tpu.memory_space<vmem>>) target(%dma_start3A_32 : memref<8192x1024xf32, #tpu.memory_space<hbm>>) offsets(%dma_start3A_29 : memref<32xi32, #tpu.memory_space<vmem>>) semaphore(%arg10 : memref<!tpu.dma_semaphore, #tpu.memory_space<semaphore_mem>>)
    %dma_wait3A_33 = arith.constant 0 : i32
    %dma_wait3A_34 = arith.constant 0 : i32
    %dma_wait3A_35 = tpu.memref_slice %arg5[%dma_wait3A_33, %dma_wait3A_34] : memref<4x32xi32, #tpu.memory_space<vmem>> -> memref<1x32xi32, #tpu.memory_space<vmem>>
    %dma_wait3A_36 = tpu.memref_squeeze %dma_wait3A_35 : memref<1x32xi32, #tpu.memory_space<vmem>> -> memref<32xi32, #tpu.memory_space<vmem>>
    %dma_wait3A_37 = arith.constant 0 : i32
    %dma_wait3A_38 = arith.constant 0 : i32
    %dma_wait3A_39 = tpu.memref_slice %arg4[%dma_wait3A_37, %dma_wait3A_38] : memref<8192x1024xf32, #tpu.memory_space<hbm>> -> memref<8192x1024xf32, #tpu.memory_space<hbm>>
    tpu.wait_indirect_dma semaphore(%arg10 : memref<!tpu.dma_semaphore, #tpu.memory_space<semaphore_mem>>) src(%arg6 : memref<32x1024xf32, #tpu.memory_space<vmem>>) dst(%dma_wait3A_39 : memref<8192x1024xf32, #tpu.memory_space<hbm>>)
    %mul3A_40 = arith.constant 128 : i32
    %mul3A_41 = arith.muli %add3A, %mul3A_40 : i32
    %add3A_42 = arith.constant 64 : i32
    %add3A_43 = arith.addi %mul3A_41, %add3A_42 : i32
    %rem3A_44 = arith.constant 2048 : i32
    %rem3A_45 = arith.remsi %add3A_43, %rem3A_44 : i32
    %dma_start3A_46 = arith.constant 0 : i32
    %dma_start3A_47 = tpu.memref_slice %arg2[%rem3A_45, %dma_start3A_46] : memref<2048x1024xf32, #tpu.memory_space<hbm>> -> memref<32x1024xf32, #tpu.memory_space<hbm>>
    %dma_start3A_48 = arith.constant 0 : i32
    %dma_start3A_49 = tpu.memref_slice %arg2[%rem3A_45, %dma_start3A_48] : memref<2048x1024xf32, #tpu.memory_space<hbm>> -> memref<32x1024xf32, #tpu.memory_space<hbm>>
    tpu.enqueue_dma source(%dma_start3A_49 : memref<32x1024xf32, #tpu.memory_space<hbm>>) target(%arg6 : memref<32x1024xf32, #tpu.memory_space<vmem>>) target_semaphore(%arg8 : memref<!tpu.dma_semaphore, #tpu.memory_space<semaphore_mem>>)
    %dma_wait3A_50 = arith.constant 0 : i32
    %dma_wait3A_51 = arith.constant 0 : i32
    %dma_wait3A_52 = tpu.memref_slice %arg2[%dma_wait3A_50, %dma_wait3A_51] : memref<2048x1024xf32, #tpu.memory_space<hbm>> -> memref<32x1024xf32, #tpu.memory_space<hbm>>
    %dma_wait3A_53 = arith.constant 0 : i32
    %dma_wait3A_54 = arith.constant 0 : i32
    %dma_wait3A_55 = tpu.memref_slice %arg2[%dma_wait3A_53, %dma_wait3A_54] : memref<2048x1024xf32, #tpu.memory_space<hbm>> -> memref<32x1024xf32, #tpu.memory_space<hbm>>
    tpu.wait_dma2 semaphore(%arg9 : memref<!tpu.dma_semaphore, #tpu.memory_space<semaphore_mem>>) src(%dma_wait3A_55 : memref<32x1024xf32, #tpu.memory_space<hbm>>) dst(%arg7 : memref<32x1024xf32, #tpu.memory_space<vmem>>)
    %dma_start3A_56 = arith.constant 1 : i32
    %dma_start3A_57 = arith.constant 0 : i32
    %dma_start3A_58 = tpu.memref_slice %arg5[%dma_start3A_56, %dma_start3A_57] : memref<4x32xi32, #tpu.memory_space<vmem>> -> memref<1x32xi32, #tpu.memory_space<vmem>>
    %dma_start3A_59 = tpu.memref_squeeze %dma_start3A_58 : memref<1x32xi32, #tpu.memory_space<vmem>> -> memref<32xi32, #tpu.memory_space<vmem>>
    %dma_start3A_60 = arith.constant 0 : i32
    %dma_start3A_61 = arith.constant 0 : i32
    %dma_start3A_62 = tpu.memref_slice %arg4[%dma_start3A_60, %dma_start3A_61] : memref<8192x1024xf32, #tpu.memory_space<hbm>> -> memref<8192x1024xf32, #tpu.memory_space<hbm>>
    tpu.enqueue_indirect_dma source(%arg7 : memref<32x1024xf32, #tpu.memory_space<vmem>>) target(%dma_start3A_62 : memref<8192x1024xf32, #tpu.memory_space<hbm>>) offsets(%dma_start3A_59 : memref<32xi32, #tpu.memory_space<vmem>>) semaphore(%arg11 : memref<!tpu.dma_semaphore, #tpu.memory_space<semaphore_mem>>)
    %dma_wait3A_63 = arith.constant 1 : i32
    %dma_wait3A_64 = arith.constant 0 : i32
    %dma_wait3A_65 = tpu.memref_slice %arg5[%dma_wait3A_63, %dma_wait3A_64] : memref<4x32xi32, #tpu.memory_space<vmem>> -> memref<1x32xi32, #tpu.memory_space<vmem>>
    %dma_wait3A_66 = tpu.memref_squeeze %dma_wait3A_65 : memref<1x32xi32, #tpu.memory_space<vmem>> -> memref<32xi32, #tpu.memory_space<vmem>>
    %dma_wait3A_67 = arith.constant 0 : i32
    %dma_wait3A_68 = arith.constant 0 : i32
    %dma_wait3A_69 = tpu.memref_slice %arg4[%dma_wait3A_67, %dma_wait3A_68] : memref<8192x1024xf32, #tpu.memory_space<hbm>> -> memref<8192x1024xf32, #tpu.memory_space<hbm>>
    tpu.wait_indirect_dma semaphore(%arg11 : memref<!tpu.dma_semaphore, #tpu.memory_space<semaphore_mem>>) src(%arg7 : memref<32x1024xf32, #tpu.memory_space<vmem>>) dst(%dma_wait3A_69 : memref<8192x1024xf32, #tpu.memory_space<hbm>>)
    %mul3A_70 = arith.constant 128 : i32
    %mul3A_71 = arith.muli %add3A, %mul3A_70 : i32
    %add3A_72 = arith.constant 96 : i32
    %add3A_73 = arith.addi %mul3A_71, %add3A_72 : i32
    %rem3A_74 = arith.constant 2048 : i32
    %rem3A_75 = arith.remsi %add3A_73, %rem3A_74 : i32
    %dma_start3A_76 = arith.constant 0 : i32
    %dma_start3A_77 = tpu.memref_slice %arg2[%rem3A_75, %dma_start3A_76] : memref<2048x1024xf32, #tpu.memory_space<hbm>> -> memref<32x1024xf32, #tpu.memory_space<hbm>>
    %dma_start3A_78 = arith.constant 0 : i32
    %dma_start3A_79 = tpu.memref_slice %arg2[%rem3A_75, %dma_start3A_78] : memref<2048x1024xf32, #tpu.memory_space<hbm>> -> memref<32x1024xf32, #tpu.memory_space<hbm>>
    tpu.enqueue_dma source(%dma_start3A_79 : memref<32x1024xf32, #tpu.memory_space<hbm>>) target(%arg7 : memref<32x1024xf32, #tpu.memory_space<vmem>>) target_semaphore(%arg9 : memref<!tpu.dma_semaphore, #tpu.memory_space<semaphore_mem>>)
    %dma_wait3A_80 = arith.constant 0 : i32
    %dma_wait3A_81 = arith.constant 0 : i32
    %dma_wait3A_82 = tpu.memref_slice %arg2[%dma_wait3A_80, %dma_wait3A_81] : memref<2048x1024xf32, #tpu.memory_space<hbm>> -> memref<32x1024xf32, #tpu.memory_space<hbm>>
    %dma_wait3A_83 = arith.constant 0 : i32
    %dma_wait3A_84 = arith.constant 0 : i32
    %dma_wait3A_85 = tpu.memref_slice %arg2[%dma_wait3A_83, %dma_wait3A_84] : memref<2048x1024xf32, #tpu.memory_space<hbm>> -> memref<32x1024xf32, #tpu.memory_space<hbm>>
    tpu.wait_dma2 semaphore(%arg8 : memref<!tpu.dma_semaphore, #tpu.memory_space<semaphore_mem>>) src(%dma_wait3A_85 : memref<32x1024xf32, #tpu.memory_space<hbm>>) dst(%arg6 : memref<32x1024xf32, #tpu.memory_space<vmem>>)
    %dma_start3A_86 = arith.constant 2 : i32
    %dma_start3A_87 = arith.constant 0 : i32
    %dma_start3A_88 = tpu.memref_slice %arg5[%dma_start3A_86, %dma_start3A_87] : memref<4x32xi32, #tpu.memory_space<vmem>> -> memref<1x32xi32, #tpu.memory_space<vmem>>
    %dma_start3A_89 = tpu.memref_squeeze %dma_start3A_88 : memref<1x32xi32, #tpu.memory_space<vmem>> -> memref<32xi32, #tpu.memory_space<vmem>>
    %dma_start3A_90 = arith.constant 0 : i32
    %dma_start3A_91 = arith.constant 0 : i32
    %dma_start3A_92 = tpu.memref_slice %arg4[%dma_start3A_90, %dma_start3A_91] : memref<8192x1024xf32, #tpu.memory_space<hbm>> -> memref<8192x1024xf32, #tpu.memory_space<hbm>>
    tpu.enqueue_indirect_dma source(%arg6 : memref<32x1024xf32, #tpu.memory_space<vmem>>) target(%dma_start3A_92 : memref<8192x1024xf32, #tpu.memory_space<hbm>>) offsets(%dma_start3A_89 : memref<32xi32, #tpu.memory_space<vmem>>) semaphore(%arg10 : memref<!tpu.dma_semaphore, #tpu.memory_space<semaphore_mem>>)
    %dma_wait3A_93 = arith.constant 2 : i32
    %dma_wait3A_94 = arith.constant 0 : i32
    %dma_wait3A_95 = tpu.memref_slice %arg5[%dma_wait3A_93, %dma_wait3A_94] : memref<4x32xi32, #tpu.memory_space<vmem>> -> memref<1x32xi32, #tpu.memory_space<vmem>>
    %dma_wait3A_96 = tpu.memref_squeeze %dma_wait3A_95 : memref<1x32xi32, #tpu.memory_space<vmem>> -> memref<32xi32, #tpu.memory_space<vmem>>
    %dma_wait3A_97 = arith.constant 0 : i32
    %dma_wait3A_98 = arith.constant 0 : i32
    %dma_wait3A_99 = tpu.memref_slice %arg4[%dma_wait3A_97, %dma_wait3A_98] : memref<8192x1024xf32, #tpu.memory_space<hbm>> -> memref<8192x1024xf32, #tpu.memory_space<hbm>>
    tpu.wait_indirect_dma semaphore(%arg10 : memref<!tpu.dma_semaphore, #tpu.memory_space<semaphore_mem>>) src(%arg6 : memref<32x1024xf32, #tpu.memory_space<vmem>>) dst(%dma_wait3A_99 : memref<8192x1024xf32, #tpu.memory_space<hbm>>)
    %dma_wait3A_100 = arith.constant 0 : i32
    %dma_wait3A_101 = arith.constant 0 : i32
    %dma_wait3A_102 = tpu.memref_slice %arg2[%dma_wait3A_100, %dma_wait3A_101] : memref<2048x1024xf32, #tpu.memory_space<hbm>> -> memref<32x1024xf32, #tpu.memory_space<hbm>>
    %dma_wait3A_103 = arith.constant 0 : i32
    %dma_wait3A_104 = arith.constant 0 : i32
    %dma_wait3A_105 = tpu.memref_slice %arg2[%dma_wait3A_103, %dma_wait3A_104] : memref<2048x1024xf32, #tpu.memory_space<hbm>> -> memref<32x1024xf32, #tpu.memory_space<hbm>>
    tpu.wait_dma2 semaphore(%arg9 : memref<!tpu.dma_semaphore, #tpu.memory_space<semaphore_mem>>) src(%dma_wait3A_105 : memref<32x1024xf32, #tpu.memory_space<hbm>>) dst(%arg7 : memref<32x1024xf32, #tpu.memory_space<vmem>>)
    %dma_start3A_106 = arith.constant 3 : i32
    %dma_start3A_107 = arith.constant 0 : i32
    %dma_start3A_108 = tpu.memref_slice %arg5[%dma_start3A_106, %dma_start3A_107] : memref<4x32xi32, #tpu.memory_space<vmem>> -> memref<1x32xi32, #tpu.memory_space<vmem>>
    %dma_start3A_109 = tpu.memref_squeeze %dma_start3A_108 : memref<1x32xi32, #tpu.memory_space<vmem>> -> memref<32xi32, #tpu.memory_space<vmem>>
    %dma_start3A_110 = arith.constant 0 : i32
    %dma_start3A_111 = arith.constant 0 : i32
    %dma_start3A_112 = tpu.memref_slice %arg4[%dma_start3A_110, %dma_start3A_111] : memref<8192x1024xf32, #tpu.memory_space<hbm>> -> memref<8192x1024xf32, #tpu.memory_space<hbm>>
    tpu.enqueue_indirect_dma source(%arg7 : memref<32x1024xf32, #tpu.memory_space<vmem>>) target(%dma_start3A_112 : memref<8192x1024xf32, #tpu.memory_space<hbm>>) offsets(%dma_start3A_109 : memref<32xi32, #tpu.memory_space<vmem>>) semaphore(%arg11 : memref<!tpu.dma_semaphore, #tpu.memory_space<semaphore_mem>>)
    %dma_wait3A_113 = arith.constant 3 : i32
    %dma_wait3A_114 = arith.constant 0 : i32
    %dma_wait3A_115 = tpu.memref_slice %arg5[%dma_wait3A_113, %dma_wait3A_114] : memref<4x32xi32, #tpu.memory_space<vmem>> -> memref<1x32xi32, #tpu.memory_space<vmem>>
    %dma_wait3A_116 = tpu.memref_squeeze %dma_wait3A_115 : memref<1x32xi32, #tpu.memory_space<vmem>> -> memref<32xi32, #tpu.memory_space<vmem>>
    %dma_wait3A_117 = arith.constant 0 : i32
    %dma_wait3A_118 = arith.constant 0 : i32
    %dma_wait3A_119 = tpu.memref_slice %arg4[%dma_wait3A_117, %dma_wait3A_118] : memref<8192x1024xf32, #tpu.memory_space<hbm>> -> memref<8192x1024xf32, #tpu.memory_space<hbm>>
    tpu.wait_indirect_dma semaphore(%arg11 : memref<!tpu.dma_semaphore, #tpu.memory_space<semaphore_mem>>) src(%arg7 : memref<32x1024xf32, #tpu.memory_space<vmem>>) dst(%dma_wait3A_119 : memref<8192x1024xf32, #tpu.memory_space<hbm>>)
    return
  }
}

#map = affine_map<(d0, d1) -> (0, 0)>
module attributes {stable_mosaic.version = 14 : i64} {
  func.func @_gather_y_body(%arg0: i32, %arg1: i32, %arg2: memref<8192x1024xf32, #tpu.memory_space<hbm>>, %arg3: memref<128x32xi32, #tpu.memory_space<hbm>>, %arg4: memref<4096x1024xf32, #tpu.memory_space<hbm>>, %arg5: memref<4x32xi32, #tpu.memory_space<vmem>>, %arg6: memref<32x1024xf32, #tpu.memory_space<vmem>>, %arg7: memref<32x1024xf32, #tpu.memory_space<vmem>>, %arg8: memref<!tpu.dma_semaphore, #tpu.memory_space<semaphore_mem>>, %arg9: memref<!tpu.dma_semaphore, #tpu.memory_space<semaphore_mem>>, %arg10: memref<!tpu.dma_semaphore, #tpu.memory_space<semaphore_mem>>, %arg11: memref<!tpu.dma_semaphore, #tpu.memory_space<semaphore_mem>>) attributes {dimension_semantics = [#tpu.dimension_semantics<core_parallel>, #tpu.dimension_semantics<subcore_parallel>], iteration_bounds = array<i64: 2, 16>, scalar_prefetch = 0 : i64, scratch_operands = 7 : i64, tpu.core_type = #tpu.core_type<sc_vector_subcore>, window_params = [{transform_indices = #map}, {transform_indices = #map}, {transform_indices = #map}]} {
    %mul3A = arith.constant 2 : i32
    %mul3A_0 = arith.muli %arg1, %mul3A : i32
    %add3A = arith.addi %mul3A_0, %arg0 : i32
    %mul3A_1 = arith.constant 4 : i32
    %mul3A_2 = arith.muli %add3A, %mul3A_1 : i32
    "tpu.region"() ({
      %run_scoped3A = tpu.sem_alloc : memref<!tpu.dma_semaphore, #tpu.memory_space<semaphore_mem>>
      %dma_start3A_105 = arith.constant 0 : i32
      %dma_start3A_106 = tpu.memref_slice %arg3[%mul3A_2, %dma_start3A_105] : memref<128x32xi32, #tpu.memory_space<hbm>> -> memref<4x32xi32, #tpu.memory_space<hbm>>
      %dma_start3A_107 = arith.constant 0 : i32
      %dma_start3A_108 = tpu.memref_slice %arg3[%mul3A_2, %dma_start3A_107] : memref<128x32xi32, #tpu.memory_space<hbm>> -> memref<4x32xi32, #tpu.memory_space<hbm>>
      tpu.enqueue_dma source(%dma_start3A_108 : memref<4x32xi32, #tpu.memory_space<hbm>>) target(%arg5 : memref<4x32xi32, #tpu.memory_space<vmem>>) target_semaphore(%run_scoped3A : memref<!tpu.dma_semaphore, #tpu.memory_space<semaphore_mem>>)
      %dma_wait3A_109 = arith.constant 0 : i32
      %dma_wait3A_110 = tpu.memref_slice %arg3[%mul3A_2, %dma_wait3A_109] : memref<128x32xi32, #tpu.memory_space<hbm>> -> memref<4x32xi32, #tpu.memory_space<hbm>>
      %dma_wait3A_111 = arith.constant 0 : i32
      %dma_wait3A_112 = tpu.memref_slice %arg3[%mul3A_2, %dma_wait3A_111] : memref<128x32xi32, #tpu.memory_space<hbm>> -> memref<4x32xi32, #tpu.memory_space<hbm>>
      tpu.wait_dma2 semaphore(%run_scoped3A : memref<!tpu.dma_semaphore, #tpu.memory_space<semaphore_mem>>) src(%dma_wait3A_112 : memref<4x32xi32, #tpu.memory_space<hbm>>) dst(%arg5 : memref<4x32xi32, #tpu.memory_space<vmem>>)
      tpu.yield
    }) : () -> ()
    %dma_start3A = arith.constant 0 : i32
    %dma_start3A_3 = arith.constant 0 : i32
    %dma_start3A_4 = tpu.memref_slice %arg5[%dma_start3A, %dma_start3A_3] : memref<4x32xi32, #tpu.memory_space<vmem>> -> memref<1x32xi32, #tpu.memory_space<vmem>>
    %dma_start3A_5 = tpu.memref_squeeze %dma_start3A_4 : memref<1x32xi32, #tpu.memory_space<vmem>> -> memref<32xi32, #tpu.memory_space<vmem>>
    %dma_start3A_6 = arith.constant 0 : i32
    %dma_start3A_7 = arith.constant 0 : i32
    %dma_start3A_8 = tpu.memref_slice %arg2[%dma_start3A_6, %dma_start3A_7] : memref<8192x1024xf32, #tpu.memory_space<hbm>> -> memref<8192x1024xf32, #tpu.memory_space<hbm>>
    tpu.enqueue_indirect_dma source(%dma_start3A_8 : memref<8192x1024xf32, #tpu.memory_space<hbm>>) target(%arg6 : memref<32x1024xf32, #tpu.memory_space<vmem>>) offsets(%dma_start3A_5 : memref<32xi32, #tpu.memory_space<vmem>>) semaphore(%arg8 : memref<!tpu.dma_semaphore, #tpu.memory_space<semaphore_mem>>)
    %dma_start3A_9 = arith.constant 1 : i32
    %dma_start3A_10 = arith.constant 0 : i32
    %dma_start3A_11 = tpu.memref_slice %arg5[%dma_start3A_9, %dma_start3A_10] : memref<4x32xi32, #tpu.memory_space<vmem>> -> memref<1x32xi32, #tpu.memory_space<vmem>>
    %dma_start3A_12 = tpu.memref_squeeze %dma_start3A_11 : memref<1x32xi32, #tpu.memory_space<vmem>> -> memref<32xi32, #tpu.memory_space<vmem>>
    %dma_start3A_13 = arith.constant 0 : i32
    %dma_start3A_14 = arith.constant 0 : i32
    %dma_start3A_15 = tpu.memref_slice %arg2[%dma_start3A_13, %dma_start3A_14] : memref<8192x1024xf32, #tpu.memory_space<hbm>> -> memref<8192x1024xf32, #tpu.memory_space<hbm>>
    tpu.enqueue_indirect_dma source(%dma_start3A_15 : memref<8192x1024xf32, #tpu.memory_space<hbm>>) target(%arg7 : memref<32x1024xf32, #tpu.memory_space<vmem>>) offsets(%dma_start3A_12 : memref<32xi32, #tpu.memory_space<vmem>>) semaphore(%arg9 : memref<!tpu.dma_semaphore, #tpu.memory_space<semaphore_mem>>)
    %dma_wait3A = arith.constant 0 : i32
    %dma_wait3A_16 = arith.constant 0 : i32
    %dma_wait3A_17 = tpu.memref_slice %arg5[%dma_wait3A, %dma_wait3A_16] : memref<4x32xi32, #tpu.memory_space<vmem>> -> memref<1x32xi32, #tpu.memory_space<vmem>>
    %dma_wait3A_18 = tpu.memref_squeeze %dma_wait3A_17 : memref<1x32xi32, #tpu.memory_space<vmem>> -> memref<32xi32, #tpu.memory_space<vmem>>
    %dma_wait3A_19 = arith.constant 0 : i32
    %dma_wait3A_20 = arith.constant 0 : i32
    %dma_wait3A_21 = tpu.memref_slice %arg2[%dma_wait3A_19, %dma_wait3A_20] : memref<8192x1024xf32, #tpu.memory_space<hbm>> -> memref<8192x1024xf32, #tpu.memory_space<hbm>>
    tpu.wait_indirect_dma semaphore(%arg8 : memref<!tpu.dma_semaphore, #tpu.memory_space<semaphore_mem>>) src(%dma_wait3A_21 : memref<8192x1024xf32, #tpu.memory_space<hbm>>) dst(%arg6 : memref<32x1024xf32, #tpu.memory_space<vmem>>)
    %mul3A_22 = arith.constant 128 : i32
    %mul3A_23 = arith.muli %add3A, %mul3A_22 : i32
    %add3A_24 = arith.constant 0 : i32
    %add3A_25 = arith.addi %mul3A_23, %add3A_24 : i32
    %dma_start3A_26 = arith.constant 0 : i32
    %dma_start3A_27 = tpu.memref_slice %arg4[%add3A_25, %dma_start3A_26] : memref<4096x1024xf32, #tpu.memory_space<hbm>> -> memref<32x1024xf32, #tpu.memory_space<hbm>>
    %dma_start3A_28 = arith.constant 0 : i32
    %dma_start3A_29 = tpu.memref_slice %arg4[%add3A_25, %dma_start3A_28] : memref<4096x1024xf32, #tpu.memory_space<hbm>> -> memref<32x1024xf32, #tpu.memory_space<hbm>>
    tpu.enqueue_dma source(%arg6 : memref<32x1024xf32, #tpu.memory_space<vmem>>) target(%dma_start3A_29 : memref<32x1024xf32, #tpu.memory_space<hbm>>) target_semaphore(%arg10 : memref<!tpu.dma_semaphore, #tpu.memory_space<semaphore_mem>>)
    %dma_wait3A_30 = arith.constant 0 : i32
    %dma_wait3A_31 = tpu.memref_slice %arg4[%add3A_25, %dma_wait3A_30] : memref<4096x1024xf32, #tpu.memory_space<hbm>> -> memref<32x1024xf32, #tpu.memory_space<hbm>>
    %dma_wait3A_32 = arith.constant 0 : i32
    %dma_wait3A_33 = tpu.memref_slice %arg4[%add3A_25, %dma_wait3A_32] : memref<4096x1024xf32, #tpu.memory_space<hbm>> -> memref<32x1024xf32, #tpu.memory_space<hbm>>
    tpu.wait_dma2 semaphore(%arg10 : memref<!tpu.dma_semaphore, #tpu.memory_space<semaphore_mem>>) src(%arg6 : memref<32x1024xf32, #tpu.memory_space<vmem>>) dst(%dma_wait3A_33 : memref<32x1024xf32, #tpu.memory_space<hbm>>)
    %dma_start3A_34 = arith.constant 2 : i32
    %dma_start3A_35 = arith.constant 0 : i32
    %dma_start3A_36 = tpu.memref_slice %arg5[%dma_start3A_34, %dma_start3A_35] : memref<4x32xi32, #tpu.memory_space<vmem>> -> memref<1x32xi32, #tpu.memory_space<vmem>>
    %dma_start3A_37 = tpu.memref_squeeze %dma_start3A_36 : memref<1x32xi32, #tpu.memory_space<vmem>> -> memref<32xi32, #tpu.memory_space<vmem>>
    %dma_start3A_38 = arith.constant 0 : i32
    %dma_start3A_39 = arith.constant 0 : i32
    %dma_start3A_40 = tpu.memref_slice %arg2[%dma_start3A_38, %dma_start3A_39] : memref<8192x1024xf32, #tpu.memory_space<hbm>> -> memref<8192x1024xf32, #tpu.memory_space<hbm>>
    tpu.enqueue_indirect_dma source(%dma_start3A_40 : memref<8192x1024xf32, #tpu.memory_space<hbm>>) target(%arg6 : memref<32x1024xf32, #tpu.memory_space<vmem>>) offsets(%dma_start3A_37 : memref<32xi32, #tpu.memory_space<vmem>>) semaphore(%arg8 : memref<!tpu.dma_semaphore, #tpu.memory_space<semaphore_mem>>)
    %dma_wait3A_41 = arith.constant 1 : i32
    %dma_wait3A_42 = arith.constant 0 : i32
    %dma_wait3A_43 = tpu.memref_slice %arg5[%dma_wait3A_41, %dma_wait3A_42] : memref<4x32xi32, #tpu.memory_space<vmem>> -> memref<1x32xi32, #tpu.memory_space<vmem>>
    %dma_wait3A_44 = tpu.memref_squeeze %dma_wait3A_43 : memref<1x32xi32, #tpu.memory_space<vmem>> -> memref<32xi32, #tpu.memory_space<vmem>>
    %dma_wait3A_45 = arith.constant 0 : i32
    %dma_wait3A_46 = arith.constant 0 : i32
    %dma_wait3A_47 = tpu.memref_slice %arg2[%dma_wait3A_45, %dma_wait3A_46] : memref<8192x1024xf32, #tpu.memory_space<hbm>> -> memref<8192x1024xf32, #tpu.memory_space<hbm>>
    tpu.wait_indirect_dma semaphore(%arg9 : memref<!tpu.dma_semaphore, #tpu.memory_space<semaphore_mem>>) src(%dma_wait3A_47 : memref<8192x1024xf32, #tpu.memory_space<hbm>>) dst(%arg7 : memref<32x1024xf32, #tpu.memory_space<vmem>>)
    %mul3A_48 = arith.constant 128 : i32
    %mul3A_49 = arith.muli %add3A, %mul3A_48 : i32
    %add3A_50 = arith.constant 32 : i32
    %add3A_51 = arith.addi %mul3A_49, %add3A_50 : i32
    %dma_start3A_52 = arith.constant 0 : i32
    %dma_start3A_53 = tpu.memref_slice %arg4[%add3A_51, %dma_start3A_52] : memref<4096x1024xf32, #tpu.memory_space<hbm>> -> memref<32x1024xf32, #tpu.memory_space<hbm>>
    %dma_start3A_54 = arith.constant 0 : i32
    %dma_start3A_55 = tpu.memref_slice %arg4[%add3A_51, %dma_start3A_54] : memref<4096x1024xf32, #tpu.memory_space<hbm>> -> memref<32x1024xf32, #tpu.memory_space<hbm>>
    tpu.enqueue_dma source(%arg7 : memref<32x1024xf32, #tpu.memory_space<vmem>>) target(%dma_start3A_55 : memref<32x1024xf32, #tpu.memory_space<hbm>>) target_semaphore(%arg11 : memref<!tpu.dma_semaphore, #tpu.memory_space<semaphore_mem>>)
    %dma_wait3A_56 = arith.constant 0 : i32
    %dma_wait3A_57 = tpu.memref_slice %arg4[%add3A_51, %dma_wait3A_56] : memref<4096x1024xf32, #tpu.memory_space<hbm>> -> memref<32x1024xf32, #tpu.memory_space<hbm>>
    %dma_wait3A_58 = arith.constant 0 : i32
    %dma_wait3A_59 = tpu.memref_slice %arg4[%add3A_51, %dma_wait3A_58] : memref<4096x1024xf32, #tpu.memory_space<hbm>> -> memref<32x1024xf32, #tpu.memory_space<hbm>>
    tpu.wait_dma2 semaphore(%arg11 : memref<!tpu.dma_semaphore, #tpu.memory_space<semaphore_mem>>) src(%arg7 : memref<32x1024xf32, #tpu.memory_space<vmem>>) dst(%dma_wait3A_59 : memref<32x1024xf32, #tpu.memory_space<hbm>>)
    %dma_start3A_60 = arith.constant 3 : i32
    %dma_start3A_61 = arith.constant 0 : i32
    %dma_start3A_62 = tpu.memref_slice %arg5[%dma_start3A_60, %dma_start3A_61] : memref<4x32xi32, #tpu.memory_space<vmem>> -> memref<1x32xi32, #tpu.memory_space<vmem>>
    %dma_start3A_63 = tpu.memref_squeeze %dma_start3A_62 : memref<1x32xi32, #tpu.memory_space<vmem>> -> memref<32xi32, #tpu.memory_space<vmem>>
    %dma_start3A_64 = arith.constant 0 : i32
    %dma_start3A_65 = arith.constant 0 : i32
    %dma_start3A_66 = tpu.memref_slice %arg2[%dma_start3A_64, %dma_start3A_65] : memref<8192x1024xf32, #tpu.memory_space<hbm>> -> memref<8192x1024xf32, #tpu.memory_space<hbm>>
    tpu.enqueue_indirect_dma source(%dma_start3A_66 : memref<8192x1024xf32, #tpu.memory_space<hbm>>) target(%arg7 : memref<32x1024xf32, #tpu.memory_space<vmem>>) offsets(%dma_start3A_63 : memref<32xi32, #tpu.memory_space<vmem>>) semaphore(%arg9 : memref<!tpu.dma_semaphore, #tpu.memory_space<semaphore_mem>>)
    %dma_wait3A_67 = arith.constant 2 : i32
    %dma_wait3A_68 = arith.constant 0 : i32
    %dma_wait3A_69 = tpu.memref_slice %arg5[%dma_wait3A_67, %dma_wait3A_68] : memref<4x32xi32, #tpu.memory_space<vmem>> -> memref<1x32xi32, #tpu.memory_space<vmem>>
    %dma_wait3A_70 = tpu.memref_squeeze %dma_wait3A_69 : memref<1x32xi32, #tpu.memory_space<vmem>> -> memref<32xi32, #tpu.memory_space<vmem>>
    %dma_wait3A_71 = arith.constant 0 : i32
    %dma_wait3A_72 = arith.constant 0 : i32
    %dma_wait3A_73 = tpu.memref_slice %arg2[%dma_wait3A_71, %dma_wait3A_72] : memref<8192x1024xf32, #tpu.memory_space<hbm>> -> memref<8192x1024xf32, #tpu.memory_space<hbm>>
    tpu.wait_indirect_dma semaphore(%arg8 : memref<!tpu.dma_semaphore, #tpu.memory_space<semaphore_mem>>) src(%dma_wait3A_73 : memref<8192x1024xf32, #tpu.memory_space<hbm>>) dst(%arg6 : memref<32x1024xf32, #tpu.memory_space<vmem>>)
    %mul3A_74 = arith.constant 128 : i32
    %mul3A_75 = arith.muli %add3A, %mul3A_74 : i32
    %add3A_76 = arith.constant 64 : i32
    %add3A_77 = arith.addi %mul3A_75, %add3A_76 : i32
    %dma_start3A_78 = arith.constant 0 : i32
    %dma_start3A_79 = tpu.memref_slice %arg4[%add3A_77, %dma_start3A_78] : memref<4096x1024xf32, #tpu.memory_space<hbm>> -> memref<32x1024xf32, #tpu.memory_space<hbm>>
    %dma_start3A_80 = arith.constant 0 : i32
    %dma_start3A_81 = tpu.memref_slice %arg4[%add3A_77, %dma_start3A_80] : memref<4096x1024xf32, #tpu.memory_space<hbm>> -> memref<32x1024xf32, #tpu.memory_space<hbm>>
    tpu.enqueue_dma source(%arg6 : memref<32x1024xf32, #tpu.memory_space<vmem>>) target(%dma_start3A_81 : memref<32x1024xf32, #tpu.memory_space<hbm>>) target_semaphore(%arg10 : memref<!tpu.dma_semaphore, #tpu.memory_space<semaphore_mem>>)
    %dma_wait3A_82 = arith.constant 0 : i32
    %dma_wait3A_83 = tpu.memref_slice %arg4[%add3A_77, %dma_wait3A_82] : memref<4096x1024xf32, #tpu.memory_space<hbm>> -> memref<32x1024xf32, #tpu.memory_space<hbm>>
    %dma_wait3A_84 = arith.constant 0 : i32
    %dma_wait3A_85 = tpu.memref_slice %arg4[%add3A_77, %dma_wait3A_84] : memref<4096x1024xf32, #tpu.memory_space<hbm>> -> memref<32x1024xf32, #tpu.memory_space<hbm>>
    tpu.wait_dma2 semaphore(%arg10 : memref<!tpu.dma_semaphore, #tpu.memory_space<semaphore_mem>>) src(%arg6 : memref<32x1024xf32, #tpu.memory_space<vmem>>) dst(%dma_wait3A_85 : memref<32x1024xf32, #tpu.memory_space<hbm>>)
    %dma_wait3A_86 = arith.constant 3 : i32
    %dma_wait3A_87 = arith.constant 0 : i32
    %dma_wait3A_88 = tpu.memref_slice %arg5[%dma_wait3A_86, %dma_wait3A_87] : memref<4x32xi32, #tpu.memory_space<vmem>> -> memref<1x32xi32, #tpu.memory_space<vmem>>
    %dma_wait3A_89 = tpu.memref_squeeze %dma_wait3A_88 : memref<1x32xi32, #tpu.memory_space<vmem>> -> memref<32xi32, #tpu.memory_space<vmem>>
    %dma_wait3A_90 = arith.constant 0 : i32
    %dma_wait3A_91 = arith.constant 0 : i32
    %dma_wait3A_92 = tpu.memref_slice %arg2[%dma_wait3A_90, %dma_wait3A_91] : memref<8192x1024xf32, #tpu.memory_space<hbm>> -> memref<8192x1024xf32, #tpu.memory_space<hbm>>
    tpu.wait_indirect_dma semaphore(%arg9 : memref<!tpu.dma_semaphore, #tpu.memory_space<semaphore_mem>>) src(%dma_wait3A_92 : memref<8192x1024xf32, #tpu.memory_space<hbm>>) dst(%arg7 : memref<32x1024xf32, #tpu.memory_space<vmem>>)
    %mul3A_93 = arith.constant 128 : i32
    %mul3A_94 = arith.muli %add3A, %mul3A_93 : i32
    %add3A_95 = arith.constant 96 : i32
    %add3A_96 = arith.addi %mul3A_94, %add3A_95 : i32
    %dma_start3A_97 = arith.constant 0 : i32
    %dma_start3A_98 = tpu.memref_slice %arg4[%add3A_96, %dma_start3A_97] : memref<4096x1024xf32, #tpu.memory_space<hbm>> -> memref<32x1024xf32, #tpu.memory_space<hbm>>
    %dma_start3A_99 = arith.constant 0 : i32
    %dma_start3A_100 = tpu.memref_slice %arg4[%add3A_96, %dma_start3A_99] : memref<4096x1024xf32, #tpu.memory_space<hbm>> -> memref<32x1024xf32, #tpu.memory_space<hbm>>
    tpu.enqueue_dma source(%arg7 : memref<32x1024xf32, #tpu.memory_space<vmem>>) target(%dma_start3A_100 : memref<32x1024xf32, #tpu.memory_space<hbm>>) target_semaphore(%arg11 : memref<!tpu.dma_semaphore, #tpu.memory_space<semaphore_mem>>)
    %dma_wait3A_101 = arith.constant 0 : i32
    %dma_wait3A_102 = tpu.memref_slice %arg4[%add3A_96, %dma_wait3A_101] : memref<4096x1024xf32, #tpu.memory_space<hbm>> -> memref<32x1024xf32, #tpu.memory_space<hbm>>
    %dma_wait3A_103 = arith.constant 0 : i32
    %dma_wait3A_104 = tpu.memref_slice %arg4[%add3A_96, %dma_wait3A_103] : memref<4096x1024xf32, #tpu.memory_space<hbm>> -> memref<32x1024xf32, #tpu.memory_space<hbm>>
    tpu.wait_dma2 semaphore(%arg11 : memref<!tpu.dma_semaphore, #tpu.memory_space<semaphore_mem>>) src(%arg7 : memref<32x1024xf32, #tpu.memory_space<vmem>>) dst(%dma_wait3A_104 : memref<32x1024xf32, #tpu.memory_space<hbm>>)
    return
  }
}

module attributes {stable_mosaic.version = 14 : i64} {
  func.func @_router_body(%arg0: memref<2048x1024xf32, #tpu.memory_space<vmem>>, %arg1: memref<1024x16xf32, #tpu.memory_space<vmem>>, %arg2: memref<4096x1xi32, #tpu.memory_space<vmem>>, %arg3: memref<2048x2xf32, #tpu.memory_space<vmem>>, %arg4: memref<32x1xi32, #tpu.memory_space<vmem>>, %arg5: memref<1x1xi32, #tpu.memory_space<vmem>>) attributes {dimension_semantics = [], scalar_prefetch = 0 : i64, scratch_operands = 0 : i64, tpu.core_type = #tpu.core_type<tc>} {
    %get3A = arith.constant 0 : index
    %get3A_0 = arith.constant 0 : index
    %get3A_1 = vector.load %arg0[%get3A, %get3A_0] : memref<2048x1024xf32, #tpu.memory_space<vmem>>, vector<2048x1024xf32>
    %get3A_2 = arith.constant 0 : index
    %get3A_3 = arith.constant 0 : index
    %get3A_4 = vector.load %arg1[%get3A_2, %get3A_3] : memref<1024x16xf32, #tpu.memory_space<vmem>>, vector<1024x16xf32>
    %dot_general3A = arith.constant dense<0.000000e+00> : vector<2048x16xf32>
    %dot_general3A_5 = tpu.matmul %get3A_1, %get3A_4, %dot_general3A {dimension_numbers = #tpu.dot_dimension_numbers<[1], [0], [0], [1], [0, 0, 1, 1], [], []>, transpose_lhs_hint = false} : vector<2048x1024xf32>, vector<1024x16xf32>, vector<2048x16xf32> -> vector<2048x16xf32>
    %reduce_max3A = arith.constant dense<0xFF800000> : vector<2048xf32>
    %reduce_max3A_6 = vector.multi_reduction <maximumf>, %dot_general3A_5, %reduce_max3A [1] : vector<2048x16xf32> to vector<2048xf32>
    %broadcast_in_dim3A = vector.shape_cast %reduce_max3A_6 : vector<2048xf32> to vector<2048x1xf32>
    %sub3A = vector.broadcast %broadcast_in_dim3A : vector<2048x1xf32> to vector<2048x16xf32>
    %sub3A_7 = arith.subf %dot_general3A_5, %sub3A : vector<2048x16xf32>
    %exp3A = math.exp %sub3A_7 : vector<2048x16xf32>
    %reduce_sum3A = arith.constant dense<0.000000e+00> : vector<2048xf32>
    %reduce_sum3A_8 = vector.multi_reduction <add>, %exp3A, %reduce_sum3A [1] : vector<2048x16xf32> to vector<2048xf32>
    %broadcast_in_dim3A_9 = vector.shape_cast %reduce_sum3A_8 : vector<2048xf32> to vector<2048x1xf32>
    %div3A = vector.broadcast %broadcast_in_dim3A_9 : vector<2048x1xf32> to vector<2048x16xf32>
    %div3A_10 = arith.divf %exp3A, %div3A : vector<2048x16xf32>
    %iota3A = tpu.iota {dimensions = array<i32: 1>} : vector<2048x16xi32>
    %reduce_max3A_11 = arith.constant dense<0xFF800000> : vector<2048xf32>
    %reduce_max3A_12 = vector.multi_reduction <maximumf>, %div3A_10, %reduce_max3A_11 [1] : vector<2048x16xf32> to vector<2048xf32>
    %broadcast_in_dim3A_13 = vector.shape_cast %reduce_max3A_12 : vector<2048xf32> to vector<2048x1xf32>
    %eq3A = vector.broadcast %broadcast_in_dim3A_13 : vector<2048x1xf32> to vector<2048x16xf32>
    %eq3A_14 = arith.cmpf oeq, %div3A_10, %eq3A : vector<2048x16xf32>
    %jit3A = arith.constant 16 : i32
    %broadcast_in_dim3A_15 = vector.broadcast %jit3A : i32 to vector<2048x16xi32>
    %select_n3A = arith.select %eq3A_14, %iota3A, %broadcast_in_dim3A_15 : vector<2048x16xi1>, vector<2048x16xi32>
    %reduce_min3A = arith.constant dense<2147483647> : vector<2048xi32>
    %reduce_min3A_16 = vector.multi_reduction <minsi>, %select_n3A, %reduce_min3A [1] : vector<2048x16xi32> to vector<2048xi32>
    %broadcast_in_dim3A_17 = vector.shape_cast %reduce_min3A_16 : vector<2048xi32> to vector<2048x1xi32>
    %eq3A_18 = vector.broadcast %broadcast_in_dim3A_17 : vector<2048x1xi32> to vector<2048x16xi32>
    %eq3A_19 = arith.cmpi eq, %iota3A, %eq3A_18 : vector<2048x16xi32>
    %jit3A_20 = arith.constant -1.000000e+00 : f32
    %broadcast_in_dim3A_21 = vector.broadcast %jit3A_20 : f32 to vector<2048x16xf32>
    %select_n3A_22 = arith.select %eq3A_19, %broadcast_in_dim3A_21, %div3A_10 : vector<2048x16xi1>, vector<2048x16xf32>
    %reduce_max3A_23 = arith.constant dense<0xFF800000> : vector<2048xf32>
    %reduce_max3A_24 = vector.multi_reduction <maximumf>, %select_n3A_22, %reduce_max3A_23 [1] : vector<2048x16xf32> to vector<2048xf32>
    %broadcast_in_dim3A_25 = vector.shape_cast %reduce_max3A_24 : vector<2048xf32> to vector<2048x1xf32>
    %eq3A_26 = vector.broadcast %broadcast_in_dim3A_25 : vector<2048x1xf32> to vector<2048x16xf32>
    %eq3A_27 = arith.cmpf oeq, %select_n3A_22, %eq3A_26 : vector<2048x16xf32>
    %jit3A_28 = arith.constant 16 : i32
    %broadcast_in_dim3A_29 = vector.broadcast %jit3A_28 : i32 to vector<2048x16xi32>
    %select_n3A_30 = arith.select %eq3A_27, %iota3A, %broadcast_in_dim3A_29 : vector<2048x16xi1>, vector<2048x16xi32>
    %reduce_min3A_31 = arith.constant dense<2147483647> : vector<2048xi32>
    %reduce_min3A_32 = vector.multi_reduction <minsi>, %select_n3A_30, %reduce_min3A_31 [1] : vector<2048x16xi32> to vector<2048xi32>
    %broadcast_in_dim3A_33 = vector.shape_cast %reduce_min3A_32 : vector<2048xi32> to vector<2048x1xi32>
    %add3A = arith.addf %broadcast_in_dim3A_13, %broadcast_in_dim3A_25 : vector<2048x1xf32>
    %div3A_34 = arith.divf %broadcast_in_dim3A_13, %add3A : vector<2048x1xf32>
    %div3A_35 = arith.divf %broadcast_in_dim3A_25, %add3A : vector<2048x1xf32>
    %concatenate3A = tpu.concatenate %div3A_34, %div3A_35 in 1 : vector<2048x1xf32>, vector<2048x1xf32> -> vector<2048x2xf32>
    %swap3A = arith.constant 0 : index
    %swap3A_36 = arith.constant 0 : index
    %swap3A_37 = vector.load %arg3[%swap3A, %swap3A_36] : memref<2048x2xf32, #tpu.memory_space<vmem>>, vector<2048x2xf32>
    tpu.vector_store %arg3[%swap3A, %swap3A_36], %concatenate3A {strides = array<i32>} : memref<2048x2xf32, #tpu.memory_space<vmem>>, vector<2048x2xf32>,
    %concatenate3A_38 = tpu.concatenate %broadcast_in_dim3A_17, %broadcast_in_dim3A_33 in 0 : vector<2048x1xi32>, vector<2048x1xi32> -> vector<4096x1xi32>
    %iota3A_39 = tpu.iota {dimensions = array<i32: 1>} : vector<4096x16xi32>
    %eq3A_40 = vector.broadcast %concatenate3A_38 : vector<4096x1xi32> to vector<4096x16xi32>
    %eq3A_41 = arith.cmpi eq, %eq3A_40, %iota3A_39 : vector<4096x16xi32>
    %convert_element_type3A = arith.extui %eq3A_41 : vector<4096x16xi1> to vector<4096x16xi32>
    %convert_element_type3A_42 = arith.sitofp %convert_element_type3A : vector<4096x16xi32> to vector<4096x16xf32>
    %broadcast_in_dim3A_43 = arith.constant 0.000000e+00 : f32
    %broadcast_in_dim3A_44 = vector.broadcast %broadcast_in_dim3A_43 : f32 to vector<1x16xf32>
    %slice3A = vector.extract_strided_slice %convert_element_type3A_42 {offsets = [0, 0], sizes = [4095, 16], strides = [1, 1]} : vector<4096x16xf32> to vector<4095x16xf32>
    %concatenate3A_45 = tpu.concatenate %broadcast_in_dim3A_44, %slice3A in 0 : vector<1x16xf32>, vector<4095x16xf32> -> vector<4096x16xf32>
    %add3A_46 = arith.addf %convert_element_type3A_42, %concatenate3A_45 : vector<4096x16xf32>
    %broadcast_in_dim3A_47 = arith.constant 0.000000e+00 : f32
    %broadcast_in_dim3A_48 = vector.broadcast %broadcast_in_dim3A_47 : f32 to vector<2x16xf32>
    %slice3A_49 = vector.extract_strided_slice %add3A_46 {offsets = [0, 0], sizes = [4094, 16], strides = [1, 1]} : vector<4096x16xf32> to vector<4094x16xf32>
    %concatenate3A_50 = tpu.concatenate %broadcast_in_dim3A_48, %slice3A_49 in 0 : vector<2x16xf32>, vector<4094x16xf32> -> vector<4096x16xf32>
    %add3A_51 = arith.addf %add3A_46, %concatenate3A_50 : vector<4096x16xf32>
    %broadcast_in_dim3A_52 = arith.constant 0.000000e+00 : f32
    %broadcast_in_dim3A_53 = vector.broadcast %broadcast_in_dim3A_52 : f32 to vector<4x16xf32>
    %slice3A_54 = vector.extract_strided_slice %add3A_51 {offsets = [0, 0], sizes = [4092, 16], strides = [1, 1]} : vector<4096x16xf32> to vector<4092x16xf32>
    %concatenate3A_55 = tpu.concatenate %broadcast_in_dim3A_53, %slice3A_54 in 0 : vector<4x16xf32>, vector<4092x16xf32> -> vector<4096x16xf32>
    %add3A_56 = arith.addf %add3A_51, %concatenate3A_55 : vector<4096x16xf32>
    %broadcast_in_dim3A_57 = arith.constant 0.000000e+00 : f32
    %broadcast_in_dim3A_58 = vector.broadcast %broadcast_in_dim3A_57 : f32 to vector<8x16xf32>
    %slice3A_59 = vector.extract_strided_slice %add3A_56 {offsets = [0, 0], sizes = [4088, 16], strides = [1, 1]} : vector<4096x16xf32> to vector<4088x16xf32>
    %concatenate3A_60 = tpu.concatenate %broadcast_in_dim3A_58, %slice3A_59 in 0 : vector<8x16xf32>, vector<4088x16xf32> -> vector<4096x16xf32>
    %add3A_61 = arith.addf %add3A_56, %concatenate3A_60 : vector<4096x16xf32>
    %broadcast_in_dim3A_62 = arith.constant 0.000000e+00 : f32
    %broadcast_in_dim3A_63 = vector.broadcast %broadcast_in_dim3A_62 : f32 to vector<16x16xf32>
    %slice3A_64 = vector.extract_strided_slice %add3A_61 {offsets = [0, 0], sizes = [4080, 16], strides = [1, 1]} : vector<4096x16xf32> to vector<4080x16xf32>
    %concatenate3A_65 = tpu.concatenate %broadcast_in_dim3A_63, %slice3A_64 in 0 : vector<16x16xf32>, vector<4080x16xf32> -> vector<4096x16xf32>
    %add3A_66 = arith.addf %add3A_61, %concatenate3A_65 : vector<4096x16xf32>
    %broadcast_in_dim3A_67 = arith.constant 0.000000e+00 : f32
    %broadcast_in_dim3A_68 = vector.broadcast %broadcast_in_dim3A_67 : f32 to vector<32x16xf32>
    %slice3A_69 = vector.extract_strided_slice %add3A_66 {offsets = [0, 0], sizes = [4064, 16], strides = [1, 1]} : vector<4096x16xf32> to vector<4064x16xf32>
    %concatenate3A_70 = tpu.concatenate %broadcast_in_dim3A_68, %slice3A_69 in 0 : vector<32x16xf32>, vector<4064x16xf32> -> vector<4096x16xf32>
    %add3A_71 = arith.addf %add3A_66, %concatenate3A_70 : vector<4096x16xf32>
    %broadcast_in_dim3A_72 = arith.constant 0.000000e+00 : f32
    %broadcast_in_dim3A_73 = vector.broadcast %broadcast_in_dim3A_72 : f32 to vector<64x16xf32>
    %slice3A_74 = vector.extract_strided_slice %add3A_71 {offsets = [0, 0], sizes = [4032, 16], strides = [1, 1]} : vector<4096x16xf32> to vector<4032x16xf32>
    %concatenate3A_75 = tpu.concatenate %broadcast_in_dim3A_73, %slice3A_74 in 0 : vector<64x16xf32>, vector<4032x16xf32> -> vector<4096x16xf32>
    %add3A_76 = arith.addf %add3A_71, %concatenate3A_75 : vector<4096x16xf32>
    %broadcast_in_dim3A_77 = arith.constant 0.000000e+00 : f32
    %broadcast_in_dim3A_78 = vector.broadcast %broadcast_in_dim3A_77 : f32 to vector<128x16xf32>
    %slice3A_79 = vector.extract_strided_slice %add3A_76 {offsets = [0, 0], sizes = [3968, 16], strides = [1, 1]} : vector<4096x16xf32> to vector<3968x16xf32>
    %concatenate3A_80 = tpu.concatenate %broadcast_in_dim3A_78, %slice3A_79 in 0 : vector<128x16xf32>, vector<3968x16xf32> -> vector<4096x16xf32>
    %add3A_81 = arith.addf %add3A_76, %concatenate3A_80 : vector<4096x16xf32>
    %broadcast_in_dim3A_82 = arith.constant 0.000000e+00 : f32
    %broadcast_in_dim3A_83 = vector.broadcast %broadcast_in_dim3A_82 : f32 to vector<256x16xf32>
    %slice3A_84 = vector.extract_strided_slice %add3A_81 {offsets = [0, 0], sizes = [3840, 16], strides = [1, 1]} : vector<4096x16xf32> to vector<3840x16xf32>
    %concatenate3A_85 = tpu.concatenate %broadcast_in_dim3A_83, %slice3A_84 in 0 : vector<256x16xf32>, vector<3840x16xf32> -> vector<4096x16xf32>
    %add3A_86 = arith.addf %add3A_81, %concatenate3A_85 : vector<4096x16xf32>
    %broadcast_in_dim3A_87 = arith.constant 0.000000e+00 : f32
    %broadcast_in_dim3A_88 = vector.broadcast %broadcast_in_dim3A_87 : f32 to vector<512x16xf32>
    %slice3A_89 = vector.extract_strided_slice %add3A_86 {offsets = [0, 0], sizes = [3584, 16], strides = [1, 1]} : vector<4096x16xf32> to vector<3584x16xf32>
    %concatenate3A_90 = tpu.concatenate %broadcast_in_dim3A_88, %slice3A_89 in 0 : vector<512x16xf32>, vector<3584x16xf32> -> vector<4096x16xf32>
    %add3A_91 = arith.addf %add3A_86, %concatenate3A_90 : vector<4096x16xf32>
    %broadcast_in_dim3A_92 = arith.constant 0.000000e+00 : f32
    %broadcast_in_dim3A_93 = vector.broadcast %broadcast_in_dim3A_92 : f32 to vector<1024x16xf32>
    %slice3A_94 = vector.extract_strided_slice %add3A_91 {offsets = [0, 0], sizes = [3072, 16], strides = [1, 1]} : vector<4096x16xf32> to vector<3072x16xf32>
    %concatenate3A_95 = tpu.concatenate %broadcast_in_dim3A_93, %slice3A_94 in 0 : vector<1024x16xf32>, vector<3072x16xf32> -> vector<4096x16xf32>
    %add3A_96 = arith.addf %add3A_91, %concatenate3A_95 : vector<4096x16xf32>
    %broadcast_in_dim3A_97 = arith.constant 0.000000e+00 : f32
    %broadcast_in_dim3A_98 = vector.broadcast %broadcast_in_dim3A_97 : f32 to vector<2048x16xf32>
    %slice3A_99 = vector.extract_strided_slice %add3A_96 {offsets = [0, 0], sizes = [2048, 16], strides = [1, 1]} : vector<4096x16xf32> to vector<2048x16xf32>
    %concatenate3A_100 = tpu.concatenate %broadcast_in_dim3A_98, %slice3A_99 in 0 : vector<2048x16xf32>, vector<2048x16xf32> -> vector<4096x16xf32>
    %add3A_101 = arith.addf %add3A_96, %concatenate3A_100 : vector<4096x16xf32>
    %slice3A_102 = vector.extract_strided_slice %add3A_101 {offsets = [4095, 0], sizes = [1, 16], strides = [1, 1]} : vector<4096x16xf32> to vector<1x16xf32>
    %add3A_103 = arith.constant 2.550000e+02 : f32
    %add3A_104 = vector.broadcast %add3A_103 : f32 to vector<1x16xf32>
    %add3A_105 = arith.addf %slice3A_102, %add3A_104 : vector<1x16xf32>
    %mul3A = arith.constant 3.906250e-03 : f32
    %mul3A_106 = vector.broadcast %mul3A : f32 to vector<1x16xf32>
    %mul3A_107 = arith.mulf %add3A_105, %mul3A_106 : vector<1x16xf32>
    %floor3A = math.floor %mul3A_107 : vector<1x16xf32>
    %broadcast_in_dim3A_108 = arith.constant 0.000000e+00 : f32
    %broadcast_in_dim3A_109 = vector.broadcast %broadcast_in_dim3A_108 : f32 to vector<1x1xf32>
    %slice3A_110 = vector.extract_strided_slice %floor3A {offsets = [0, 0], sizes = [1, 15], strides = [1, 1]} : vector<1x16xf32> to vector<1x15xf32>
    %concatenate3A_111 = tpu.concatenate %broadcast_in_dim3A_109, %slice3A_110 in 1 : vector<1x1xf32>, vector<1x15xf32> -> vector<1x16xf32>
    %add3A_112 = arith.addf %floor3A, %concatenate3A_111 : vector<1x16xf32>
    %broadcast_in_dim3A_113 = arith.constant 0.000000e+00 : f32
    %broadcast_in_dim3A_114 = vector.broadcast %broadcast_in_dim3A_113 : f32 to vector<1x2xf32>
    %slice3A_115 = vector.extract_strided_slice %add3A_112 {offsets = [0, 0], sizes = [1, 14], strides = [1, 1]} : vector<1x16xf32> to vector<1x14xf32>
    %concatenate3A_116 = tpu.concatenate %broadcast_in_dim3A_114, %slice3A_115 in 1 : vector<1x2xf32>, vector<1x14xf32> -> vector<1x16xf32>
    %add3A_117 = arith.addf %add3A_112, %concatenate3A_116 : vector<1x16xf32>
    %broadcast_in_dim3A_118 = arith.constant 0.000000e+00 : f32
    %broadcast_in_dim3A_119 = vector.broadcast %broadcast_in_dim3A_118 : f32 to vector<1x4xf32>
    %slice3A_120 = vector.extract_strided_slice %add3A_117 {offsets = [0, 0], sizes = [1, 12], strides = [1, 1]} : vector<1x16xf32> to vector<1x12xf32>
    %concatenate3A_121 = tpu.concatenate %broadcast_in_dim3A_119, %slice3A_120 in 1 : vector<1x4xf32>, vector<1x12xf32> -> vector<1x16xf32>
    %add3A_122 = arith.addf %add3A_117, %concatenate3A_121 : vector<1x16xf32>
    %broadcast_in_dim3A_123 = arith.constant 0.000000e+00 : f32
    %broadcast_in_dim3A_124 = vector.broadcast %broadcast_in_dim3A_123 : f32 to vector<1x8xf32>
    %slice3A_125 = vector.extract_strided_slice %add3A_122 {offsets = [0, 0], sizes = [1, 8], strides = [1, 1]} : vector<1x16xf32> to vector<1x8xf32>
    %concatenate3A_126 = tpu.concatenate %broadcast_in_dim3A_124, %slice3A_125 in 1 : vector<1x8xf32>, vector<1x8xf32> -> vector<1x16xf32>
    %add3A_127 = arith.addf %add3A_122, %concatenate3A_126 : vector<1x16xf32>
    %sub3A_128 = arith.subf %add3A_127, %floor3A : vector<1x16xf32>
    %mul3A_129 = arith.constant 2.560000e+02 : f32
    %mul3A_130 = vector.broadcast %mul3A_129 : f32 to vector<1x16xf32>
    %mul3A_131 = arith.mulf %sub3A_128, %mul3A_130 : vector<1x16xf32>
    %add3A_132 = vector.broadcast %mul3A_131 : vector<1x16xf32> to vector<4096x16xf32>
    %add3A_133 = arith.addf %add3A_132, %add3A_101 : vector<4096x16xf32>
    %sub3A_134 = arith.constant 1.000000e+00 : f32
    %sub3A_135 = vector.broadcast %sub3A_134 : f32 to vector<4096x16xf32>
    %sub3A_136 = arith.subf %add3A_133, %sub3A_135 : vector<4096x16xf32>
    %mul3A_137 = arith.mulf %sub3A_136, %convert_element_type3A_42 : vector<4096x16xf32>
    %reduce_sum3A_138 = arith.constant dense<0.000000e+00> : vector<4096xf32>
    %reduce_sum3A_139 = vector.multi_reduction <add>, %mul3A_137, %reduce_sum3A_138 [1] : vector<4096x16xf32> to vector<4096xf32>
    %broadcast_in_dim3A_140 = vector.shape_cast %reduce_sum3A_139 : vector<4096xf32> to vector<4096x1xf32>
    %convert_element_type3A_141 = arith.fptosi %broadcast_in_dim3A_140 : vector<4096x1xf32> to vector<4096x1xi32>
    %swap3A_142 = arith.constant 0 : index
    %swap3A_143 = arith.constant 0 : index
    %swap3A_144 = vector.load %arg2[%swap3A_142, %swap3A_143] : memref<4096x1xi32, #tpu.memory_space<vmem>>, vector<4096x1xi32>
    tpu.vector_store %arg2[%swap3A_142, %swap3A_143], %convert_element_type3A_141 {strides = array<i32>} : memref<4096x1xi32, #tpu.memory_space<vmem>>, vector<4096x1xi32>,
    %iota3A_145 = tpu.iota {dimensions = array<i32: 0>} : vector<32x16xi32>
    %convert_element_type3A_146 = arith.sitofp %iota3A_145 : vector<32x16xi32> to vector<32x16xf32>
    %le3A = vector.broadcast %add3A_127 : vector<1x16xf32> to vector<32x16xf32>
    %le3A_147 = arith.cmpf ole, %le3A, %convert_element_type3A_146 : vector<32x16xf32>
    %convert_element_type3A_148 = arith.extui %le3A_147 : vector<32x16xi1> to vector<32x16xi32>
    %convert_element_type3A_149 = arith.sitofp %convert_element_type3A_148 : vector<32x16xi32> to vector<32x16xf32>
    %reduce_sum3A_150 = arith.constant dense<0.000000e+00> : vector<32xf32>
    %reduce_sum3A_151 = vector.multi_reduction <add>, %convert_element_type3A_149, %reduce_sum3A_150 [1] : vector<32x16xf32> to vector<32xf32>
    %broadcast_in_dim3A_152 = vector.shape_cast %reduce_sum3A_151 : vector<32xf32> to vector<32x1xf32>
    %min3A = arith.constant 1.500000e+01 : f32
    %min3A_153 = vector.broadcast %min3A : f32 to vector<32x1xf32>
    %min3A_154 = arith.minimumf %broadcast_in_dim3A_152, %min3A_153 : vector<32x1xf32>
    %convert_element_type3A_155 = arith.fptosi %min3A_154 : vector<32x1xf32> to vector<32x1xi32>
    %swap3A_156 = arith.constant 0 : index
    %swap3A_157 = arith.constant 0 : index
    %swap3A_158 = vector.load %arg4[%swap3A_156, %swap3A_157] : memref<32x1xi32, #tpu.memory_space<vmem>>, vector<32x1xi32>
    tpu.vector_store %arg4[%swap3A_156, %swap3A_157], %convert_element_type3A_155 {strides = array<i32>} : memref<32x1xi32, #tpu.memory_space<vmem>>, vector<32x1xi32>,
    %slice3A_159 = vector.extract_strided_slice %add3A_127 {offsets = [0, 15], sizes = [1, 1], strides = [1, 1]} : vector<1x16xf32> to vector<1x1xf32>
    %convert_element_type3A_160 = arith.fptosi %slice3A_159 : vector<1x1xf32> to vector<1x1xi32>
    %swap3A_161 = arith.constant 0 : index
    %swap3A_162 = arith.constant 0 : index
    %swap3A_163 = vector.load %arg5[%swap3A_161, %swap3A_162] : memref<1x1xi32, #tpu.memory_space<vmem>>, vector<1x1xi32>
    tpu.vector_store %arg5[%swap3A_161, %swap3A_162], %convert_element_type3A_160 {strides = array<i32>} : memref<1x1xi32, #tpu.memory_space<vmem>>, vector<1x1xi32>,
    return
  }
}

module attributes {stable_mosaic.version = 14 : i64} {
  func.func @_gmm_outer(%arg0: i32, %arg1: memref<32xi32, #tpu.memory_space<smem>>, %arg2: memref<1xi32, #tpu.memory_space<smem>>, %arg3: memref<8192x1024xf32, #tpu.memory_space<hbm>>, %arg4: memref<16x1024x2048xf32, #tpu.memory_space<hbm>>, %arg5: memref<16x1024x2048xf32, #tpu.memory_space<hbm>>, %arg6: memref<16x2048x1024xf32, #tpu.memory_space<hbm>>, %arg7: memref<8192x1024xf32, #tpu.memory_space<hbm>>) attributes {dimension_semantics = [#tpu.dimension_semantics<arbitrary>], iteration_bounds = array<i64: 1>, scalar_prefetch = 2 : i64, scratch_operands = 0 : i64, tpu.core_type = #tpu.core_type<tc>, window_params = [{}, {}, {}, {}, {}]} {
    %get3A = arith.constant 0 : index
    %get3A_0 = memref.load %arg2[%get3A] : memref<1xi32, #tpu.memory_space<smem>>
    %mul3A = arith.constant 1 : i32
    %mul3A_1 = arith.muli %mul3A, %get3A_0 : i32
    "tpu.region"() ({
      %run_scoped3A = memref.alloca() : memref<2x256x1024xf32, #tpu.memory_space<vmem>>
      %run_scoped3A_2 = tpu.sem_alloc : memref<2x!tpu.dma_semaphore, #tpu.memory_space<semaphore_mem>>
      %run_scoped3A_3 = memref.alloca() : memref<2x1x1024x2048xf32, #tpu.memory_space<vmem>>
      %run_scoped3A_4 = tpu.sem_alloc : memref<2x!tpu.dma_semaphore, #tpu.memory_space<semaphore_mem>>
      %run_scoped3A_5 = memref.alloca() : memref<2x1x1024x2048xf32, #tpu.memory_space<vmem>>
      %run_scoped3A_6 = tpu.sem_alloc : memref<2x!tpu.dma_semaphore, #tpu.memory_space<semaphore_mem>>
      %run_scoped3A_7 = memref.alloca() : memref<2x1x2048x1024xf32, #tpu.memory_space<vmem>>
      %run_scoped3A_8 = tpu.sem_alloc : memref<2x!tpu.dma_semaphore, #tpu.memory_space<semaphore_mem>>
      %run_scoped3A_9 = memref.alloca() : memref<2x256x1024xf32, #tpu.memory_space<vmem>>
      %run_scoped3A_10 = tpu.sem_alloc : memref<2x!tpu.dma_semaphore, #tpu.memory_space<semaphore_mem>>
      %gt3A = arith.constant 0 : i32
      %gt3A_11 = arith.cmpi sgt, %mul3A_1, %gt3A : i32
      %convert_element_type3A = arith.extui %gt3A_11 : i1 to i32
      %cond3A = arith.constant 0 : i32
      %cond3A_12 = arith.cmpi ne, %convert_element_type3A, %cond3A : i32
      scf.if %cond3A_12 {
        %mul3A_13 = arith.constant 1 : i32
        %mul3A_14 = arith.muli %mul3A_13, %get3A_0 : i32
        %sub3A = arith.constant 1 : i32
        %sub3A_15 = arith.subi %mul3A_14, %sub3A : i32
        %eq3A = arith.constant 0 : i32
        %eq3A_16 = arith.cmpi eq, %sub3A_15, %eq3A : i32
        %select_n3A = arith.constant true
        %select_n3A_17 = arith.constant 0 : i32
        %select_n3A_18 = arith.constant -1 : i32
        %select_n3A_19 = arith.select %select_n3A, %select_n3A_18, %select_n3A_17 : i32
        %eq3A_20 = arith.constant -1 : i32
        %eq3A_21 = arith.cmpi eq, %select_n3A_19, %eq3A_20 : i32
        %sub3A_22 = arith.constant 1 : i32
        %sub3A_23 = arith.subi %get3A_0, %sub3A_22 : i32
        %select_n3A_24 = arith.select %eq3A_21, %sub3A_23, %select_n3A_19 : i32
        %add3A = arith.constant 0 : i32
        %add3A_25 = arith.addi %select_n3A_24, %add3A : i32
        %select_n3A_26 = arith.constant true
        %select_n3A_27 = arith.constant 0 : i32
        %select_n3A_28 = arith.constant 1 : i32
        %select_n3A_29 = arith.select %select_n3A_26, %select_n3A_28, %select_n3A_27 : i32
        %eq3A_30 = arith.cmpi eq, %select_n3A_29, %get3A_0 : i32
        %select_n3A_31 = arith.constant 0 : i32
        %select_n3A_32 = arith.select %eq3A_30, %select_n3A_31, %select_n3A_29 : i32
        %add3A_33 = arith.constant 0 : i32
        %add3A_34 = arith.addi %select_n3A_32, %add3A_33 : i32
        %add3A_35 = arith.constant 1 : i32
        %add3A_36 = arith.addi %select_n3A_32, %add3A_35 : i32
        %select_n3A_37 = arith.constant true
        %select_n3A_38 = arith.select %select_n3A_37, %add3A_36, %select_n3A_32 : i32
        %eq3A_39 = arith.cmpi eq, %select_n3A_38, %get3A_0 : i32
        %select_n3A_40 = arith.constant 0 : i32
        %select_n3A_41 = arith.select %eq3A_39, %select_n3A_40, %select_n3A_38 : i32
        %add3A_42 = arith.constant 0 : i32
        %add3A_43 = arith.addi %select_n3A_41, %add3A_42 : i32
        "tpu.trace_start"() <{level = 10 : i32, message = "ep_initialize_0"}> : () -> ()
        %rem3A = arith.constant 0 : i32
        %rem3A_44 = arith.constant 2 : i32
        %rem3A_45 = arith.remui %rem3A, %rem3A_44 : i32
        %dma_start3A = tpu.memref_slice %run_scoped3A_2[%rem3A_45] : memref<2x!tpu.dma_semaphore, #tpu.memory_space<semaphore_mem>> -> memref<1x!tpu.dma_semaphore, #tpu.memory_space<semaphore_mem>>
        %dma_start3A_46 = tpu.memref_squeeze %dma_start3A : memref<1x!tpu.dma_semaphore, #tpu.memory_space<semaphore_mem>> -> memref<!tpu.dma_semaphore, #tpu.memory_space<semaphore_mem>>
        %dma_start3A_47 = arith.constant 0 : i32
        %dma_start3A_48 = arith.constant 0 : i32
        %dma_start3A_49 = tpu.memref_slice %run_scoped3A[%rem3A_45, %dma_start3A_47, %dma_start3A_48] : memref<2x256x1024xf32, #tpu.memory_space<vmem>> -> memref<1x256x1024xf32, #tpu.memory_space<vmem>>
        %dma_start3A_50 = tpu.memref_squeeze %dma_start3A_49 : memref<1x256x1024xf32, #tpu.memory_space<vmem>> -> memref<256x1024xf32, #tpu.memory_space<vmem>>
        %dma_start3A_51 = arith.constant 0 : i32
        %dma_start3A_52 = arith.constant 0 : i32
        %dma_start3A_53 = tpu.memref_slice %arg3[%dma_start3A_51, %dma_start3A_52] : memref<8192x1024xf32, #tpu.memory_space<hbm>> -> memref<256x1024xf32, #tpu.memory_space<hbm>>
        tpu.enqueue_dma source(%dma_start3A_53 : memref<256x1024xf32, #tpu.memory_space<hbm>>) target(%dma_start3A_50 : memref<256x1024xf32, #tpu.memory_space<vmem>>) target_semaphore(%dma_start3A_46 : memref<!tpu.dma_semaphore, #tpu.memory_space<semaphore_mem>>)
        %add3A_54 = arith.constant 0 : i32
        %add3A_55 = arith.constant 1 : i32
        %add3A_56 = arith.addi %add3A_54, %add3A_55 : i32
        %select_n3A_57 = arith.constant true
        %select_n3A_58 = arith.constant 0 : i32
        %select_n3A_59 = arith.select %select_n3A_57, %add3A_56, %select_n3A_58 : i32
        %add3A_60 = arith.constant 0 : i32
        %add3A_61 = arith.constant 0 : i32
        %add3A_62 = arith.addi %add3A_60, %add3A_61 : i32
        %rem3A_63 = arith.constant 0 : i32
        %rem3A_64 = arith.constant 2 : i32
        %rem3A_65 = arith.remui %rem3A_63, %rem3A_64 : i32
        %get3A_66 = arith.index_cast %add3A_62 : i32 to index
        %get3A_67 = memref.load %arg1[%get3A_66] : memref<32xi32, #tpu.memory_space<smem>>
        %mul3A_68 = arith.constant 1 : i32
        %mul3A_69 = arith.muli %mul3A_68, %get3A_67 : i32
        %dma_start3A_70 = tpu.memref_slice %run_scoped3A_4[%rem3A_65] : memref<2x!tpu.dma_semaphore, #tpu.memory_space<semaphore_mem>> -> memref<1x!tpu.dma_semaphore, #tpu.memory_space<semaphore_mem>>
        %dma_start3A_71 = tpu.memref_squeeze %dma_start3A_70 : memref<1x!tpu.dma_semaphore, #tpu.memory_space<semaphore_mem>> -> memref<!tpu.dma_semaphore, #tpu.memory_space<semaphore_mem>>
        %dma_start3A_72 = arith.constant 0 : i32
        %dma_start3A_73 = arith.constant 0 : i32
        %dma_start3A_74 = arith.constant 0 : i32
        %dma_start3A_75 = tpu.memref_slice %run_scoped3A_3[%rem3A_65, %dma_start3A_72, %dma_start3A_73, %dma_start3A_74] : memref<2x1x1024x2048xf32, #tpu.memory_space<vmem>> -> memref<1x1x1024x2048xf32, #tpu.memory_space<vmem>>
        %dma_start3A_76 = tpu.memref_squeeze %dma_start3A_75 : memref<1x1x1024x2048xf32, #tpu.memory_space<vmem>> -> memref<1x1024x2048xf32, #tpu.memory_space<vmem>>
        %dma_start3A_77 = arith.constant 0 : i32
        %dma_start3A_78 = arith.constant 0 : i32
        %dma_start3A_79 = tpu.memref_slice %arg4[%mul3A_69, %dma_start3A_77, %dma_start3A_78] : memref<16x1024x2048xf32, #tpu.memory_space<hbm>> -> memref<1x1024x2048xf32, #tpu.memory_space<hbm>>
        tpu.enqueue_dma source(%dma_start3A_79 : memref<1x1024x2048xf32, #tpu.memory_space<hbm>>) target(%dma_start3A_76 : memref<1x1024x2048xf32, #tpu.memory_space<vmem>>) target_semaphore(%dma_start3A_71 : memref<!tpu.dma_semaphore, #tpu.memory_space<semaphore_mem>>)
        %add3A_80 = arith.constant 0 : i32
        %add3A_81 = arith.constant 1 : i32
        %add3A_82 = arith.addi %add3A_80, %add3A_81 : i32
        %select_n3A_83 = arith.constant true
        %select_n3A_84 = arith.constant 0 : i32
        %select_n3A_85 = arith.select %select_n3A_83, %add3A_82, %select_n3A_84 : i32
        %add3A_86 = arith.constant 0 : i32
        %add3A_87 = arith.constant 0 : i32
        %add3A_88 = arith.addi %add3A_86, %add3A_87 : i32
        %rem3A_89 = arith.constant 0 : i32
        %rem3A_90 = arith.constant 2 : i32
        %rem3A_91 = arith.remui %rem3A_89, %rem3A_90 : i32
        %get3A_92 = arith.index_cast %add3A_88 : i32 to index
        %get3A_93 = memref.load %arg1[%get3A_92] : memref<32xi32, #tpu.memory_space<smem>>
        %mul3A_94 = arith.constant 1 : i32
        %mul3A_95 = arith.muli %mul3A_94, %get3A_93 : i32
        %dma_start3A_96 = tpu.memref_slice %run_scoped3A_6[%rem3A_91] : memref<2x!tpu.dma_semaphore, #tpu.memory_space<semaphore_mem>> -> memref<1x!tpu.dma_semaphore, #tpu.memory_space<semaphore_mem>>
        %dma_start3A_97 = tpu.memref_squeeze %dma_start3A_96 : memref<1x!tpu.dma_semaphore, #tpu.memory_space<semaphore_mem>> -> memref<!tpu.dma_semaphore, #tpu.memory_space<semaphore_mem>>
        %dma_start3A_98 = arith.constant 0 : i32
        %dma_start3A_99 = arith.constant 0 : i32
        %dma_start3A_100 = arith.constant 0 : i32
        %dma_start3A_101 = tpu.memref_slice %run_scoped3A_5[%rem3A_91, %dma_start3A_98, %dma_start3A_99, %dma_start3A_100] : memref<2x1x1024x2048xf32, #tpu.memory_space<vmem>> -> memref<1x1x1024x2048xf32, #tpu.memory_space<vmem>>
        %dma_start3A_102 = tpu.memref_squeeze %dma_start3A_101 : memref<1x1x1024x2048xf32, #tpu.memory_space<vmem>> -> memref<1x1024x2048xf32, #tpu.memory_space<vmem>>
        %dma_start3A_103 = arith.constant 0 : i32
        %dma_start3A_104 = arith.constant 0 : i32
        %dma_start3A_105 = tpu.memref_slice %arg5[%mul3A_95, %dma_start3A_103, %dma_start3A_104] : memref<16x1024x2048xf32, #tpu.memory_space<hbm>> -> memref<1x1024x2048xf32, #tpu.memory_space<hbm>>
        tpu.enqueue_dma source(%dma_start3A_105 : memref<1x1024x2048xf32, #tpu.memory_space<hbm>>) target(%dma_start3A_102 : memref<1x1024x2048xf32, #tpu.memory_space<vmem>>) target_semaphore(%dma_start3A_97 : memref<!tpu.dma_semaphore, #tpu.memory_space<semaphore_mem>>)
        %add3A_106 = arith.constant 0 : i32
        %add3A_107 = arith.constant 1 : i32
        %add3A_108 = arith.addi %add3A_106, %add3A_107 : i32
        %select_n3A_109 = arith.constant true
        %select_n3A_110 = arith.constant 0 : i32
        %select_n3A_111 = arith.select %select_n3A_109, %add3A_108, %select_n3A_110 : i32
        %add3A_112 = arith.constant 0 : i32
        %add3A_113 = arith.constant 0 : i32
        %add3A_114 = arith.addi %add3A_112, %add3A_113 : i32
        %rem3A_115 = arith.constant 0 : i32
        %rem3A_116 = arith.constant 2 : i32
        %rem3A_117 = arith.remui %rem3A_115, %rem3A_116 : i32
        %get3A_118 = arith.index_cast %add3A_114 : i32 to index
        %get3A_119 = memref.load %arg1[%get3A_118] : memref<32xi32, #tpu.memory_space<smem>>
        %mul3A_120 = arith.constant 1 : i32
        %mul3A_121 = arith.muli %mul3A_120, %get3A_119 : i32
        %dma_start3A_122 = tpu.memref_slice %run_scoped3A_8[%rem3A_117] : memref<2x!tpu.dma_semaphore, #tpu.memory_space<semaphore_mem>> -> memref<1x!tpu.dma_semaphore, #tpu.memory_space<semaphore_mem>>
        %dma_start3A_123 = tpu.memref_squeeze %dma_start3A_122 : memref<1x!tpu.dma_semaphore, #tpu.memory_space<semaphore_mem>> -> memref<!tpu.dma_semaphore, #tpu.memory_space<semaphore_mem>>
        %dma_start3A_124 = arith.constant 0 : i32
        %dma_start3A_125 = arith.constant 0 : i32
        %dma_start3A_126 = arith.constant 0 : i32
        %dma_start3A_127 = tpu.memref_slice %run_scoped3A_7[%rem3A_117, %dma_start3A_124, %dma_start3A_125, %dma_start3A_126] : memref<2x1x2048x1024xf32, #tpu.memory_space<vmem>> -> memref<1x1x2048x1024xf32, #tpu.memory_space<vmem>>
        %dma_start3A_128 = tpu.memref_squeeze %dma_start3A_127 : memref<1x1x2048x1024xf32, #tpu.memory_space<vmem>> -> memref<1x2048x1024xf32, #tpu.memory_space<vmem>>
        %dma_start3A_129 = arith.constant 0 : i32
        %dma_start3A_130 = arith.constant 0 : i32
        %dma_start3A_131 = tpu.memref_slice %arg6[%mul3A_121, %dma_start3A_129, %dma_start3A_130] : memref<16x2048x1024xf32, #tpu.memory_space<hbm>> -> memref<1x2048x1024xf32, #tpu.memory_space<hbm>>
        tpu.enqueue_dma source(%dma_start3A_131 : memref<1x2048x1024xf32, #tpu.memory_space<hbm>>) target(%dma_start3A_128 : memref<1x2048x1024xf32, #tpu.memory_space<vmem>>) target_semaphore(%dma_start3A_123 : memref<!tpu.dma_semaphore, #tpu.memory_space<semaphore_mem>>)
        %add3A_132 = arith.constant 0 : i32
        %add3A_133 = arith.constant 1 : i32
        %add3A_134 = arith.addi %add3A_132, %add3A_133 : i32
        %select_n3A_135 = arith.constant true
        %select_n3A_136 = arith.constant 0 : i32
        %select_n3A_137 = arith.select %select_n3A_135, %add3A_134, %select_n3A_136 : i32
        %while3A = arith.constant 0 : i32
        %while3A_138 = arith.constant 0 : i32
        %while3A_139 = arith.constant 0 : i32
        %while3A_140 = arith.constant 0 : i32
        %while3A_141 = arith.constant 0 : i32
        %while3A_142 = arith.constant 0 : i32
        %while3A_143 = arith.constant 0 : i32
        %while3A_144 = arith.constant 0 : i32
        %while3A_145 = arith.constant 0 : i32
        %while3A_146 = arith.constant 0 : i32
        %while3A_147 = arith.constant 0 : i32
        "tpu.trace_stop"() : () -> ()
        %while3A_148 = arith.subi %mul3A_1, %while3A : i32
        %while3A_149 = arith.addi %while3A, %while3A_148 : i32
        %while3A_150 = arith.constant 1 : i32
        %while3A_151 = arith.divsi %while3A_148, %while3A_150 : i32
        %while3A_152 = arith.muli %while3A_151, %while3A_150 : i32
        %while3A_153 = arith.addi %while3A, %while3A_152 : i32
        %while3A_154 = arith.constant 1 : i32
        %while3A_155:14 = scf.for %while3A_222 = %while3A to %while3A_153 step %while3A_154 iter_args(%while3A_223 = %select_n3A_59, %while3A_224 = %while3A_138, %while3A_225 = %select_n3A_85, %while3A_226 = %while3A_139, %while3A_227 = %while3A_140, %while3A_228 = %select_n3A_111, %while3A_229 = %while3A_141, %while3A_230 = %while3A_142, %while3A_231 = %select_n3A_137, %while3A_232 = %while3A_143, %while3A_233 = %while3A_144, %while3A_234 = %while3A_145, %while3A_235 = %while3A_146, %while3A_236 = %while3A_147) -> (i32, i32, i32, i32, i32, i32, i32, i32, i32, i32, i32, i32, i32, i32)  : i32 {
          %mul3A_237 = arith.constant 1 : i32
          %mul3A_238 = arith.muli %mul3A_237, %get3A_0 : i32
          %eq3A_239 = arith.constant 0 : i32
          %eq3A_240 = arith.cmpi eq, %while3A_222, %eq3A_239 : i32
          %sub3A_241 = arith.constant 1 : i32
          %sub3A_242 = arith.subi %mul3A_238, %sub3A_241 : i32
          %eq3A_243 = arith.cmpi eq, %while3A_222, %sub3A_242 : i32
          %add3A_244 = arith.constant 0 : i32
          %add3A_245 = arith.addi %while3A_236, %add3A_244 : i32
          %sub3A_246 = arith.constant 1 : i32
          %sub3A_247 = arith.subi %while3A_236, %sub3A_246 : i32
          %select_n3A_248 = arith.constant true
          %select_n3A_249 = arith.select %select_n3A_248, %sub3A_247, %while3A_236 : i32
          %eq3A_250 = arith.constant -1 : i32
          %eq3A_251 = arith.cmpi eq, %select_n3A_249, %eq3A_250 : i32
          %sub3A_252 = arith.constant 1 : i32
          %sub3A_253 = arith.subi %get3A_0, %sub3A_252 : i32
          %select_n3A_254 = arith.select %eq3A_251, %sub3A_253, %select_n3A_249 : i32
          %add3A_255 = arith.constant 0 : i32
          %add3A_256 = arith.addi %select_n3A_254, %add3A_255 : i32
          %add3A_257 = arith.constant 1 : i32
          %add3A_258 = arith.addi %while3A_236, %add3A_257 : i32
          %select_n3A_259 = arith.constant true
          %select_n3A_260 = arith.select %select_n3A_259, %add3A_258, %while3A_236 : i32
          %eq3A_261 = arith.cmpi eq, %select_n3A_260, %get3A_0 : i32
          %select_n3A_262 = arith.constant 0 : i32
          %select_n3A_263 = arith.select %eq3A_261, %select_n3A_262, %select_n3A_260 : i32
          %add3A_264 = arith.constant 0 : i32
          %add3A_265 = arith.addi %select_n3A_263, %add3A_264 : i32
          %add3A_266 = arith.constant 1 : i32
          %add3A_267 = arith.addi %select_n3A_263, %add3A_266 : i32
          %select_n3A_268 = arith.constant true
          %select_n3A_269 = arith.select %select_n3A_268, %add3A_267, %select_n3A_263 : i32
          %eq3A_270 = arith.cmpi eq, %select_n3A_269, %get3A_0 : i32
          %select_n3A_271 = arith.constant 0 : i32
          %select_n3A_272 = arith.select %eq3A_270, %select_n3A_271, %select_n3A_269 : i32
          %add3A_273 = arith.constant 0 : i32
          %add3A_274 = arith.addi %select_n3A_272, %add3A_273 : i32
          %ne3A = arith.cmpi ne, %add3A_245, %add3A_265 : i32
          %or3A = arith.constant false
          %or3A_275 = arith.ori %or3A, %ne3A : i1
          %or3A_276 = arith.constant false
          %or3A_277 = arith.ori %or3A_275, %or3A_276 : i1
          %sub3A_278 = arith.constant 2 : i32
          %sub3A_279 = arith.subi %mul3A_238, %sub3A_278 : i32
          %add3A_280 = arith.constant 1 : i32
          %add3A_281 = arith.addi %sub3A_279, %add3A_280 : i32
          %ge3A = arith.cmpi sge, %while3A_222, %add3A_281 : i32
          %not3A = arith.constant true
          %not3A_282 = arith.xori %ge3A, %not3A : i1
          %and3A = arith.andi %or3A_277, %not3A_282 : i1
          %convert_element_type3A_283 = arith.extui %and3A : i1 to i32
          %cond3A_284 = arith.constant 0 : i32
          %cond3A_285 = arith.cmpi ne, %convert_element_type3A_283, %cond3A_284 : i32
          scf.if %cond3A_285 {
            "tpu.trace_start"() <{level = 10 : i32, message = "ep_copy_in"}> : () -> ()
            %rem3A_739 = arith.constant 2 : i32
            %rem3A_740 = arith.remui %while3A_223, %rem3A_739 : i32
            %mul3A_741 = arith.constant 256 : i32
            %mul3A_742 = arith.muli %mul3A_741, %add3A_265 : i32
            %dma_start3A_743 = tpu.memref_slice %run_scoped3A_2[%rem3A_740] : memref<2x!tpu.dma_semaphore, #tpu.memory_space<semaphore_mem>> -> memref<1x!tpu.dma_semaphore, #tpu.memory_space<semaphore_mem>>
            %dma_start3A_744 = tpu.memref_squeeze %dma_start3A_743 : memref<1x!tpu.dma_semaphore, #tpu.memory_space<semaphore_mem>> -> memref<!tpu.dma_semaphore, #tpu.memory_space<semaphore_mem>>
            %dma_start3A_745 = arith.constant 0 : i32
            %dma_start3A_746 = arith.constant 0 : i32
            %dma_start3A_747 = tpu.memref_slice %run_scoped3A[%rem3A_740, %dma_start3A_745, %dma_start3A_746] : memref<2x256x1024xf32, #tpu.memory_space<vmem>> -> memref<1x256x1024xf32, #tpu.memory_space<vmem>>
            %dma_start3A_748 = tpu.memref_squeeze %dma_start3A_747 : memref<1x256x1024xf32, #tpu.memory_space<vmem>> -> memref<256x1024xf32, #tpu.memory_space<vmem>>
            %dma_start3A_749 = arith.constant 0 : i32
            %dma_start3A_750 = tpu.memref_slice %arg3[%mul3A_742, %dma_start3A_749] : memref<8192x1024xf32, #tpu.memory_space<hbm>> -> memref<256x1024xf32, #tpu.memory_space<hbm>>
            tpu.enqueue_dma source(%dma_start3A_750 : memref<256x1024xf32, #tpu.memory_space<hbm>>) target(%dma_start3A_748 : memref<256x1024xf32, #tpu.memory_space<vmem>>) target_semaphore(%dma_start3A_744 : memref<!tpu.dma_semaphore, #tpu.memory_space<semaphore_mem>>)
            "tpu.trace_stop"() : () -> ()
          } else {
          }
          %and3A_286 = arith.constant true
          %and3A_287 = arith.andi %and3A, %and3A_286 : i1
          %add3A_288 = arith.constant 1 : i32
          %add3A_289 = arith.addi %while3A_223, %add3A_288 : i32
          %select_n3A_290 = arith.select %and3A_287, %add3A_289, %while3A_223 : i32
          %get3A_291 = arith.index_cast %add3A_245 : i32 to index
          %get3A_292 = memref.load %arg1[%get3A_291] : memref<32xi32, #tpu.memory_space<smem>>
          %get3A_293 = arith.index_cast %add3A_265 : i32 to index
          %get3A_294 = memref.load %arg1[%get3A_293] : memref<32xi32, #tpu.memory_space<smem>>
          %ne3A_295 = arith.cmpi ne, %get3A_292, %get3A_294 : i32
          %or3A_296 = arith.constant false
          %or3A_297 = arith.ori %or3A_296, %ne3A_295 : i1
          %or3A_298 = arith.constant false
          %or3A_299 = arith.ori %or3A_297, %or3A_298 : i1
          %or3A_300 = arith.constant false
          %or3A_301 = arith.ori %or3A_299, %or3A_300 : i1
          %sub3A_302 = arith.constant 2 : i32
          %sub3A_303 = arith.subi %mul3A_238, %sub3A_302 : i32
          %add3A_304 = arith.constant 1 : i32
          %add3A_305 = arith.addi %sub3A_303, %add3A_304 : i32
          %ge3A_306 = arith.cmpi sge, %while3A_222, %add3A_305 : i32
          %not3A_307 = arith.constant true
          %not3A_308 = arith.xori %ge3A_306, %not3A_307 : i1
          %and3A_309 = arith.andi %or3A_301, %not3A_308 : i1
          %add3A_310 = arith.constant 2 : i32
          %add3A_311 = arith.addi %while3A_226, %add3A_310 : i32
          %add3A_312 = arith.constant 1 : i32
          %add3A_313 = arith.addi %while3A_227, %add3A_312 : i32
          %select_n3A_314 = arith.constant true
          %select_n3A_315 = arith.select %select_n3A_314, %add3A_313, %while3A_227 : i32
          %select_n3A_316 = arith.constant false
          %select_n3A_317 = arith.constant 0 : i32
          %select_n3A_318 = arith.select %select_n3A_316, %select_n3A_317, %select_n3A_315 : i32
          %while3A_319:3 = scf.while (%while3A_739 = %while3A_227, %while3A_740 = %select_n3A_318, %while3A_741 = %while3A_225) : (i32, i32, i32) -> (i32, i32, i32) {
            %lt3A = arith.cmpi ult, %while3A_741, %add3A_311 : i32
            %lt3A_742 = arith.cmpi slt, %while3A_740, %get3A_0 : i32
            %and3A_743 = arith.constant true
            %and3A_744 = arith.andi %and3A_743, %lt3A_742 : i1
            %and3A_745 = arith.constant true
            %and3A_746 = arith.andi %and3A_745, %lt3A : i1
            %and3A_747 = arith.andi %and3A_746, %and3A_744 : i1
            scf.condition(%and3A_747) %while3A_739, %while3A_740, %while3A_741 : i32, i32, i32
          } do {
          ^bb0(%while3A_739: i32, %while3A_740: i32, %while3A_741: i32):
            %add3A_742 = arith.constant 0 : i32
            %add3A_743 = arith.addi %while3A_739, %add3A_742 : i32
            %add3A_744 = arith.constant 0 : i32
            %add3A_745 = arith.addi %while3A_740, %add3A_744 : i32
            %get3A_746 = arith.index_cast %add3A_743 : i32 to index
            %get3A_747 = memref.load %arg1[%get3A_746] : memref<32xi32, #tpu.memory_space<smem>>
            %get3A_748 = arith.index_cast %add3A_745 : i32 to index
            %get3A_749 = memref.load %arg1[%get3A_748] : memref<32xi32, #tpu.memory_space<smem>>
            %ne3A_750 = arith.cmpi ne, %get3A_747, %get3A_749 : i32
            %or3A_751 = arith.constant false
            %or3A_752 = arith.ori %or3A_751, %ne3A_750 : i1
            %or3A_753 = arith.constant false
            %or3A_754 = arith.ori %or3A_752, %or3A_753 : i1
            %or3A_755 = arith.constant false
            %or3A_756 = arith.ori %or3A_754, %or3A_755 : i1
            %convert_element_type3A_757 = arith.extui %or3A_756 : i1 to i32
            %cond3A_758 = arith.constant 0 : i32
            %cond3A_759 = arith.cmpi ne, %convert_element_type3A_757, %cond3A_758 : i32
            scf.if %cond3A_759 {
              %rem3A_769 = arith.constant 2 : i32
              %rem3A_770 = arith.remui %while3A_741, %rem3A_769 : i32
              %get3A_771 = arith.index_cast %add3A_745 : i32 to index
              %get3A_772 = memref.load %arg1[%get3A_771] : memref<32xi32, #tpu.memory_space<smem>>
              %mul3A_773 = arith.constant 1 : i32
              %mul3A_774 = arith.muli %mul3A_773, %get3A_772 : i32
              %dma_start3A_775 = tpu.memref_slice %run_scoped3A_4[%rem3A_770] : memref<2x!tpu.dma_semaphore, #tpu.memory_space<semaphore_mem>> -> memref<1x!tpu.dma_semaphore, #tpu.memory_space<semaphore_mem>>
              %dma_start3A_776 = tpu.memref_squeeze %dma_start3A_775 : memref<1x!tpu.dma_semaphore, #tpu.memory_space<semaphore_mem>> -> memref<!tpu.dma_semaphore, #tpu.memory_space<semaphore_mem>>
              %dma_start3A_777 = arith.constant 0 : i32
              %dma_start3A_778 = arith.constant 0 : i32
              %dma_start3A_779 = arith.constant 0 : i32
              %dma_start3A_780 = tpu.memref_slice %run_scoped3A_3[%rem3A_770, %dma_start3A_777, %dma_start3A_778, %dma_start3A_779] : memref<2x1x1024x2048xf32, #tpu.memory_space<vmem>> -> memref<1x1x1024x2048xf32, #tpu.memory_space<vmem>>
              %dma_start3A_781 = tpu.memref_squeeze %dma_start3A_780 : memref<1x1x1024x2048xf32, #tpu.memory_space<vmem>> -> memref<1x1024x2048xf32, #tpu.memory_space<vmem>>
              %dma_start3A_782 = arith.constant 0 : i32
              %dma_start3A_783 = arith.constant 0 : i32
              %dma_start3A_784 = tpu.memref_slice %arg4[%mul3A_774, %dma_start3A_782, %dma_start3A_783] : memref<16x1024x2048xf32, #tpu.memory_space<hbm>> -> memref<1x1024x2048xf32, #tpu.memory_space<hbm>>
              tpu.enqueue_dma source(%dma_start3A_784 : memref<1x1024x2048xf32, #tpu.memory_space<hbm>>) target(%dma_start3A_781 : memref<1x1024x2048xf32, #tpu.memory_space<vmem>>) target_semaphore(%dma_start3A_776 : memref<!tpu.dma_semaphore, #tpu.memory_space<semaphore_mem>>)
            } else {
            }
            %convert_element_type3A_760 = arith.extui %or3A_756 : i1 to i32
            %add3A_761 = arith.addi %while3A_741, %convert_element_type3A_760 : i32
            %add3A_762 = arith.constant 1 : i32
            %add3A_763 = arith.addi %while3A_740, %add3A_762 : i32
            %select_n3A_764 = arith.constant true
            %select_n3A_765 = arith.select %select_n3A_764, %add3A_763, %while3A_740 : i32
            %select_n3A_766 = arith.constant false
            %select_n3A_767 = arith.constant 0 : i32
            %select_n3A_768 = arith.select %select_n3A_766, %select_n3A_767, %select_n3A_765 : i32
            scf.yield %while3A_740, %select_n3A_768, %add3A_761 : i32, i32, i32
          }
          %get3A_320 = arith.index_cast %add3A_245 : i32 to index
          %get3A_321 = memref.load %arg1[%get3A_320] : memref<32xi32, #tpu.memory_space<smem>>
          %get3A_322 = arith.index_cast %add3A_265 : i32 to index
          %get3A_323 = memref.load %arg1[%get3A_322] : memref<32xi32, #tpu.memory_space<smem>>
          %ne3A_324 = arith.cmpi ne, %get3A_321, %get3A_323 : i32
          %or3A_325 = arith.constant false
          %or3A_326 = arith.ori %or3A_325, %ne3A_324 : i1
          %or3A_327 = arith.constant false
          %or3A_328 = arith.ori %or3A_326, %or3A_327 : i1
          %or3A_329 = arith.constant false
          %or3A_330 = arith.ori %or3A_328, %or3A_329 : i1
          %sub3A_331 = arith.constant 2 : i32
          %sub3A_332 = arith.subi %mul3A_238, %sub3A_331 : i32
          %add3A_333 = arith.constant 1 : i32
          %add3A_334 = arith.addi %sub3A_332, %add3A_333 : i32
          %ge3A_335 = arith.cmpi sge, %while3A_222, %add3A_334 : i32
          %not3A_336 = arith.constant true
          %not3A_337 = arith.xori %ge3A_335, %not3A_336 : i1
          %and3A_338 = arith.andi %or3A_330, %not3A_337 : i1
          %add3A_339 = arith.constant 2 : i32
          %add3A_340 = arith.addi %while3A_229, %add3A_339 : i32
          %add3A_341 = arith.constant 1 : i32
          %add3A_342 = arith.addi %while3A_230, %add3A_341 : i32
          %select_n3A_343 = arith.constant true
          %select_n3A_344 = arith.select %select_n3A_343, %add3A_342, %while3A_230 : i32
          %select_n3A_345 = arith.constant false
          %select_n3A_346 = arith.constant 0 : i32
          %select_n3A_347 = arith.select %select_n3A_345, %select_n3A_346, %select_n3A_344 : i32
          %while3A_348:3 = scf.while (%while3A_739 = %while3A_230, %while3A_740 = %select_n3A_347, %while3A_741 = %while3A_228) : (i32, i32, i32) -> (i32, i32, i32) {
            %lt3A = arith.cmpi ult, %while3A_741, %add3A_340 : i32
            %lt3A_742 = arith.cmpi slt, %while3A_740, %get3A_0 : i32
            %and3A_743 = arith.constant true
            %and3A_744 = arith.andi %and3A_743, %lt3A_742 : i1
            %and3A_745 = arith.constant true
            %and3A_746 = arith.andi %and3A_745, %lt3A : i1
            %and3A_747 = arith.andi %and3A_746, %and3A_744 : i1
            scf.condition(%and3A_747) %while3A_739, %while3A_740, %while3A_741 : i32, i32, i32
          } do {
          ^bb0(%while3A_739: i32, %while3A_740: i32, %while3A_741: i32):
            %add3A_742 = arith.constant 0 : i32
            %add3A_743 = arith.addi %while3A_739, %add3A_742 : i32
            %add3A_744 = arith.constant 0 : i32
            %add3A_745 = arith.addi %while3A_740, %add3A_744 : i32
            %get3A_746 = arith.index_cast %add3A_743 : i32 to index
            %get3A_747 = memref.load %arg1[%get3A_746] : memref<32xi32, #tpu.memory_space<smem>>
            %get3A_748 = arith.index_cast %add3A_745 : i32 to index
            %get3A_749 = memref.load %arg1[%get3A_748] : memref<32xi32, #tpu.memory_space<smem>>
            %ne3A_750 = arith.cmpi ne, %get3A_747, %get3A_749 : i32
            %or3A_751 = arith.constant false
            %or3A_752 = arith.ori %or3A_751, %ne3A_750 : i1
            %or3A_753 = arith.constant false
            %or3A_754 = arith.ori %or3A_752, %or3A_753 : i1
            %or3A_755 = arith.constant false
            %or3A_756 = arith.ori %or3A_754, %or3A_755 : i1
            %convert_element_type3A_757 = arith.extui %or3A_756 : i1 to i32
            %cond3A_758 = arith.constant 0 : i32
            %cond3A_759 = arith.cmpi ne, %convert_element_type3A_757, %cond3A_758 : i32
            scf.if %cond3A_759 {
              %rem3A_769 = arith.constant 2 : i32
              %rem3A_770 = arith.remui %while3A_741, %rem3A_769 : i32
              %get3A_771 = arith.index_cast %add3A_745 : i32 to index
              %get3A_772 = memref.load %arg1[%get3A_771] : memref<32xi32, #tpu.memory_space<smem>>
              %mul3A_773 = arith.constant 1 : i32
              %mul3A_774 = arith.muli %mul3A_773, %get3A_772 : i32
              %dma_start3A_775 = tpu.memref_slice %run_scoped3A_6[%rem3A_770] : memref<2x!tpu.dma_semaphore, #tpu.memory_space<semaphore_mem>> -> memref<1x!tpu.dma_semaphore, #tpu.memory_space<semaphore_mem>>
              %dma_start3A_776 = tpu.memref_squeeze %dma_start3A_775 : memref<1x!tpu.dma_semaphore, #tpu.memory_space<semaphore_mem>> -> memref<!tpu.dma_semaphore, #tpu.memory_space<semaphore_mem>>
              %dma_start3A_777 = arith.constant 0 : i32
              %dma_start3A_778 = arith.constant 0 : i32
              %dma_start3A_779 = arith.constant 0 : i32
              %dma_start3A_780 = tpu.memref_slice %run_scoped3A_5[%rem3A_770, %dma_start3A_777, %dma_start3A_778, %dma_start3A_779] : memref<2x1x1024x2048xf32, #tpu.memory_space<vmem>> -> memref<1x1x1024x2048xf32, #tpu.memory_space<vmem>>
              %dma_start3A_781 = tpu.memref_squeeze %dma_start3A_780 : memref<1x1x1024x2048xf32, #tpu.memory_space<vmem>> -> memref<1x1024x2048xf32, #tpu.memory_space<vmem>>
              %dma_start3A_782 = arith.constant 0 : i32
              %dma_start3A_783 = arith.constant 0 : i32
              %dma_start3A_784 = tpu.memref_slice %arg5[%mul3A_774, %dma_start3A_782, %dma_start3A_783] : memref<16x1024x2048xf32, #tpu.memory_space<hbm>> -> memref<1x1024x2048xf32, #tpu.memory_space<hbm>>
              tpu.enqueue_dma source(%dma_start3A_784 : memref<1x1024x2048xf32, #tpu.memory_space<hbm>>) target(%dma_start3A_781 : memref<1x1024x2048xf32, #tpu.memory_space<vmem>>) target_semaphore(%dma_start3A_776 : memref<!tpu.dma_semaphore, #tpu.memory_space<semaphore_mem>>)
            } else {
            }
            %convert_element_type3A_760 = arith.extui %or3A_756 : i1 to i32
            %add3A_761 = arith.addi %while3A_741, %convert_element_type3A_760 : i32
            %add3A_762 = arith.constant 1 : i32
            %add3A_763 = arith.addi %while3A_740, %add3A_762 : i32
            %select_n3A_764 = arith.constant true
            %select_n3A_765 = arith.select %select_n3A_764, %add3A_763, %while3A_740 : i32
            %select_n3A_766 = arith.constant false
            %select_n3A_767 = arith.constant 0 : i32
            %select_n3A_768 = arith.select %select_n3A_766, %select_n3A_767, %select_n3A_765 : i32
            scf.yield %while3A_740, %select_n3A_768, %add3A_761 : i32, i32, i32
          }
          %get3A_349 = arith.index_cast %add3A_245 : i32 to index
          %get3A_350 = memref.load %arg1[%get3A_349] : memref<32xi32, #tpu.memory_space<smem>>
          %get3A_351 = arith.index_cast %add3A_265 : i32 to index
          %get3A_352 = memref.load %arg1[%get3A_351] : memref<32xi32, #tpu.memory_space<smem>>
          %ne3A_353 = arith.cmpi ne, %get3A_350, %get3A_352 : i32
          %or3A_354 = arith.constant false
          %or3A_355 = arith.ori %or3A_354, %ne3A_353 : i1
          %or3A_356 = arith.constant false
          %or3A_357 = arith.ori %or3A_355, %or3A_356 : i1
          %or3A_358 = arith.constant false
          %or3A_359 = arith.ori %or3A_357, %or3A_358 : i1
          %sub3A_360 = arith.constant 2 : i32
          %sub3A_361 = arith.subi %mul3A_238, %sub3A_360 : i32
          %add3A_362 = arith.constant 1 : i32
          %add3A_363 = arith.addi %sub3A_361, %add3A_362 : i32
          %ge3A_364 = arith.cmpi sge, %while3A_222, %add3A_363 : i32
          %not3A_365 = arith.constant true
          %not3A_366 = arith.xori %ge3A_364, %not3A_365 : i1
          %and3A_367 = arith.andi %or3A_359, %not3A_366 : i1
          %add3A_368 = arith.constant 2 : i32
          %add3A_369 = arith.addi %while3A_232, %add3A_368 : i32
          %add3A_370 = arith.constant 1 : i32
          %add3A_371 = arith.addi %while3A_233, %add3A_370 : i32
          %select_n3A_372 = arith.constant true
          %select_n3A_373 = arith.select %select_n3A_372, %add3A_371, %while3A_233 : i32
          %select_n3A_374 = arith.constant false
          %select_n3A_375 = arith.constant 0 : i32
          %select_n3A_376 = arith.select %select_n3A_374, %select_n3A_375, %select_n3A_373 : i32
          %while3A_377:3 = scf.while (%while3A_739 = %while3A_233, %while3A_740 = %select_n3A_376, %while3A_741 = %while3A_231) : (i32, i32, i32) -> (i32, i32, i32) {
            %lt3A = arith.cmpi ult, %while3A_741, %add3A_369 : i32
            %lt3A_742 = arith.cmpi slt, %while3A_740, %get3A_0 : i32
            %and3A_743 = arith.constant true
            %and3A_744 = arith.andi %and3A_743, %lt3A_742 : i1
            %and3A_745 = arith.constant true
            %and3A_746 = arith.andi %and3A_745, %lt3A : i1
            %and3A_747 = arith.andi %and3A_746, %and3A_744 : i1
            scf.condition(%and3A_747) %while3A_739, %while3A_740, %while3A_741 : i32, i32, i32
          } do {
          ^bb0(%while3A_739: i32, %while3A_740: i32, %while3A_741: i32):
            %add3A_742 = arith.constant 0 : i32
            %add3A_743 = arith.addi %while3A_739, %add3A_742 : i32
            %add3A_744 = arith.constant 0 : i32
            %add3A_745 = arith.addi %while3A_740, %add3A_744 : i32
            %get3A_746 = arith.index_cast %add3A_743 : i32 to index
            %get3A_747 = memref.load %arg1[%get3A_746] : memref<32xi32, #tpu.memory_space<smem>>
            %get3A_748 = arith.index_cast %add3A_745 : i32 to index
            %get3A_749 = memref.load %arg1[%get3A_748] : memref<32xi32, #tpu.memory_space<smem>>
            %ne3A_750 = arith.cmpi ne, %get3A_747, %get3A_749 : i32
            %or3A_751 = arith.constant false
            %or3A_752 = arith.ori %or3A_751, %ne3A_750 : i1
            %or3A_753 = arith.constant false
            %or3A_754 = arith.ori %or3A_752, %or3A_753 : i1
            %or3A_755 = arith.constant false
            %or3A_756 = arith.ori %or3A_754, %or3A_755 : i1
            %convert_element_type3A_757 = arith.extui %or3A_756 : i1 to i32
            %cond3A_758 = arith.constant 0 : i32
            %cond3A_759 = arith.cmpi ne, %convert_element_type3A_757, %cond3A_758 : i32
            scf.if %cond3A_759 {
              %rem3A_769 = arith.constant 2 : i32
              %rem3A_770 = arith.remui %while3A_741, %rem3A_769 : i32
              %get3A_771 = arith.index_cast %add3A_745 : i32 to index
              %get3A_772 = memref.load %arg1[%get3A_771] : memref<32xi32, #tpu.memory_space<smem>>
              %mul3A_773 = arith.constant 1 : i32
              %mul3A_774 = arith.muli %mul3A_773, %get3A_772 : i32
              %dma_start3A_775 = tpu.memref_slice %run_scoped3A_8[%rem3A_770] : memref<2x!tpu.dma_semaphore, #tpu.memory_space<semaphore_mem>> -> memref<1x!tpu.dma_semaphore, #tpu.memory_space<semaphore_mem>>
              %dma_start3A_776 = tpu.memref_squeeze %dma_start3A_775 : memref<1x!tpu.dma_semaphore, #tpu.memory_space<semaphore_mem>> -> memref<!tpu.dma_semaphore, #tpu.memory_space<semaphore_mem>>
              %dma_start3A_777 = arith.constant 0 : i32
              %dma_start3A_778 = arith.constant 0 : i32
              %dma_start3A_779 = arith.constant 0 : i32
              %dma_start3A_780 = tpu.memref_slice %run_scoped3A_7[%rem3A_770, %dma_start3A_777, %dma_start3A_778, %dma_start3A_779] : memref<2x1x2048x1024xf32, #tpu.memory_space<vmem>> -> memref<1x1x2048x1024xf32, #tpu.memory_space<vmem>>
              %dma_start3A_781 = tpu.memref_squeeze %dma_start3A_780 : memref<1x1x2048x1024xf32, #tpu.memory_space<vmem>> -> memref<1x2048x1024xf32, #tpu.memory_space<vmem>>
              %dma_start3A_782 = arith.constant 0 : i32
              %dma_start3A_783 = arith.constant 0 : i32
              %dma_start3A_784 = tpu.memref_slice %arg6[%mul3A_774, %dma_start3A_782, %dma_start3A_783] : memref<16x2048x1024xf32, #tpu.memory_space<hbm>> -> memref<1x2048x1024xf32, #tpu.memory_space<hbm>>
              tpu.enqueue_dma source(%dma_start3A_784 : memref<1x2048x1024xf32, #tpu.memory_space<hbm>>) target(%dma_start3A_781 : memref<1x2048x1024xf32, #tpu.memory_space<vmem>>) target_semaphore(%dma_start3A_776 : memref<!tpu.dma_semaphore, #tpu.memory_space<semaphore_mem>>)
            } else {
            }
            %convert_element_type3A_760 = arith.extui %or3A_756 : i1 to i32
            %add3A_761 = arith.addi %while3A_741, %convert_element_type3A_760 : i32
            %add3A_762 = arith.constant 1 : i32
            %add3A_763 = arith.addi %while3A_740, %add3A_762 : i32
            %select_n3A_764 = arith.constant true
            %select_n3A_765 = arith.select %select_n3A_764, %add3A_763, %while3A_740 : i32
            %select_n3A_766 = arith.constant false
            %select_n3A_767 = arith.constant 0 : i32
            %select_n3A_768 = arith.select %select_n3A_766, %select_n3A_767, %select_n3A_765 : i32
            scf.yield %while3A_740, %select_n3A_768, %add3A_761 : i32, i32, i32
          }
          %ne3A_378 = arith.cmpi ne, %add3A_245, %add3A_265 : i32
          %or3A_379 = arith.constant false
          %or3A_380 = arith.ori %or3A_379, %ne3A_378 : i1
          %or3A_381 = arith.constant false
          %or3A_382 = arith.ori %or3A_380, %or3A_381 : i1
          %sub3A_383 = arith.constant 2 : i32
          %sub3A_384 = arith.subi %mul3A_238, %sub3A_383 : i32
          %add3A_385 = arith.constant 1 : i32
          %add3A_386 = arith.addi %sub3A_384, %add3A_385 : i32
          %ge3A_387 = arith.cmpi sge, %while3A_222, %add3A_386 : i32
          %not3A_388 = arith.constant true
          %not3A_389 = arith.xori %ge3A_387, %not3A_388 : i1
          %and3A_390 = arith.andi %or3A_382, %not3A_389 : i1
          %ne3A_391 = arith.cmpi ne, %add3A_245, %add3A_256 : i32
          %or3A_392 = arith.constant false
          %or3A_393 = arith.ori %or3A_392, %ne3A_391 : i1
          %or3A_394 = arith.constant false
          %or3A_395 = arith.ori %or3A_393, %or3A_394 : i1
          %or3A_396 = arith.ori %or3A_395, %eq3A_240 : i1
          %convert_element_type3A_397 = arith.extui %or3A_396 : i1 to i32
          %cond3A_398 = arith.constant 0 : i32
          %cond3A_399 = arith.cmpi ne, %convert_element_type3A_397, %cond3A_398 : i32
          scf.if %cond3A_399 {
            "tpu.trace_start"() <{level = 10 : i32, message = "ep_wait_in"}> : () -> ()
            %mul3A_739 = arith.constant 256 : i32
            %mul3A_740 = arith.muli %mul3A_739, %add3A_245 : i32
            %rem3A_741 = arith.constant 2 : i32
            %rem3A_742 = arith.remui %while3A_224, %rem3A_741 : i32
            %dma_wait3A = tpu.memref_slice %run_scoped3A_2[%rem3A_742] : memref<2x!tpu.dma_semaphore, #tpu.memory_space<semaphore_mem>> -> memref<1x!tpu.dma_semaphore, #tpu.memory_space<semaphore_mem>>
            %dma_wait3A_743 = tpu.memref_squeeze %dma_wait3A : memref<1x!tpu.dma_semaphore, #tpu.memory_space<semaphore_mem>> -> memref<!tpu.dma_semaphore, #tpu.memory_space<semaphore_mem>>
            %dma_wait3A_744 = arith.constant 0 : i32
            %dma_wait3A_745 = arith.constant 0 : i32
            %dma_wait3A_746 = tpu.memref_slice %run_scoped3A[%rem3A_742, %dma_wait3A_744, %dma_wait3A_745] : memref<2x256x1024xf32, #tpu.memory_space<vmem>> -> memref<1x256x1024xf32, #tpu.memory_space<vmem>>
            %dma_wait3A_747 = tpu.memref_squeeze %dma_wait3A_746 : memref<1x256x1024xf32, #tpu.memory_space<vmem>> -> memref<256x1024xf32, #tpu.memory_space<vmem>>
            %dma_wait3A_748 = arith.constant 0 : i32
            %dma_wait3A_749 = tpu.memref_slice %arg3[%mul3A_740, %dma_wait3A_748] : memref<8192x1024xf32, #tpu.memory_space<hbm>> -> memref<256x1024xf32, #tpu.memory_space<hbm>>
            tpu.wait_dma2 semaphore(%dma_wait3A_743 : memref<!tpu.dma_semaphore, #tpu.memory_space<semaphore_mem>>) src(%dma_wait3A_749 : memref<256x1024xf32, #tpu.memory_space<hbm>>) dst(%dma_wait3A_747 : memref<256x1024xf32, #tpu.memory_space<vmem>>)
            "tpu.trace_stop"() : () -> ()
          } else {
          }
          %get3A_400 = arith.index_cast %add3A_245 : i32 to index
          %get3A_401 = memref.load %arg1[%get3A_400] : memref<32xi32, #tpu.memory_space<smem>>
          %get3A_402 = arith.index_cast %add3A_256 : i32 to index
          %get3A_403 = memref.load %arg1[%get3A_402] : memref<32xi32, #tpu.memory_space<smem>>
          %ne3A_404 = arith.cmpi ne, %get3A_401, %get3A_403 : i32
          %or3A_405 = arith.constant false
          %or3A_406 = arith.ori %or3A_405, %ne3A_404 : i1
          %or3A_407 = arith.constant false
          %or3A_408 = arith.ori %or3A_406, %or3A_407 : i1
          %or3A_409 = arith.constant false
          %or3A_410 = arith.ori %or3A_408, %or3A_409 : i1
          %or3A_411 = arith.ori %or3A_410, %eq3A_240 : i1
          %convert_element_type3A_412 = arith.extui %or3A_411 : i1 to i32
          %cond3A_413 = arith.constant 0 : i32
          %cond3A_414 = arith.cmpi ne, %convert_element_type3A_412, %cond3A_413 : i32
          scf.if %cond3A_414 {
            "tpu.trace_start"() <{level = 10 : i32, message = "ep_wait_in"}> : () -> ()
            %get3A_739 = arith.index_cast %add3A_245 : i32 to index
            %get3A_740 = memref.load %arg1[%get3A_739] : memref<32xi32, #tpu.memory_space<smem>>
            %mul3A_741 = arith.constant 1 : i32
            %mul3A_742 = arith.muli %mul3A_741, %get3A_740 : i32
            %rem3A_743 = arith.constant 2 : i32
            %rem3A_744 = arith.remui %while3A_226, %rem3A_743 : i32
            %dma_wait3A = tpu.memref_slice %run_scoped3A_4[%rem3A_744] : memref<2x!tpu.dma_semaphore, #tpu.memory_space<semaphore_mem>> -> memref<1x!tpu.dma_semaphore, #tpu.memory_space<semaphore_mem>>
            %dma_wait3A_745 = tpu.memref_squeeze %dma_wait3A : memref<1x!tpu.dma_semaphore, #tpu.memory_space<semaphore_mem>> -> memref<!tpu.dma_semaphore, #tpu.memory_space<semaphore_mem>>
            %dma_wait3A_746 = arith.constant 0 : i32
            %dma_wait3A_747 = arith.constant 0 : i32
            %dma_wait3A_748 = arith.constant 0 : i32
            %dma_wait3A_749 = tpu.memref_slice %run_scoped3A_3[%rem3A_744, %dma_wait3A_746, %dma_wait3A_747, %dma_wait3A_748] : memref<2x1x1024x2048xf32, #tpu.memory_space<vmem>> -> memref<1x1x1024x2048xf32, #tpu.memory_space<vmem>>
            %dma_wait3A_750 = tpu.memref_squeeze %dma_wait3A_749 : memref<1x1x1024x2048xf32, #tpu.memory_space<vmem>> -> memref<1x1024x2048xf32, #tpu.memory_space<vmem>>
            %dma_wait3A_751 = arith.constant 0 : i32
            %dma_wait3A_752 = arith.constant 0 : i32
            %dma_wait3A_753 = tpu.memref_slice %arg4[%mul3A_742, %dma_wait3A_751, %dma_wait3A_752] : memref<16x1024x2048xf32, #tpu.memory_space<hbm>> -> memref<1x1024x2048xf32, #tpu.memory_space<hbm>>
            tpu.wait_dma2 semaphore(%dma_wait3A_745 : memref<!tpu.dma_semaphore, #tpu.memory_space<semaphore_mem>>) src(%dma_wait3A_753 : memref<1x1024x2048xf32, #tpu.memory_space<hbm>>) dst(%dma_wait3A_750 : memref<1x1024x2048xf32, #tpu.memory_space<vmem>>)
            "tpu.trace_stop"() : () -> ()
          } else {
          }
          %get3A_415 = arith.index_cast %add3A_245 : i32 to index
          %get3A_416 = memref.load %arg1[%get3A_415] : memref<32xi32, #tpu.memory_space<smem>>
          %get3A_417 = arith.index_cast %add3A_256 : i32 to index
          %get3A_418 = memref.load %arg1[%get3A_417] : memref<32xi32, #tpu.memory_space<smem>>
          %ne3A_419 = arith.cmpi ne, %get3A_416, %get3A_418 : i32
          %or3A_420 = arith.constant false
          %or3A_421 = arith.ori %or3A_420, %ne3A_419 : i1
          %or3A_422 = arith.constant false
          %or3A_423 = arith.ori %or3A_421, %or3A_422 : i1
          %or3A_424 = arith.constant false
          %or3A_425 = arith.ori %or3A_423, %or3A_424 : i1
          %or3A_426 = arith.ori %or3A_425, %eq3A_240 : i1
          %convert_element_type3A_427 = arith.extui %or3A_426 : i1 to i32
          %cond3A_428 = arith.constant 0 : i32
          %cond3A_429 = arith.cmpi ne, %convert_element_type3A_427, %cond3A_428 : i32
          scf.if %cond3A_429 {
            "tpu.trace_start"() <{level = 10 : i32, message = "ep_wait_in"}> : () -> ()
            %get3A_739 = arith.index_cast %add3A_245 : i32 to index
            %get3A_740 = memref.load %arg1[%get3A_739] : memref<32xi32, #tpu.memory_space<smem>>
            %mul3A_741 = arith.constant 1 : i32
            %mul3A_742 = arith.muli %mul3A_741, %get3A_740 : i32
            %rem3A_743 = arith.constant 2 : i32
            %rem3A_744 = arith.remui %while3A_229, %rem3A_743 : i32
            %dma_wait3A = tpu.memref_slice %run_scoped3A_6[%rem3A_744] : memref<2x!tpu.dma_semaphore, #tpu.memory_space<semaphore_mem>> -> memref<1x!tpu.dma_semaphore, #tpu.memory_space<semaphore_mem>>
            %dma_wait3A_745 = tpu.memref_squeeze %dma_wait3A : memref<1x!tpu.dma_semaphore, #tpu.memory_space<semaphore_mem>> -> memref<!tpu.dma_semaphore, #tpu.memory_space<semaphore_mem>>
            %dma_wait3A_746 = arith.constant 0 : i32
            %dma_wait3A_747 = arith.constant 0 : i32
            %dma_wait3A_748 = arith.constant 0 : i32
            %dma_wait3A_749 = tpu.memref_slice %run_scoped3A_5[%rem3A_744, %dma_wait3A_746, %dma_wait3A_747, %dma_wait3A_748] : memref<2x1x1024x2048xf32, #tpu.memory_space<vmem>> -> memref<1x1x1024x2048xf32, #tpu.memory_space<vmem>>
            %dma_wait3A_750 = tpu.memref_squeeze %dma_wait3A_749 : memref<1x1x1024x2048xf32, #tpu.memory_space<vmem>> -> memref<1x1024x2048xf32, #tpu.memory_space<vmem>>
            %dma_wait3A_751 = arith.constant 0 : i32
            %dma_wait3A_752 = arith.constant 0 : i32
            %dma_wait3A_753 = tpu.memref_slice %arg5[%mul3A_742, %dma_wait3A_751, %dma_wait3A_752] : memref<16x1024x2048xf32, #tpu.memory_space<hbm>> -> memref<1x1024x2048xf32, #tpu.memory_space<hbm>>
            tpu.wait_dma2 semaphore(%dma_wait3A_745 : memref<!tpu.dma_semaphore, #tpu.memory_space<semaphore_mem>>) src(%dma_wait3A_753 : memref<1x1024x2048xf32, #tpu.memory_space<hbm>>) dst(%dma_wait3A_750 : memref<1x1024x2048xf32, #tpu.memory_space<vmem>>)
            "tpu.trace_stop"() : () -> ()
          } else {
          }
          %get3A_430 = arith.index_cast %add3A_245 : i32 to index
          %get3A_431 = memref.load %arg1[%get3A_430] : memref<32xi32, #tpu.memory_space<smem>>
          %get3A_432 = arith.index_cast %add3A_256 : i32 to index
          %get3A_433 = memref.load %arg1[%get3A_432] : memref<32xi32, #tpu.memory_space<smem>>
          %ne3A_434 = arith.cmpi ne, %get3A_431, %get3A_433 : i32
          %or3A_435 = arith.constant false
          %or3A_436 = arith.ori %or3A_435, %ne3A_434 : i1
          %or3A_437 = arith.constant false
          %or3A_438 = arith.ori %or3A_436, %or3A_437 : i1
          %or3A_439 = arith.constant false
          %or3A_440 = arith.ori %or3A_438, %or3A_439 : i1
          %or3A_441 = arith.ori %or3A_440, %eq3A_240 : i1
          %convert_element_type3A_442 = arith.extui %or3A_441 : i1 to i32
          %cond3A_443 = arith.constant 0 : i32
          %cond3A_444 = arith.cmpi ne, %convert_element_type3A_442, %cond3A_443 : i32
          scf.if %cond3A_444 {
            "tpu.trace_start"() <{level = 10 : i32, message = "ep_wait_in"}> : () -> ()
            %get3A_739 = arith.index_cast %add3A_245 : i32 to index
            %get3A_740 = memref.load %arg1[%get3A_739] : memref<32xi32, #tpu.memory_space<smem>>
            %mul3A_741 = arith.constant 1 : i32
            %mul3A_742 = arith.muli %mul3A_741, %get3A_740 : i32
            %rem3A_743 = arith.constant 2 : i32
            %rem3A_744 = arith.remui %while3A_232, %rem3A_743 : i32
            %dma_wait3A = tpu.memref_slice %run_scoped3A_8[%rem3A_744] : memref<2x!tpu.dma_semaphore, #tpu.memory_space<semaphore_mem>> -> memref<1x!tpu.dma_semaphore, #tpu.memory_space<semaphore_mem>>
            %dma_wait3A_745 = tpu.memref_squeeze %dma_wait3A : memref<1x!tpu.dma_semaphore, #tpu.memory_space<semaphore_mem>> -> memref<!tpu.dma_semaphore, #tpu.memory_space<semaphore_mem>>
            %dma_wait3A_746 = arith.constant 0 : i32
            %dma_wait3A_747 = arith.constant 0 : i32
            %dma_wait3A_748 = arith.constant 0 : i32
            %dma_wait3A_749 = tpu.memref_slice %run_scoped3A_7[%rem3A_744, %dma_wait3A_746, %dma_wait3A_747, %dma_wait3A_748] : memref<2x1x2048x1024xf32, #tpu.memory_space<vmem>> -> memref<1x1x2048x1024xf32, #tpu.memory_space<vmem>>
            %dma_wait3A_750 = tpu.memref_squeeze %dma_wait3A_749 : memref<1x1x2048x1024xf32, #tpu.memory_space<vmem>> -> memref<1x2048x1024xf32, #tpu.memory_space<vmem>>
            %dma_wait3A_751 = arith.constant 0 : i32
            %dma_wait3A_752 = arith.constant 0 : i32
            %dma_wait3A_753 = tpu.memref_slice %arg6[%mul3A_742, %dma_wait3A_751, %dma_wait3A_752] : memref<16x2048x1024xf32, #tpu.memory_space<hbm>> -> memref<1x2048x1024xf32, #tpu.memory_space<hbm>>
            tpu.wait_dma2 semaphore(%dma_wait3A_745 : memref<!tpu.dma_semaphore, #tpu.memory_space<semaphore_mem>>) src(%dma_wait3A_753 : memref<1x2048x1024xf32, #tpu.memory_space<hbm>>) dst(%dma_wait3A_750 : memref<1x2048x1024xf32, #tpu.memory_space<vmem>>)
            "tpu.trace_stop"() : () -> ()
          } else {
          }
          %ne3A_445 = arith.cmpi ne, %add3A_245, %add3A_256 : i32
          %or3A_446 = arith.constant false
          %or3A_447 = arith.ori %or3A_446, %ne3A_445 : i1
          %or3A_448 = arith.constant false
          %or3A_449 = arith.ori %or3A_447, %or3A_448 : i1
          %or3A_450 = arith.ori %or3A_449, %eq3A_240 : i1
          %convert_element_type3A_451 = arith.extui %or3A_450 : i1 to i32
          %cond3A_452 = arith.constant 0 : i32
          %cond3A_453 = arith.cmpi ne, %convert_element_type3A_451, %cond3A_452 : i32
          scf.if %cond3A_453 {
          } else {
          }
          %rem3A_454 = arith.constant 2 : i32
          %rem3A_455 = arith.remui %while3A_224, %rem3A_454 : i32
          %rem3A_456 = arith.constant 2 : i32
          %rem3A_457 = arith.remui %while3A_226, %rem3A_456 : i32
          %rem3A_458 = arith.constant 2 : i32
          %rem3A_459 = arith.remui %while3A_229, %rem3A_458 : i32
          %rem3A_460 = arith.constant 2 : i32
          %rem3A_461 = arith.remui %while3A_232, %rem3A_460 : i32
          %rem3A_462 = arith.constant 2 : i32
          %rem3A_463 = arith.remui %while3A_234, %rem3A_462 : i32
          "tpu.trace_start"() <{level = 10 : i32, message = "ep_run_kernel"}> : () -> ()
          %get3A_464 = arith.index_cast %rem3A_455 : i32 to index
          %get3A_465 = arith.constant 0 : index
          %get3A_466 = arith.constant 0 : index
          %get3A_467 = vector.load %run_scoped3A[%get3A_464, %get3A_465, %get3A_466] : memref<2x256x1024xf32, #tpu.memory_space<vmem>>, vector<1x256x1024xf32>
          %get3A_468 = vector.shape_cast %get3A_467 : vector<1x256x1024xf32> to vector<256x1024xf32>
          %get3A_469 = arith.constant 0 : i32
          %get3A_470 = arith.constant 0 : i32
          %get3A_471 = arith.constant 0 : i32
          %get3A_472 = tpu.memref_slice %run_scoped3A_3[%rem3A_457, %get3A_469, %get3A_470, %get3A_471] : memref<2x1x1024x2048xf32, #tpu.memory_space<vmem>> -> memref<1x1x1024x2048xf32, #tpu.memory_space<vmem>>
          %get3A_473 = tpu.memref_squeeze %get3A_472 : memref<1x1x1024x2048xf32, #tpu.memory_space<vmem>> -> memref<1x1024x2048xf32, #tpu.memory_space<vmem>>
          %get3A_474 = arith.constant 0 : index
          %get3A_475 = arith.constant 0 : index
          %get3A_476 = arith.constant 0 : index
          %get3A_477 = vector.load %get3A_473[%get3A_474, %get3A_475, %get3A_476] : memref<1x1024x2048xf32, #tpu.memory_space<vmem>>, vector<1x1024x2048xf32>
          %get3A_478 = vector.shape_cast %get3A_477 : vector<1x1024x2048xf32> to vector<1024x2048xf32>
          %dot_general3A = arith.constant dense<0.000000e+00> : vector<256x2048xf32>
          %dot_general3A_479 = tpu.matmul %get3A_468, %get3A_478, %dot_general3A {dimension_numbers = #tpu.dot_dimension_numbers<[1], [0], [0], [1], [0, 0, 1, 1], [], []>, transpose_lhs_hint = false} : vector<256x1024xf32>, vector<1024x2048xf32>, vector<256x2048xf32> -> vector<256x2048xf32>
          %get3A_480 = arith.constant 0 : i32
          %get3A_481 = arith.constant 0 : i32
          %get3A_482 = arith.constant 0 : i32
          %get3A_483 = tpu.memref_slice %run_scoped3A_5[%rem3A_459, %get3A_480, %get3A_481, %get3A_482] : memref<2x1x1024x2048xf32, #tpu.memory_space<vmem>> -> memref<1x1x1024x2048xf32, #tpu.memory_space<vmem>>
          %get3A_484 = tpu.memref_squeeze %get3A_483 : memref<1x1x1024x2048xf32, #tpu.memory_space<vmem>> -> memref<1x1024x2048xf32, #tpu.memory_space<vmem>>
          %get3A_485 = arith.constant 0 : index
          %get3A_486 = arith.constant 0 : index
          %get3A_487 = arith.constant 0 : index
          %get3A_488 = vector.load %get3A_484[%get3A_485, %get3A_486, %get3A_487] : memref<1x1024x2048xf32, #tpu.memory_space<vmem>>, vector<1x1024x2048xf32>
          %get3A_489 = vector.shape_cast %get3A_488 : vector<1x1024x2048xf32> to vector<1024x2048xf32>
          %dot_general3A_490 = arith.constant dense<0.000000e+00> : vector<256x2048xf32>
          %dot_general3A_491 = tpu.matmul %get3A_468, %get3A_489, %dot_general3A_490 {dimension_numbers = #tpu.dot_dimension_numbers<[1], [0], [0], [1], [0, 0, 1, 1], [], []>, transpose_lhs_hint = false} : vector<256x1024xf32>, vector<1024x2048xf32>, vector<256x2048xf32> -> vector<256x2048xf32>
          %logistic3A = arith.negf %dot_general3A_479 : vector<256x2048xf32>
          %logistic3A_492 = math.exp %logistic3A : vector<256x2048xf32>
          %logistic3A_493 = arith.constant 1.000000e+00 : f32
          %logistic3A_494 = vector.broadcast %logistic3A_493 : f32 to vector<256x2048xf32>
          %logistic3A_495 = arith.addf %logistic3A_494, %logistic3A_492 : vector<256x2048xf32>
          %logistic3A_496 = arith.divf %logistic3A_494, %logistic3A_495 : vector<256x2048xf32>
          %mul3A_497 = arith.mulf %dot_general3A_479, %logistic3A_496 : vector<256x2048xf32>
          %mul3A_498 = arith.mulf %mul3A_497, %dot_general3A_491 : vector<256x2048xf32>
          %get3A_499 = arith.constant 0 : i32
          %get3A_500 = arith.constant 0 : i32
          %get3A_501 = arith.constant 0 : i32
          %get3A_502 = tpu.memref_slice %run_scoped3A_7[%rem3A_461, %get3A_499, %get3A_500, %get3A_501] : memref<2x1x2048x1024xf32, #tpu.memory_space<vmem>> -> memref<1x1x2048x1024xf32, #tpu.memory_space<vmem>>
          %get3A_503 = tpu.memref_squeeze %get3A_502 : memref<1x1x2048x1024xf32, #tpu.memory_space<vmem>> -> memref<1x2048x1024xf32, #tpu.memory_space<vmem>>
          %get3A_504 = arith.constant 0 : index
          %get3A_505 = arith.constant 0 : index
          %get3A_506 = arith.constant 0 : index
          %get3A_507 = vector.load %get3A_503[%get3A_504, %get3A_505, %get3A_506] : memref<1x2048x1024xf32, #tpu.memory_space<vmem>>, vector<1x2048x1024xf32>
          %get3A_508 = vector.shape_cast %get3A_507 : vector<1x2048x1024xf32> to vector<2048x1024xf32>
          %dot_general3A_509 = arith.constant dense<0.000000e+00> : vector<256x1024xf32>
          %dot_general3A_510 = tpu.matmul %mul3A_498, %get3A_508, %dot_general3A_509 {dimension_numbers = #tpu.dot_dimension_numbers<[1], [0], [0], [1], [0, 0, 1, 1], [], []>, transpose_lhs_hint = false} : vector<256x2048xf32>, vector<2048x1024xf32>, vector<256x1024xf32> -> vector<256x1024xf32>
          %swap3A = arith.index_cast %rem3A_463 : i32 to index
          %swap3A_511 = arith.constant 0 : index
          %swap3A_512 = arith.constant 0 : index
          %swap3A_513 = vector.load %run_scoped3A_9[%swap3A, %swap3A_511, %swap3A_512] : memref<2x256x1024xf32, #tpu.memory_space<vmem>>, vector<1x256x1024xf32>
          %swap3A_514 = vector.shape_cast %swap3A_513 : vector<1x256x1024xf32> to vector<256x1024xf32>
          %swap3A_515 = vector.shape_cast %dot_general3A_510 : vector<256x1024xf32> to vector<1x256x1024xf32>
          tpu.vector_store %run_scoped3A_9[%swap3A, %swap3A_511, %swap3A_512], %swap3A_515 {strides = array<i32>} : memref<2x256x1024xf32, #tpu.memory_space<vmem>>, vector<1x256x1024xf32>,
          "tpu.trace_stop"() : () -> ()
          %ne3A_516 = arith.cmpi ne, %add3A_245, %add3A_265 : i32
          %or3A_517 = arith.constant false
          %or3A_518 = arith.ori %or3A_517, %ne3A_516 : i1
          %or3A_519 = arith.constant false
          %or3A_520 = arith.ori %or3A_518, %or3A_519 : i1
          %or3A_521 = arith.ori %or3A_520, %eq3A_243 : i1
          %convert_element_type3A_522 = arith.extui %or3A_521 : i1 to i32
          %cond3A_523 = arith.constant 0 : i32
          %cond3A_524 = arith.cmpi ne, %convert_element_type3A_522, %cond3A_523 : i32
          scf.if %cond3A_524 {
          } else {
          }
          %and3A_525 = arith.constant false
          %and3A_526 = arith.andi %or3A_521, %and3A_525 : i1
          %get3A_527 = arith.index_cast %add3A_245 : i32 to index
          %get3A_528 = memref.load %arg1[%get3A_527] : memref<32xi32, #tpu.memory_space<smem>>
          %get3A_529 = arith.index_cast %add3A_265 : i32 to index
          %get3A_530 = memref.load %arg1[%get3A_529] : memref<32xi32, #tpu.memory_space<smem>>
          %ne3A_531 = arith.cmpi ne, %get3A_528, %get3A_530 : i32
          %or3A_532 = arith.constant false
          %or3A_533 = arith.ori %or3A_532, %ne3A_531 : i1
          %or3A_534 = arith.constant false
          %or3A_535 = arith.ori %or3A_533, %or3A_534 : i1
          %or3A_536 = arith.constant false
          %or3A_537 = arith.ori %or3A_535, %or3A_536 : i1
          %or3A_538 = arith.ori %or3A_537, %eq3A_243 : i1
          %convert_element_type3A_539 = arith.extui %or3A_538 : i1 to i32
          %cond3A_540 = arith.constant 0 : i32
          %cond3A_541 = arith.cmpi ne, %convert_element_type3A_539, %cond3A_540 : i32
          scf.if %cond3A_541 {
          } else {
          }
          %and3A_542 = arith.constant false
          %and3A_543 = arith.andi %or3A_538, %and3A_542 : i1
          %get3A_544 = arith.index_cast %add3A_245 : i32 to index
          %get3A_545 = memref.load %arg1[%get3A_544] : memref<32xi32, #tpu.memory_space<smem>>
          %get3A_546 = arith.index_cast %add3A_265 : i32 to index
          %get3A_547 = memref.load %arg1[%get3A_546] : memref<32xi32, #tpu.memory_space<smem>>
          %ne3A_548 = arith.cmpi ne, %get3A_545, %get3A_547 : i32
          %or3A_549 = arith.constant false
          %or3A_550 = arith.ori %or3A_549, %ne3A_548 : i1
          %or3A_551 = arith.constant false
          %or3A_552 = arith.ori %or3A_550, %or3A_551 : i1
          %or3A_553 = arith.constant false
          %or3A_554 = arith.ori %or3A_552, %or3A_553 : i1
          %or3A_555 = arith.ori %or3A_554, %eq3A_243 : i1
          %convert_element_type3A_556 = arith.extui %or3A_555 : i1 to i32
          %cond3A_557 = arith.constant 0 : i32
          %cond3A_558 = arith.cmpi ne, %convert_element_type3A_556, %cond3A_557 : i32
          scf.if %cond3A_558 {
          } else {
          }
          %and3A_559 = arith.constant false
          %and3A_560 = arith.andi %or3A_555, %and3A_559 : i1
          %get3A_561 = arith.index_cast %add3A_245 : i32 to index
          %get3A_562 = memref.load %arg1[%get3A_561] : memref<32xi32, #tpu.memory_space<smem>>
          %get3A_563 = arith.index_cast %add3A_265 : i32 to index
          %get3A_564 = memref.load %arg1[%get3A_563] : memref<32xi32, #tpu.memory_space<smem>>
          %ne3A_565 = arith.cmpi ne, %get3A_562, %get3A_564 : i32
          %or3A_566 = arith.constant false
          %or3A_567 = arith.ori %or3A_566, %ne3A_565 : i1
          %or3A_568 = arith.constant false
          %or3A_569 = arith.ori %or3A_567, %or3A_568 : i1
          %or3A_570 = arith.constant false
          %or3A_571 = arith.ori %or3A_569, %or3A_570 : i1
          %or3A_572 = arith.ori %or3A_571, %eq3A_243 : i1
          %convert_element_type3A_573 = arith.extui %or3A_572 : i1 to i32
          %cond3A_574 = arith.constant 0 : i32
          %cond3A_575 = arith.cmpi ne, %convert_element_type3A_573, %cond3A_574 : i32
          scf.if %cond3A_575 {
          } else {
          }
          %and3A_576 = arith.constant false
          %and3A_577 = arith.andi %or3A_572, %and3A_576 : i1
          %ne3A_578 = arith.cmpi ne, %add3A_245, %add3A_265 : i32
          %or3A_579 = arith.constant false
          %or3A_580 = arith.ori %or3A_579, %ne3A_578 : i1
          %or3A_581 = arith.constant false
          %or3A_582 = arith.ori %or3A_580, %or3A_581 : i1
          %or3A_583 = arith.ori %or3A_582, %eq3A_243 : i1
          %convert_element_type3A_584 = arith.extui %or3A_583 : i1 to i32
          %cond3A_585 = arith.constant 0 : i32
          %cond3A_586 = arith.cmpi ne, %convert_element_type3A_584, %cond3A_585 : i32
          scf.if %cond3A_586 {
            "tpu.trace_start"() <{level = 10 : i32, message = "ep_copy_out"}> : () -> ()
            %rem3A_739 = arith.constant 2 : i32
            %rem3A_740 = arith.remui %while3A_234, %rem3A_739 : i32
            %mul3A_741 = arith.constant 256 : i32
            %mul3A_742 = arith.muli %mul3A_741, %add3A_245 : i32
            %dma_start3A_743 = tpu.memref_slice %run_scoped3A_10[%rem3A_740] : memref<2x!tpu.dma_semaphore, #tpu.memory_space<semaphore_mem>> -> memref<1x!tpu.dma_semaphore, #tpu.memory_space<semaphore_mem>>
            %dma_start3A_744 = tpu.memref_squeeze %dma_start3A_743 : memref<1x!tpu.dma_semaphore, #tpu.memory_space<semaphore_mem>> -> memref<!tpu.dma_semaphore, #tpu.memory_space<semaphore_mem>>
            %dma_start3A_745 = arith.constant 0 : i32
            %dma_start3A_746 = tpu.memref_slice %arg7[%mul3A_742, %dma_start3A_745] : memref<8192x1024xf32, #tpu.memory_space<hbm>> -> memref<256x1024xf32, #tpu.memory_space<hbm>>
            %dma_start3A_747 = arith.constant 0 : i32
            %dma_start3A_748 = arith.constant 0 : i32
            %dma_start3A_749 = tpu.memref_slice %run_scoped3A_9[%rem3A_740, %dma_start3A_747, %dma_start3A_748] : memref<2x256x1024xf32, #tpu.memory_space<vmem>> -> memref<1x256x1024xf32, #tpu.memory_space<vmem>>
            %dma_start3A_750 = tpu.memref_squeeze %dma_start3A_749 : memref<1x256x1024xf32, #tpu.memory_space<vmem>> -> memref<256x1024xf32, #tpu.memory_space<vmem>>
            tpu.enqueue_dma source(%dma_start3A_750 : memref<256x1024xf32, #tpu.memory_space<vmem>>) target(%dma_start3A_746 : memref<256x1024xf32, #tpu.memory_space<hbm>>) target_semaphore(%dma_start3A_744 : memref<!tpu.dma_semaphore, #tpu.memory_space<semaphore_mem>>)
            "tpu.trace_stop"() : () -> ()
          } else {
          }
          %and3A_587 = arith.constant true
          %and3A_588 = arith.andi %or3A_583, %and3A_587 : i1
          %add3A_589 = arith.constant 1 : i32
          %add3A_590 = arith.addi %while3A_234, %add3A_589 : i32
          %select_n3A_591 = arith.select %and3A_588, %add3A_590, %while3A_234 : i32
          %ne3A_592 = arith.cmpi ne, %add3A_245, %add3A_256 : i32
          %or3A_593 = arith.constant false
          %or3A_594 = arith.ori %or3A_593, %ne3A_592 : i1
          %or3A_595 = arith.constant false
          %or3A_596 = arith.ori %or3A_594, %or3A_595 : i1
          %not3A_597 = arith.constant true
          %not3A_598 = arith.xori %eq3A_240, %not3A_597 : i1
          %and3A_599 = arith.andi %or3A_596, %not3A_598 : i1
          %convert_element_type3A_600 = arith.extui %and3A_599 : i1 to i32
          %cond3A_601 = arith.constant 0 : i32
          %cond3A_602 = arith.cmpi ne, %convert_element_type3A_600, %cond3A_601 : i32
          scf.if %cond3A_602 {
          } else {
          }
          %and3A_603 = arith.constant false
          %and3A_604 = arith.andi %and3A_599, %and3A_603 : i1
          %get3A_605 = arith.index_cast %add3A_245 : i32 to index
          %get3A_606 = memref.load %arg1[%get3A_605] : memref<32xi32, #tpu.memory_space<smem>>
          %get3A_607 = arith.index_cast %add3A_256 : i32 to index
          %get3A_608 = memref.load %arg1[%get3A_607] : memref<32xi32, #tpu.memory_space<smem>>
          %ne3A_609 = arith.cmpi ne, %get3A_606, %get3A_608 : i32
          %or3A_610 = arith.constant false
          %or3A_611 = arith.ori %or3A_610, %ne3A_609 : i1
          %or3A_612 = arith.constant false
          %or3A_613 = arith.ori %or3A_611, %or3A_612 : i1
          %or3A_614 = arith.constant false
          %or3A_615 = arith.ori %or3A_613, %or3A_614 : i1
          %not3A_616 = arith.constant true
          %not3A_617 = arith.xori %eq3A_240, %not3A_616 : i1
          %and3A_618 = arith.andi %or3A_615, %not3A_617 : i1
          %convert_element_type3A_619 = arith.extui %and3A_618 : i1 to i32
          %cond3A_620 = arith.constant 0 : i32
          %cond3A_621 = arith.cmpi ne, %convert_element_type3A_619, %cond3A_620 : i32
          scf.if %cond3A_621 {
          } else {
          }
          %and3A_622 = arith.constant false
          %and3A_623 = arith.andi %and3A_618, %and3A_622 : i1
          %get3A_624 = arith.index_cast %add3A_245 : i32 to index
          %get3A_625 = memref.load %arg1[%get3A_624] : memref<32xi32, #tpu.memory_space<smem>>
          %get3A_626 = arith.index_cast %add3A_256 : i32 to index
          %get3A_627 = memref.load %arg1[%get3A_626] : memref<32xi32, #tpu.memory_space<smem>>
          %ne3A_628 = arith.cmpi ne, %get3A_625, %get3A_627 : i32
          %or3A_629 = arith.constant false
          %or3A_630 = arith.ori %or3A_629, %ne3A_628 : i1
          %or3A_631 = arith.constant false
          %or3A_632 = arith.ori %or3A_630, %or3A_631 : i1
          %or3A_633 = arith.constant false
          %or3A_634 = arith.ori %or3A_632, %or3A_633 : i1
          %not3A_635 = arith.constant true
          %not3A_636 = arith.xori %eq3A_240, %not3A_635 : i1
          %and3A_637 = arith.andi %or3A_634, %not3A_636 : i1
          %convert_element_type3A_638 = arith.extui %and3A_637 : i1 to i32
          %cond3A_639 = arith.constant 0 : i32
          %cond3A_640 = arith.cmpi ne, %convert_element_type3A_638, %cond3A_639 : i32
          scf.if %cond3A_640 {
          } else {
          }
          %and3A_641 = arith.constant false
          %and3A_642 = arith.andi %and3A_637, %and3A_641 : i1
          %get3A_643 = arith.index_cast %add3A_245 : i32 to index
          %get3A_644 = memref.load %arg1[%get3A_643] : memref<32xi32, #tpu.memory_space<smem>>
          %get3A_645 = arith.index_cast %add3A_256 : i32 to index
          %get3A_646 = memref.load %arg1[%get3A_645] : memref<32xi32, #tpu.memory_space<smem>>
          %ne3A_647 = arith.cmpi ne, %get3A_644, %get3A_646 : i32
          %or3A_648 = arith.constant false
          %or3A_649 = arith.ori %or3A_648, %ne3A_647 : i1
          %or3A_650 = arith.constant false
          %or3A_651 = arith.ori %or3A_649, %or3A_650 : i1
          %or3A_652 = arith.constant false
          %or3A_653 = arith.ori %or3A_651, %or3A_652 : i1
          %not3A_654 = arith.constant true
          %not3A_655 = arith.xori %eq3A_240, %not3A_654 : i1
          %and3A_656 = arith.andi %or3A_653, %not3A_655 : i1
          %convert_element_type3A_657 = arith.extui %and3A_656 : i1 to i32
          %cond3A_658 = arith.constant 0 : i32
          %cond3A_659 = arith.cmpi ne, %convert_element_type3A_657, %cond3A_658 : i32
          scf.if %cond3A_659 {
          } else {
          }
          %and3A_660 = arith.constant false
          %and3A_661 = arith.andi %and3A_656, %and3A_660 : i1
          %ne3A_662 = arith.cmpi ne, %add3A_245, %add3A_256 : i32
          %or3A_663 = arith.constant false
          %or3A_664 = arith.ori %or3A_663, %ne3A_662 : i1
          %or3A_665 = arith.constant false
          %or3A_666 = arith.ori %or3A_664, %or3A_665 : i1
          %not3A_667 = arith.constant true
          %not3A_668 = arith.xori %eq3A_240, %not3A_667 : i1
          %and3A_669 = arith.andi %or3A_666, %not3A_668 : i1
          %convert_element_type3A_670 = arith.extui %and3A_669 : i1 to i32
          %cond3A_671 = arith.constant 0 : i32
          %cond3A_672 = arith.cmpi ne, %convert_element_type3A_670, %cond3A_671 : i32
          scf.if %cond3A_672 {
            "tpu.trace_start"() <{level = 10 : i32, message = "ep_wait_out"}> : () -> ()
            %rem3A_739 = arith.constant 2 : i32
            %rem3A_740 = arith.remui %while3A_235, %rem3A_739 : i32
            %mul3A_741 = arith.constant 256 : i32
            %mul3A_742 = arith.muli %mul3A_741, %add3A_256 : i32
            %dma_wait3A = tpu.memref_slice %run_scoped3A_10[%rem3A_740] : memref<2x!tpu.dma_semaphore, #tpu.memory_space<semaphore_mem>> -> memref<1x!tpu.dma_semaphore, #tpu.memory_space<semaphore_mem>>
            %dma_wait3A_743 = tpu.memref_squeeze %dma_wait3A : memref<1x!tpu.dma_semaphore, #tpu.memory_space<semaphore_mem>> -> memref<!tpu.dma_semaphore, #tpu.memory_space<semaphore_mem>>
            %dma_wait3A_744 = arith.constant 0 : i32
            %dma_wait3A_745 = tpu.memref_slice %arg7[%mul3A_742, %dma_wait3A_744] : memref<8192x1024xf32, #tpu.memory_space<hbm>> -> memref<256x1024xf32, #tpu.memory_space<hbm>>
            %dma_wait3A_746 = arith.constant 0 : i32
            %dma_wait3A_747 = arith.constant 0 : i32
            %dma_wait3A_748 = tpu.memref_slice %run_scoped3A_9[%rem3A_740, %dma_wait3A_746, %dma_wait3A_747] : memref<2x256x1024xf32, #tpu.memory_space<vmem>> -> memref<1x256x1024xf32, #tpu.memory_space<vmem>>
            %dma_wait3A_749 = tpu.memref_squeeze %dma_wait3A_748 : memref<1x256x1024xf32, #tpu.memory_space<vmem>> -> memref<256x1024xf32, #tpu.memory_space<vmem>>
            tpu.wait_dma2 semaphore(%dma_wait3A_743 : memref<!tpu.dma_semaphore, #tpu.memory_space<semaphore_mem>>) src(%dma_wait3A_749 : memref<256x1024xf32, #tpu.memory_space<vmem>>) dst(%dma_wait3A_745 : memref<256x1024xf32, #tpu.memory_space<hbm>>)
            "tpu.trace_stop"() : () -> ()
          } else {
          }
          %and3A_673 = arith.constant true
          %and3A_674 = arith.andi %and3A_669, %and3A_673 : i1
          %add3A_675 = arith.constant 1 : i32
          %add3A_676 = arith.addi %while3A_235, %add3A_675 : i32
          %select_n3A_677 = arith.select %and3A_674, %add3A_676, %while3A_235 : i32
          %ne3A_678 = arith.cmpi ne, %add3A_245, %add3A_265 : i32
          %or3A_679 = arith.constant false
          %or3A_680 = arith.ori %or3A_679, %ne3A_678 : i1
          %or3A_681 = arith.constant false
          %or3A_682 = arith.ori %or3A_680, %or3A_681 : i1
          %or3A_683 = arith.ori %or3A_682, %eq3A_243 : i1
          %add3A_684 = arith.constant 1 : i32
          %add3A_685 = arith.addi %while3A_224, %add3A_684 : i32
          %select_n3A_686 = arith.select %or3A_683, %add3A_685, %while3A_224 : i32
          %get3A_687 = arith.index_cast %add3A_245 : i32 to index
          %get3A_688 = memref.load %arg1[%get3A_687] : memref<32xi32, #tpu.memory_space<smem>>
          %get3A_689 = arith.index_cast %add3A_265 : i32 to index
          %get3A_690 = memref.load %arg1[%get3A_689] : memref<32xi32, #tpu.memory_space<smem>>
          %ne3A_691 = arith.cmpi ne, %get3A_688, %get3A_690 : i32
          %or3A_692 = arith.constant false
          %or3A_693 = arith.ori %or3A_692, %ne3A_691 : i1
          %or3A_694 = arith.constant false
          %or3A_695 = arith.ori %or3A_693, %or3A_694 : i1
          %or3A_696 = arith.constant false
          %or3A_697 = arith.ori %or3A_695, %or3A_696 : i1
          %or3A_698 = arith.ori %or3A_697, %eq3A_243 : i1
          %add3A_699 = arith.constant 1 : i32
          %add3A_700 = arith.addi %while3A_226, %add3A_699 : i32
          %select_n3A_701 = arith.select %or3A_698, %add3A_700, %while3A_226 : i32
          %get3A_702 = arith.index_cast %add3A_245 : i32 to index
          %get3A_703 = memref.load %arg1[%get3A_702] : memref<32xi32, #tpu.memory_space<smem>>
          %get3A_704 = arith.index_cast %add3A_265 : i32 to index
          %get3A_705 = memref.load %arg1[%get3A_704] : memref<32xi32, #tpu.memory_space<smem>>
          %ne3A_706 = arith.cmpi ne, %get3A_703, %get3A_705 : i32
          %or3A_707 = arith.constant false
          %or3A_708 = arith.ori %or3A_707, %ne3A_706 : i1
          %or3A_709 = arith.constant false
          %or3A_710 = arith.ori %or3A_708, %or3A_709 : i1
          %or3A_711 = arith.constant false
          %or3A_712 = arith.ori %or3A_710, %or3A_711 : i1
          %or3A_713 = arith.ori %or3A_712, %eq3A_243 : i1
          %add3A_714 = arith.constant 1 : i32
          %add3A_715 = arith.addi %while3A_229, %add3A_714 : i32
          %select_n3A_716 = arith.select %or3A_713, %add3A_715, %while3A_229 : i32
          %get3A_717 = arith.index_cast %add3A_245 : i32 to index
          %get3A_718 = memref.load %arg1[%get3A_717] : memref<32xi32, #tpu.memory_space<smem>>
          %get3A_719 = arith.index_cast %add3A_265 : i32 to index
          %get3A_720 = memref.load %arg1[%get3A_719] : memref<32xi32, #tpu.memory_space<smem>>
          %ne3A_721 = arith.cmpi ne, %get3A_718, %get3A_720 : i32
          %or3A_722 = arith.constant false
          %or3A_723 = arith.ori %or3A_722, %ne3A_721 : i1
          %or3A_724 = arith.constant false
          %or3A_725 = arith.ori %or3A_723, %or3A_724 : i1
          %or3A_726 = arith.constant false
          %or3A_727 = arith.ori %or3A_725, %or3A_726 : i1
          %or3A_728 = arith.ori %or3A_727, %eq3A_243 : i1
          %add3A_729 = arith.constant 1 : i32
          %add3A_730 = arith.addi %while3A_232, %add3A_729 : i32
          %select_n3A_731 = arith.select %or3A_728, %add3A_730, %while3A_232 : i32
          %add3A_732 = arith.constant 1 : i32
          %add3A_733 = arith.addi %while3A_236, %add3A_732 : i32
          %select_n3A_734 = arith.constant true
          %select_n3A_735 = arith.select %select_n3A_734, %add3A_733, %while3A_236 : i32
          %eq3A_736 = arith.cmpi eq, %select_n3A_735, %get3A_0 : i32
          %select_n3A_737 = arith.constant 0 : i32
          %select_n3A_738 = arith.select %eq3A_736, %select_n3A_737, %select_n3A_735 : i32
          scf.yield %select_n3A_290, %select_n3A_686, %while3A_319#2, %select_n3A_701, %while3A_319#0, %while3A_348#2, %select_n3A_716, %while3A_348#0, %while3A_377#2, %select_n3A_731, %while3A_377#0, %select_n3A_591, %select_n3A_677, %select_n3A_738 : i32, i32, i32, i32, i32, i32, i32, i32, i32, i32, i32, i32, i32, i32
        }
        %while3A_156 = arith.constant 1 : i32
        %while3A_157:14 = scf.for %while3A_222 = %while3A_153 to %while3A_149 step %while3A_156 iter_args(%while3A_223 = %while3A_155#0, %while3A_224 = %while3A_155#1, %while3A_225 = %while3A_155#2, %while3A_226 = %while3A_155#3, %while3A_227 = %while3A_155#4, %while3A_228 = %while3A_155#5, %while3A_229 = %while3A_155#6, %while3A_230 = %while3A_155#7, %while3A_231 = %while3A_155#8, %while3A_232 = %while3A_155#9, %while3A_233 = %while3A_155#10, %while3A_234 = %while3A_155#11, %while3A_235 = %while3A_155#12, %while3A_236 = %while3A_155#13) -> (i32, i32, i32, i32, i32, i32, i32, i32, i32, i32, i32, i32, i32, i32)  : i32 {
          %mul3A_237 = arith.constant 1 : i32
          %mul3A_238 = arith.muli %mul3A_237, %get3A_0 : i32
          %eq3A_239 = arith.constant 0 : i32
          %eq3A_240 = arith.cmpi eq, %while3A_222, %eq3A_239 : i32
          %sub3A_241 = arith.constant 1 : i32
          %sub3A_242 = arith.subi %mul3A_238, %sub3A_241 : i32
          %eq3A_243 = arith.cmpi eq, %while3A_222, %sub3A_242 : i32
          %add3A_244 = arith.constant 0 : i32
          %add3A_245 = arith.addi %while3A_236, %add3A_244 : i32
          %sub3A_246 = arith.constant 1 : i32
          %sub3A_247 = arith.subi %while3A_236, %sub3A_246 : i32
          %select_n3A_248 = arith.constant true
          %select_n3A_249 = arith.select %select_n3A_248, %sub3A_247, %while3A_236 : i32
          %eq3A_250 = arith.constant -1 : i32
          %eq3A_251 = arith.cmpi eq, %select_n3A_249, %eq3A_250 : i32
          %sub3A_252 = arith.constant 1 : i32
          %sub3A_253 = arith.subi %get3A_0, %sub3A_252 : i32
          %select_n3A_254 = arith.select %eq3A_251, %sub3A_253, %select_n3A_249 : i32
          %add3A_255 = arith.constant 0 : i32
          %add3A_256 = arith.addi %select_n3A_254, %add3A_255 : i32
          %add3A_257 = arith.constant 1 : i32
          %add3A_258 = arith.addi %while3A_236, %add3A_257 : i32
          %select_n3A_259 = arith.constant true
          %select_n3A_260 = arith.select %select_n3A_259, %add3A_258, %while3A_236 : i32
          %eq3A_261 = arith.cmpi eq, %select_n3A_260, %get3A_0 : i32
          %select_n3A_262 = arith.constant 0 : i32
          %select_n3A_263 = arith.select %eq3A_261, %select_n3A_262, %select_n3A_260 : i32
          %add3A_264 = arith.constant 0 : i32
          %add3A_265 = arith.addi %select_n3A_263, %add3A_264 : i32
          %add3A_266 = arith.constant 1 : i32
          %add3A_267 = arith.addi %select_n3A_263, %add3A_266 : i32
          %select_n3A_268 = arith.constant true
          %select_n3A_269 = arith.select %select_n3A_268, %add3A_267, %select_n3A_263 : i32
          %eq3A_270 = arith.cmpi eq, %select_n3A_269, %get3A_0 : i32
          %select_n3A_271 = arith.constant 0 : i32
          %select_n3A_272 = arith.select %eq3A_270, %select_n3A_271, %select_n3A_269 : i32
          %add3A_273 = arith.constant 0 : i32
          %add3A_274 = arith.addi %select_n3A_272, %add3A_273 : i32
          %ne3A = arith.cmpi ne, %add3A_245, %add3A_265 : i32
          %or3A = arith.constant false
          %or3A_275 = arith.ori %or3A, %ne3A : i1
          %or3A_276 = arith.constant false
          %or3A_277 = arith.ori %or3A_275, %or3A_276 : i1
          %sub3A_278 = arith.constant 2 : i32
          %sub3A_279 = arith.subi %mul3A_238, %sub3A_278 : i32
          %add3A_280 = arith.constant 1 : i32
          %add3A_281 = arith.addi %sub3A_279, %add3A_280 : i32
          %ge3A = arith.cmpi sge, %while3A_222, %add3A_281 : i32
          %not3A = arith.constant true
          %not3A_282 = arith.xori %ge3A, %not3A : i1
          %and3A = arith.andi %or3A_277, %not3A_282 : i1
          %convert_element_type3A_283 = arith.extui %and3A : i1 to i32
          %cond3A_284 = arith.constant 0 : i32
          %cond3A_285 = arith.cmpi ne, %convert_element_type3A_283, %cond3A_284 : i32
          scf.if %cond3A_285 {
            "tpu.trace_start"() <{level = 10 : i32, message = "ep_copy_in"}> : () -> ()
            %rem3A_739 = arith.constant 2 : i32
            %rem3A_740 = arith.remui %while3A_223, %rem3A_739 : i32
            %mul3A_741 = arith.constant 256 : i32
            %mul3A_742 = arith.muli %mul3A_741, %add3A_265 : i32
            %dma_start3A_743 = tpu.memref_slice %run_scoped3A_2[%rem3A_740] : memref<2x!tpu.dma_semaphore, #tpu.memory_space<semaphore_mem>> -> memref<1x!tpu.dma_semaphore, #tpu.memory_space<semaphore_mem>>
            %dma_start3A_744 = tpu.memref_squeeze %dma_start3A_743 : memref<1x!tpu.dma_semaphore, #tpu.memory_space<semaphore_mem>> -> memref<!tpu.dma_semaphore, #tpu.memory_space<semaphore_mem>>
            %dma_start3A_745 = arith.constant 0 : i32
            %dma_start3A_746 = arith.constant 0 : i32
            %dma_start3A_747 = tpu.memref_slice %run_scoped3A[%rem3A_740, %dma_start3A_745, %dma_start3A_746] : memref<2x256x1024xf32, #tpu.memory_space<vmem>> -> memref<1x256x1024xf32, #tpu.memory_space<vmem>>
            %dma_start3A_748 = tpu.memref_squeeze %dma_start3A_747 : memref<1x256x1024xf32, #tpu.memory_space<vmem>> -> memref<256x1024xf32, #tpu.memory_space<vmem>>
            %dma_start3A_749 = arith.constant 0 : i32
            %dma_start3A_750 = tpu.memref_slice %arg3[%mul3A_742, %dma_start3A_749] : memref<8192x1024xf32, #tpu.memory_space<hbm>> -> memref<256x1024xf32, #tpu.memory_space<hbm>>
            tpu.enqueue_dma source(%dma_start3A_750 : memref<256x1024xf32, #tpu.memory_space<hbm>>) target(%dma_start3A_748 : memref<256x1024xf32, #tpu.memory_space<vmem>>) target_semaphore(%dma_start3A_744 : memref<!tpu.dma_semaphore, #tpu.memory_space<semaphore_mem>>)
            "tpu.trace_stop"() : () -> ()
          } else {
          }
          %and3A_286 = arith.constant true
          %and3A_287 = arith.andi %and3A, %and3A_286 : i1
          %add3A_288 = arith.constant 1 : i32
          %add3A_289 = arith.addi %while3A_223, %add3A_288 : i32
          %select_n3A_290 = arith.select %and3A_287, %add3A_289, %while3A_223 : i32
          %get3A_291 = arith.index_cast %add3A_245 : i32 to index
          %get3A_292 = memref.load %arg1[%get3A_291] : memref<32xi32, #tpu.memory_space<smem>>
          %get3A_293 = arith.index_cast %add3A_265 : i32 to index
          %get3A_294 = memref.load %arg1[%get3A_293] : memref<32xi32, #tpu.memory_space<smem>>
          %ne3A_295 = arith.cmpi ne, %get3A_292, %get3A_294 : i32
          %or3A_296 = arith.constant false
          %or3A_297 = arith.ori %or3A_296, %ne3A_295 : i1
          %or3A_298 = arith.constant false
          %or3A_299 = arith.ori %or3A_297, %or3A_298 : i1
          %or3A_300 = arith.constant false
          %or3A_301 = arith.ori %or3A_299, %or3A_300 : i1
          %sub3A_302 = arith.constant 2 : i32
          %sub3A_303 = arith.subi %mul3A_238, %sub3A_302 : i32
          %add3A_304 = arith.constant 1 : i32
          %add3A_305 = arith.addi %sub3A_303, %add3A_304 : i32
          %ge3A_306 = arith.cmpi sge, %while3A_222, %add3A_305 : i32
          %not3A_307 = arith.constant true
          %not3A_308 = arith.xori %ge3A_306, %not3A_307 : i1
          %and3A_309 = arith.andi %or3A_301, %not3A_308 : i1
          %add3A_310 = arith.constant 2 : i32
          %add3A_311 = arith.addi %while3A_226, %add3A_310 : i32
          %add3A_312 = arith.constant 1 : i32
          %add3A_313 = arith.addi %while3A_227, %add3A_312 : i32
          %select_n3A_314 = arith.constant true
          %select_n3A_315 = arith.select %select_n3A_314, %add3A_313, %while3A_227 : i32
          %select_n3A_316 = arith.constant false
          %select_n3A_317 = arith.constant 0 : i32
          %select_n3A_318 = arith.select %select_n3A_316, %select_n3A_317, %select_n3A_315 : i32
          %while3A_319:3 = scf.while (%while3A_739 = %while3A_227, %while3A_740 = %select_n3A_318, %while3A_741 = %while3A_225) : (i32, i32, i32) -> (i32, i32, i32) {
            %lt3A = arith.cmpi ult, %while3A_741, %add3A_311 : i32
            %lt3A_742 = arith.cmpi slt, %while3A_740, %get3A_0 : i32
            %and3A_743 = arith.constant true
            %and3A_744 = arith.andi %and3A_743, %lt3A_742 : i1
            %and3A_745 = arith.constant true
            %and3A_746 = arith.andi %and3A_745, %lt3A : i1
            %and3A_747 = arith.andi %and3A_746, %and3A_744 : i1
            scf.condition(%and3A_747) %while3A_739, %while3A_740, %while3A_741 : i32, i32, i32
          } do {
          ^bb0(%while3A_739: i32, %while3A_740: i32, %while3A_741: i32):
            %add3A_742 = arith.constant 0 : i32
            %add3A_743 = arith.addi %while3A_739, %add3A_742 : i32
            %add3A_744 = arith.constant 0 : i32
            %add3A_745 = arith.addi %while3A_740, %add3A_744 : i32
            %get3A_746 = arith.index_cast %add3A_743 : i32 to index
            %get3A_747 = memref.load %arg1[%get3A_746] : memref<32xi32, #tpu.memory_space<smem>>
            %get3A_748 = arith.index_cast %add3A_745 : i32 to index
            %get3A_749 = memref.load %arg1[%get3A_748] : memref<32xi32, #tpu.memory_space<smem>>
            %ne3A_750 = arith.cmpi ne, %get3A_747, %get3A_749 : i32
            %or3A_751 = arith.constant false
            %or3A_752 = arith.ori %or3A_751, %ne3A_750 : i1
            %or3A_753 = arith.constant false
            %or3A_754 = arith.ori %or3A_752, %or3A_753 : i1
            %or3A_755 = arith.constant false
            %or3A_756 = arith.ori %or3A_754, %or3A_755 : i1
            %convert_element_type3A_757 = arith.extui %or3A_756 : i1 to i32
            %cond3A_758 = arith.constant 0 : i32
            %cond3A_759 = arith.cmpi ne, %convert_element_type3A_757, %cond3A_758 : i32
            scf.if %cond3A_759 {
              %rem3A_769 = arith.constant 2 : i32
              %rem3A_770 = arith.remui %while3A_741, %rem3A_769 : i32
              %get3A_771 = arith.index_cast %add3A_745 : i32 to index
              %get3A_772 = memref.load %arg1[%get3A_771] : memref<32xi32, #tpu.memory_space<smem>>
              %mul3A_773 = arith.constant 1 : i32
              %mul3A_774 = arith.muli %mul3A_773, %get3A_772 : i32
              %dma_start3A_775 = tpu.memref_slice %run_scoped3A_4[%rem3A_770] : memref<2x!tpu.dma_semaphore, #tpu.memory_space<semaphore_mem>> -> memref<1x!tpu.dma_semaphore, #tpu.memory_space<semaphore_mem>>
              %dma_start3A_776 = tpu.memref_squeeze %dma_start3A_775 : memref<1x!tpu.dma_semaphore, #tpu.memory_space<semaphore_mem>> -> memref<!tpu.dma_semaphore, #tpu.memory_space<semaphore_mem>>
              %dma_start3A_777 = arith.constant 0 : i32
              %dma_start3A_778 = arith.constant 0 : i32
              %dma_start3A_779 = arith.constant 0 : i32
              %dma_start3A_780 = tpu.memref_slice %run_scoped3A_3[%rem3A_770, %dma_start3A_777, %dma_start3A_778, %dma_start3A_779] : memref<2x1x1024x2048xf32, #tpu.memory_space<vmem>> -> memref<1x1x1024x2048xf32, #tpu.memory_space<vmem>>
              %dma_start3A_781 = tpu.memref_squeeze %dma_start3A_780 : memref<1x1x1024x2048xf32, #tpu.memory_space<vmem>> -> memref<1x1024x2048xf32, #tpu.memory_space<vmem>>
              %dma_start3A_782 = arith.constant 0 : i32
              %dma_start3A_783 = arith.constant 0 : i32
              %dma_start3A_784 = tpu.memref_slice %arg4[%mul3A_774, %dma_start3A_782, %dma_start3A_783] : memref<16x1024x2048xf32, #tpu.memory_space<hbm>> -> memref<1x1024x2048xf32, #tpu.memory_space<hbm>>
              tpu.enqueue_dma source(%dma_start3A_784 : memref<1x1024x2048xf32, #tpu.memory_space<hbm>>) target(%dma_start3A_781 : memref<1x1024x2048xf32, #tpu.memory_space<vmem>>) target_semaphore(%dma_start3A_776 : memref<!tpu.dma_semaphore, #tpu.memory_space<semaphore_mem>>)
            } else {
            }
            %convert_element_type3A_760 = arith.extui %or3A_756 : i1 to i32
            %add3A_761 = arith.addi %while3A_741, %convert_element_type3A_760 : i32
            %add3A_762 = arith.constant 1 : i32
            %add3A_763 = arith.addi %while3A_740, %add3A_762 : i32
            %select_n3A_764 = arith.constant true
            %select_n3A_765 = arith.select %select_n3A_764, %add3A_763, %while3A_740 : i32
            %select_n3A_766 = arith.constant false
            %select_n3A_767 = arith.constant 0 : i32
            %select_n3A_768 = arith.select %select_n3A_766, %select_n3A_767, %select_n3A_765 : i32
            scf.yield %while3A_740, %select_n3A_768, %add3A_761 : i32, i32, i32
          }
          %get3A_320 = arith.index_cast %add3A_245 : i32 to index
          %get3A_321 = memref.load %arg1[%get3A_320] : memref<32xi32, #tpu.memory_space<smem>>
          %get3A_322 = arith.index_cast %add3A_265 : i32 to index
          %get3A_323 = memref.load %arg1[%get3A_322] : memref<32xi32, #tpu.memory_space<smem>>
          %ne3A_324 = arith.cmpi ne, %get3A_321, %get3A_323 : i32
          %or3A_325 = arith.constant false
          %or3A_326 = arith.ori %or3A_325, %ne3A_324 : i1
          %or3A_327 = arith.constant false
          %or3A_328 = arith.ori %or3A_326, %or3A_327 : i1
          %or3A_329 = arith.constant false
          %or3A_330 = arith.ori %or3A_328, %or3A_329 : i1
          %sub3A_331 = arith.constant 2 : i32
          %sub3A_332 = arith.subi %mul3A_238, %sub3A_331 : i32
          %add3A_333 = arith.constant 1 : i32
          %add3A_334 = arith.addi %sub3A_332, %add3A_333 : i32
          %ge3A_335 = arith.cmpi sge, %while3A_222, %add3A_334 : i32
          %not3A_336 = arith.constant true
          %not3A_337 = arith.xori %ge3A_335, %not3A_336 : i1
          %and3A_338 = arith.andi %or3A_330, %not3A_337 : i1
          %add3A_339 = arith.constant 2 : i32
          %add3A_340 = arith.addi %while3A_229, %add3A_339 : i32
          %add3A_341 = arith.constant 1 : i32
          %add3A_342 = arith.addi %while3A_230, %add3A_341 : i32
          %select_n3A_343 = arith.constant true
          %select_n3A_344 = arith.select %select_n3A_343, %add3A_342, %while3A_230 : i32
          %select_n3A_345 = arith.constant false
          %select_n3A_346 = arith.constant 0 : i32
          %select_n3A_347 = arith.select %select_n3A_345, %select_n3A_346, %select_n3A_344 : i32
          %while3A_348:3 = scf.while (%while3A_739 = %while3A_230, %while3A_740 = %select_n3A_347, %while3A_741 = %while3A_228) : (i32, i32, i32) -> (i32, i32, i32) {
            %lt3A = arith.cmpi ult, %while3A_741, %add3A_340 : i32
            %lt3A_742 = arith.cmpi slt, %while3A_740, %get3A_0 : i32
            %and3A_743 = arith.constant true
            %and3A_744 = arith.andi %and3A_743, %lt3A_742 : i1
            %and3A_745 = arith.constant true
            %and3A_746 = arith.andi %and3A_745, %lt3A : i1
            %and3A_747 = arith.andi %and3A_746, %and3A_744 : i1
            scf.condition(%and3A_747) %while3A_739, %while3A_740, %while3A_741 : i32, i32, i32
          } do {
          ^bb0(%while3A_739: i32, %while3A_740: i32, %while3A_741: i32):
            %add3A_742 = arith.constant 0 : i32
            %add3A_743 = arith.addi %while3A_739, %add3A_742 : i32
            %add3A_744 = arith.constant 0 : i32
            %add3A_745 = arith.addi %while3A_740, %add3A_744 : i32
            %get3A_746 = arith.index_cast %add3A_743 : i32 to index
            %get3A_747 = memref.load %arg1[%get3A_746] : memref<32xi32, #tpu.memory_space<smem>>
            %get3A_748 = arith.index_cast %add3A_745 : i32 to index
            %get3A_749 = memref.load %arg1[%get3A_748] : memref<32xi32, #tpu.memory_space<smem>>
            %ne3A_750 = arith.cmpi ne, %get3A_747, %get3A_749 : i32
            %or3A_751 = arith.constant false
            %or3A_752 = arith.ori %or3A_751, %ne3A_750 : i1
            %or3A_753 = arith.constant false
            %or3A_754 = arith.ori %or3A_752, %or3A_753 : i1
            %or3A_755 = arith.constant false
            %or3A_756 = arith.ori %or3A_754, %or3A_755 : i1
            %convert_element_type3A_757 = arith.extui %or3A_756 : i1 to i32
            %cond3A_758 = arith.constant 0 : i32
            %cond3A_759 = arith.cmpi ne, %convert_element_type3A_757, %cond3A_758 : i32
            scf.if %cond3A_759 {
              %rem3A_769 = arith.constant 2 : i32
              %rem3A_770 = arith.remui %while3A_741, %rem3A_769 : i32
              %get3A_771 = arith.index_cast %add3A_745 : i32 to index
              %get3A_772 = memref.load %arg1[%get3A_771] : memref<32xi32, #tpu.memory_space<smem>>
              %mul3A_773 = arith.constant 1 : i32
              %mul3A_774 = arith.muli %mul3A_773, %get3A_772 : i32
              %dma_start3A_775 = tpu.memref_slice %run_scoped3A_6[%rem3A_770] : memref<2x!tpu.dma_semaphore, #tpu.memory_space<semaphore_mem>> -> memref<1x!tpu.dma_semaphore, #tpu.memory_space<semaphore_mem>>
              %dma_start3A_776 = tpu.memref_squeeze %dma_start3A_775 : memref<1x!tpu.dma_semaphore, #tpu.memory_space<semaphore_mem>> -> memref<!tpu.dma_semaphore, #tpu.memory_space<semaphore_mem>>
              %dma_start3A_777 = arith.constant 0 : i32
              %dma_start3A_778 = arith.constant 0 : i32
              %dma_start3A_779 = arith.constant 0 : i32
              %dma_start3A_780 = tpu.memref_slice %run_scoped3A_5[%rem3A_770, %dma_start3A_777, %dma_start3A_778, %dma_start3A_779] : memref<2x1x1024x2048xf32, #tpu.memory_space<vmem>> -> memref<1x1x1024x2048xf32, #tpu.memory_space<vmem>>
              %dma_start3A_781 = tpu.memref_squeeze %dma_start3A_780 : memref<1x1x1024x2048xf32, #tpu.memory_space<vmem>> -> memref<1x1024x2048xf32, #tpu.memory_space<vmem>>
              %dma_start3A_782 = arith.constant 0 : i32
              %dma_start3A_783 = arith.constant 0 : i32
              %dma_start3A_784 = tpu.memref_slice %arg5[%mul3A_774, %dma_start3A_782, %dma_start3A_783] : memref<16x1024x2048xf32, #tpu.memory_space<hbm>> -> memref<1x1024x2048xf32, #tpu.memory_space<hbm>>
              tpu.enqueue_dma source(%dma_start3A_784 : memref<1x1024x2048xf32, #tpu.memory_space<hbm>>) target(%dma_start3A_781 : memref<1x1024x2048xf32, #tpu.memory_space<vmem>>) target_semaphore(%dma_start3A_776 : memref<!tpu.dma_semaphore, #tpu.memory_space<semaphore_mem>>)
            } else {
            }
            %convert_element_type3A_760 = arith.extui %or3A_756 : i1 to i32
            %add3A_761 = arith.addi %while3A_741, %convert_element_type3A_760 : i32
            %add3A_762 = arith.constant 1 : i32
            %add3A_763 = arith.addi %while3A_740, %add3A_762 : i32
            %select_n3A_764 = arith.constant true
            %select_n3A_765 = arith.select %select_n3A_764, %add3A_763, %while3A_740 : i32
            %select_n3A_766 = arith.constant false
            %select_n3A_767 = arith.constant 0 : i32
            %select_n3A_768 = arith.select %select_n3A_766, %select_n3A_767, %select_n3A_765 : i32
            scf.yield %while3A_740, %select_n3A_768, %add3A_761 : i32, i32, i32
          }
          %get3A_349 = arith.index_cast %add3A_245 : i32 to index
          %get3A_350 = memref.load %arg1[%get3A_349] : memref<32xi32, #tpu.memory_space<smem>>
          %get3A_351 = arith.index_cast %add3A_265 : i32 to index
          %get3A_352 = memref.load %arg1[%get3A_351] : memref<32xi32, #tpu.memory_space<smem>>
          %ne3A_353 = arith.cmpi ne, %get3A_350, %get3A_352 : i32
          %or3A_354 = arith.constant false
          %or3A_355 = arith.ori %or3A_354, %ne3A_353 : i1
          %or3A_356 = arith.constant false
          %or3A_357 = arith.ori %or3A_355, %or3A_356 : i1
          %or3A_358 = arith.constant false
          %or3A_359 = arith.ori %or3A_357, %or3A_358 : i1
          %sub3A_360 = arith.constant 2 : i32
          %sub3A_361 = arith.subi %mul3A_238, %sub3A_360 : i32
          %add3A_362 = arith.constant 1 : i32
          %add3A_363 = arith.addi %sub3A_361, %add3A_362 : i32
          %ge3A_364 = arith.cmpi sge, %while3A_222, %add3A_363 : i32
          %not3A_365 = arith.constant true
          %not3A_366 = arith.xori %ge3A_364, %not3A_365 : i1
          %and3A_367 = arith.andi %or3A_359, %not3A_366 : i1
          %add3A_368 = arith.constant 2 : i32
          %add3A_369 = arith.addi %while3A_232, %add3A_368 : i32
          %add3A_370 = arith.constant 1 : i32
          %add3A_371 = arith.addi %while3A_233, %add3A_370 : i32
          %select_n3A_372 = arith.constant true
          %select_n3A_373 = arith.select %select_n3A_372, %add3A_371, %while3A_233 : i32
          %select_n3A_374 = arith.constant false
          %select_n3A_375 = arith.constant 0 : i32
          %select_n3A_376 = arith.select %select_n3A_374, %select_n3A_375, %select_n3A_373 : i32
          %while3A_377:3 = scf.while (%while3A_739 = %while3A_233, %while3A_740 = %select_n3A_376, %while3A_741 = %while3A_231) : (i32, i32, i32) -> (i32, i32, i32) {
            %lt3A = arith.cmpi ult, %while3A_741, %add3A_369 : i32
            %lt3A_742 = arith.cmpi slt, %while3A_740, %get3A_0 : i32
            %and3A_743 = arith.constant true
            %and3A_744 = arith.andi %and3A_743, %lt3A_742 : i1
            %and3A_745 = arith.constant true
            %and3A_746 = arith.andi %and3A_745, %lt3A : i1
            %and3A_747 = arith.andi %and3A_746, %and3A_744 : i1
            scf.condition(%and3A_747) %while3A_739, %while3A_740, %while3A_741 : i32, i32, i32
          } do {
          ^bb0(%while3A_739: i32, %while3A_740: i32, %while3A_741: i32):
            %add3A_742 = arith.constant 0 : i32
            %add3A_743 = arith.addi %while3A_739, %add3A_742 : i32
            %add3A_744 = arith.constant 0 : i32
            %add3A_745 = arith.addi %while3A_740, %add3A_744 : i32
            %get3A_746 = arith.index_cast %add3A_743 : i32 to index
            %get3A_747 = memref.load %arg1[%get3A_746] : memref<32xi32, #tpu.memory_space<smem>>
            %get3A_748 = arith.index_cast %add3A_745 : i32 to index
            %get3A_749 = memref.load %arg1[%get3A_748] : memref<32xi32, #tpu.memory_space<smem>>
            %ne3A_750 = arith.cmpi ne, %get3A_747, %get3A_749 : i32
            %or3A_751 = arith.constant false
            %or3A_752 = arith.ori %or3A_751, %ne3A_750 : i1
            %or3A_753 = arith.constant false
            %or3A_754 = arith.ori %or3A_752, %or3A_753 : i1
            %or3A_755 = arith.constant false
            %or3A_756 = arith.ori %or3A_754, %or3A_755 : i1
            %convert_element_type3A_757 = arith.extui %or3A_756 : i1 to i32
            %cond3A_758 = arith.constant 0 : i32
            %cond3A_759 = arith.cmpi ne, %convert_element_type3A_757, %cond3A_758 : i32
            scf.if %cond3A_759 {
              %rem3A_769 = arith.constant 2 : i32
              %rem3A_770 = arith.remui %while3A_741, %rem3A_769 : i32
              %get3A_771 = arith.index_cast %add3A_745 : i32 to index
              %get3A_772 = memref.load %arg1[%get3A_771] : memref<32xi32, #tpu.memory_space<smem>>
              %mul3A_773 = arith.constant 1 : i32
              %mul3A_774 = arith.muli %mul3A_773, %get3A_772 : i32
              %dma_start3A_775 = tpu.memref_slice %run_scoped3A_8[%rem3A_770] : memref<2x!tpu.dma_semaphore, #tpu.memory_space<semaphore_mem>> -> memref<1x!tpu.dma_semaphore, #tpu.memory_space<semaphore_mem>>
              %dma_start3A_776 = tpu.memref_squeeze %dma_start3A_775 : memref<1x!tpu.dma_semaphore, #tpu.memory_space<semaphore_mem>> -> memref<!tpu.dma_semaphore, #tpu.memory_space<semaphore_mem>>
              %dma_start3A_777 = arith.constant 0 : i32
              %dma_start3A_778 = arith.constant 0 : i32
              %dma_start3A_779 = arith.constant 0 : i32
              %dma_start3A_780 = tpu.memref_slice %run_scoped3A_7[%rem3A_770, %dma_start3A_777, %dma_start3A_778, %dma_start3A_779] : memref<2x1x2048x1024xf32, #tpu.memory_space<vmem>> -> memref<1x1x2048x1024xf32, #tpu.memory_space<vmem>>
              %dma_start3A_781 = tpu.memref_squeeze %dma_start3A_780 : memref<1x1x2048x1024xf32, #tpu.memory_space<vmem>> -> memref<1x2048x1024xf32, #tpu.memory_space<vmem>>
              %dma_start3A_782 = arith.constant 0 : i32
              %dma_start3A_783 = arith.constant 0 : i32
              %dma_start3A_784 = tpu.memref_slice %arg6[%mul3A_774, %dma_start3A_782, %dma_start3A_783] : memref<16x2048x1024xf32, #tpu.memory_space<hbm>> -> memref<1x2048x1024xf32, #tpu.memory_space<hbm>>
              tpu.enqueue_dma source(%dma_start3A_784 : memref<1x2048x1024xf32, #tpu.memory_space<hbm>>) target(%dma_start3A_781 : memref<1x2048x1024xf32, #tpu.memory_space<vmem>>) target_semaphore(%dma_start3A_776 : memref<!tpu.dma_semaphore, #tpu.memory_space<semaphore_mem>>)
            } else {
            }
            %convert_element_type3A_760 = arith.extui %or3A_756 : i1 to i32
            %add3A_761 = arith.addi %while3A_741, %convert_element_type3A_760 : i32
            %add3A_762 = arith.constant 1 : i32
            %add3A_763 = arith.addi %while3A_740, %add3A_762 : i32
            %select_n3A_764 = arith.constant true
            %select_n3A_765 = arith.select %select_n3A_764, %add3A_763, %while3A_740 : i32
            %select_n3A_766 = arith.constant false
            %select_n3A_767 = arith.constant 0 : i32
            %select_n3A_768 = arith.select %select_n3A_766, %select_n3A_767, %select_n3A_765 : i32
            scf.yield %while3A_740, %select_n3A_768, %add3A_761 : i32, i32, i32
          }
          %ne3A_378 = arith.cmpi ne, %add3A_245, %add3A_265 : i32
          %or3A_379 = arith.constant false
          %or3A_380 = arith.ori %or3A_379, %ne3A_378 : i1
          %or3A_381 = arith.constant false
          %or3A_382 = arith.ori %or3A_380, %or3A_381 : i1
          %sub3A_383 = arith.constant 2 : i32
          %sub3A_384 = arith.subi %mul3A_238, %sub3A_383 : i32
          %add3A_385 = arith.constant 1 : i32
          %add3A_386 = arith.addi %sub3A_384, %add3A_385 : i32
          %ge3A_387 = arith.cmpi sge, %while3A_222, %add3A_386 : i32
          %not3A_388 = arith.constant true
          %not3A_389 = arith.xori %ge3A_387, %not3A_388 : i1
          %and3A_390 = arith.andi %or3A_382, %not3A_389 : i1
          %ne3A_391 = arith.cmpi ne, %add3A_245, %add3A_256 : i32
          %or3A_392 = arith.constant false
          %or3A_393 = arith.ori %or3A_392, %ne3A_391 : i1
          %or3A_394 = arith.constant false
          %or3A_395 = arith.ori %or3A_393, %or3A_394 : i1
          %or3A_396 = arith.ori %or3A_395, %eq3A_240 : i1
          %convert_element_type3A_397 = arith.extui %or3A_396 : i1 to i32
          %cond3A_398 = arith.constant 0 : i32
          %cond3A_399 = arith.cmpi ne, %convert_element_type3A_397, %cond3A_398 : i32
          scf.if %cond3A_399 {
            "tpu.trace_start"() <{level = 10 : i32, message = "ep_wait_in"}> : () -> ()
            %mul3A_739 = arith.constant 256 : i32
            %mul3A_740 = arith.muli %mul3A_739, %add3A_245 : i32
            %rem3A_741 = arith.constant 2 : i32
            %rem3A_742 = arith.remui %while3A_224, %rem3A_741 : i32
            %dma_wait3A = tpu.memref_slice %run_scoped3A_2[%rem3A_742] : memref<2x!tpu.dma_semaphore, #tpu.memory_space<semaphore_mem>> -> memref<1x!tpu.dma_semaphore, #tpu.memory_space<semaphore_mem>>
            %dma_wait3A_743 = tpu.memref_squeeze %dma_wait3A : memref<1x!tpu.dma_semaphore, #tpu.memory_space<semaphore_mem>> -> memref<!tpu.dma_semaphore, #tpu.memory_space<semaphore_mem>>
            %dma_wait3A_744 = arith.constant 0 : i32
            %dma_wait3A_745 = arith.constant 0 : i32
            %dma_wait3A_746 = tpu.memref_slice %run_scoped3A[%rem3A_742, %dma_wait3A_744, %dma_wait3A_745] : memref<2x256x1024xf32, #tpu.memory_space<vmem>> -> memref<1x256x1024xf32, #tpu.memory_space<vmem>>
            %dma_wait3A_747 = tpu.memref_squeeze %dma_wait3A_746 : memref<1x256x1024xf32, #tpu.memory_space<vmem>> -> memref<256x1024xf32, #tpu.memory_space<vmem>>
            %dma_wait3A_748 = arith.constant 0 : i32
            %dma_wait3A_749 = tpu.memref_slice %arg3[%mul3A_740, %dma_wait3A_748] : memref<8192x1024xf32, #tpu.memory_space<hbm>> -> memref<256x1024xf32, #tpu.memory_space<hbm>>
            tpu.wait_dma2 semaphore(%dma_wait3A_743 : memref<!tpu.dma_semaphore, #tpu.memory_space<semaphore_mem>>) src(%dma_wait3A_749 : memref<256x1024xf32, #tpu.memory_space<hbm>>) dst(%dma_wait3A_747 : memref<256x1024xf32, #tpu.memory_space<vmem>>)
            "tpu.trace_stop"() : () -> ()
          } else {
          }
          %get3A_400 = arith.index_cast %add3A_245 : i32 to index
          %get3A_401 = memref.load %arg1[%get3A_400] : memref<32xi32, #tpu.memory_space<smem>>
          %get3A_402 = arith.index_cast %add3A_256 : i32 to index
          %get3A_403 = memref.load %arg1[%get3A_402] : memref<32xi32, #tpu.memory_space<smem>>
          %ne3A_404 = arith.cmpi ne, %get3A_401, %get3A_403 : i32
          %or3A_405 = arith.constant false
          %or3A_406 = arith.ori %or3A_405, %ne3A_404 : i1
          %or3A_407 = arith.constant false
          %or3A_408 = arith.ori %or3A_406, %or3A_407 : i1
          %or3A_409 = arith.constant false
          %or3A_410 = arith.ori %or3A_408, %or3A_409 : i1
          %or3A_411 = arith.ori %or3A_410, %eq3A_240 : i1
          %convert_element_type3A_412 = arith.extui %or3A_411 : i1 to i32
          %cond3A_413 = arith.constant 0 : i32
          %cond3A_414 = arith.cmpi ne, %convert_element_type3A_412, %cond3A_413 : i32
          scf.if %cond3A_414 {
            "tpu.trace_start"() <{level = 10 : i32, message = "ep_wait_in"}> : () -> ()
            %get3A_739 = arith.index_cast %add3A_245 : i32 to index
            %get3A_740 = memref.load %arg1[%get3A_739] : memref<32xi32, #tpu.memory_space<smem>>
            %mul3A_741 = arith.constant 1 : i32
            %mul3A_742 = arith.muli %mul3A_741, %get3A_740 : i32
            %rem3A_743 = arith.constant 2 : i32
            %rem3A_744 = arith.remui %while3A_226, %rem3A_743 : i32
            %dma_wait3A = tpu.memref_slice %run_scoped3A_4[%rem3A_744] : memref<2x!tpu.dma_semaphore, #tpu.memory_space<semaphore_mem>> -> memref<1x!tpu.dma_semaphore, #tpu.memory_space<semaphore_mem>>
            %dma_wait3A_745 = tpu.memref_squeeze %dma_wait3A : memref<1x!tpu.dma_semaphore, #tpu.memory_space<semaphore_mem>> -> memref<!tpu.dma_semaphore, #tpu.memory_space<semaphore_mem>>
            %dma_wait3A_746 = arith.constant 0 : i32
            %dma_wait3A_747 = arith.constant 0 : i32
            %dma_wait3A_748 = arith.constant 0 : i32
            %dma_wait3A_749 = tpu.memref_slice %run_scoped3A_3[%rem3A_744, %dma_wait3A_746, %dma_wait3A_747, %dma_wait3A_748] : memref<2x1x1024x2048xf32, #tpu.memory_space<vmem>> -> memref<1x1x1024x2048xf32, #tpu.memory_space<vmem>>
            %dma_wait3A_750 = tpu.memref_squeeze %dma_wait3A_749 : memref<1x1x1024x2048xf32, #tpu.memory_space<vmem>> -> memref<1x1024x2048xf32, #tpu.memory_space<vmem>>
            %dma_wait3A_751 = arith.constant 0 : i32
            %dma_wait3A_752 = arith.constant 0 : i32
            %dma_wait3A_753 = tpu.memref_slice %arg4[%mul3A_742, %dma_wait3A_751, %dma_wait3A_752] : memref<16x1024x2048xf32, #tpu.memory_space<hbm>> -> memref<1x1024x2048xf32, #tpu.memory_space<hbm>>
            tpu.wait_dma2 semaphore(%dma_wait3A_745 : memref<!tpu.dma_semaphore, #tpu.memory_space<semaphore_mem>>) src(%dma_wait3A_753 : memref<1x1024x2048xf32, #tpu.memory_space<hbm>>) dst(%dma_wait3A_750 : memref<1x1024x2048xf32, #tpu.memory_space<vmem>>)
            "tpu.trace_stop"() : () -> ()
          } else {
          }
          %get3A_415 = arith.index_cast %add3A_245 : i32 to index
          %get3A_416 = memref.load %arg1[%get3A_415] : memref<32xi32, #tpu.memory_space<smem>>
          %get3A_417 = arith.index_cast %add3A_256 : i32 to index
          %get3A_418 = memref.load %arg1[%get3A_417] : memref<32xi32, #tpu.memory_space<smem>>
          %ne3A_419 = arith.cmpi ne, %get3A_416, %get3A_418 : i32
          %or3A_420 = arith.constant false
          %or3A_421 = arith.ori %or3A_420, %ne3A_419 : i1
          %or3A_422 = arith.constant false
          %or3A_423 = arith.ori %or3A_421, %or3A_422 : i1
          %or3A_424 = arith.constant false
          %or3A_425 = arith.ori %or3A_423, %or3A_424 : i1
          %or3A_426 = arith.ori %or3A_425, %eq3A_240 : i1
          %convert_element_type3A_427 = arith.extui %or3A_426 : i1 to i32
          %cond3A_428 = arith.constant 0 : i32
          %cond3A_429 = arith.cmpi ne, %convert_element_type3A_427, %cond3A_428 : i32
          scf.if %cond3A_429 {
            "tpu.trace_start"() <{level = 10 : i32, message = "ep_wait_in"}> : () -> ()
            %get3A_739 = arith.index_cast %add3A_245 : i32 to index
            %get3A_740 = memref.load %arg1[%get3A_739] : memref<32xi32, #tpu.memory_space<smem>>
            %mul3A_741 = arith.constant 1 : i32
            %mul3A_742 = arith.muli %mul3A_741, %get3A_740 : i32
            %rem3A_743 = arith.constant 2 : i32
            %rem3A_744 = arith.remui %while3A_229, %rem3A_743 : i32
            %dma_wait3A = tpu.memref_slice %run_scoped3A_6[%rem3A_744] : memref<2x!tpu.dma_semaphore, #tpu.memory_space<semaphore_mem>> -> memref<1x!tpu.dma_semaphore, #tpu.memory_space<semaphore_mem>>
            %dma_wait3A_745 = tpu.memref_squeeze %dma_wait3A : memref<1x!tpu.dma_semaphore, #tpu.memory_space<semaphore_mem>> -> memref<!tpu.dma_semaphore, #tpu.memory_space<semaphore_mem>>
            %dma_wait3A_746 = arith.constant 0 : i32
            %dma_wait3A_747 = arith.constant 0 : i32
            %dma_wait3A_748 = arith.constant 0 : i32
            %dma_wait3A_749 = tpu.memref_slice %run_scoped3A_5[%rem3A_744, %dma_wait3A_746, %dma_wait3A_747, %dma_wait3A_748] : memref<2x1x1024x2048xf32, #tpu.memory_space<vmem>> -> memref<1x1x1024x2048xf32, #tpu.memory_space<vmem>>
            %dma_wait3A_750 = tpu.memref_squeeze %dma_wait3A_749 : memref<1x1x1024x2048xf32, #tpu.memory_space<vmem>> -> memref<1x1024x2048xf32, #tpu.memory_space<vmem>>
            %dma_wait3A_751 = arith.constant 0 : i32
            %dma_wait3A_752 = arith.constant 0 : i32
            %dma_wait3A_753 = tpu.memref_slice %arg5[%mul3A_742, %dma_wait3A_751, %dma_wait3A_752] : memref<16x1024x2048xf32, #tpu.memory_space<hbm>> -> memref<1x1024x2048xf32, #tpu.memory_space<hbm>>
            tpu.wait_dma2 semaphore(%dma_wait3A_745 : memref<!tpu.dma_semaphore, #tpu.memory_space<semaphore_mem>>) src(%dma_wait3A_753 : memref<1x1024x2048xf32, #tpu.memory_space<hbm>>) dst(%dma_wait3A_750 : memref<1x1024x2048xf32, #tpu.memory_space<vmem>>)
            "tpu.trace_stop"() : () -> ()
          } else {
          }
          %get3A_430 = arith.index_cast %add3A_245 : i32 to index
          %get3A_431 = memref.load %arg1[%get3A_430] : memref<32xi32, #tpu.memory_space<smem>>
          %get3A_432 = arith.index_cast %add3A_256 : i32 to index
          %get3A_433 = memref.load %arg1[%get3A_432] : memref<32xi32, #tpu.memory_space<smem>>
          %ne3A_434 = arith.cmpi ne, %get3A_431, %get3A_433 : i32
          %or3A_435 = arith.constant false
          %or3A_436 = arith.ori %or3A_435, %ne3A_434 : i1
          %or3A_437 = arith.constant false
          %or3A_438 = arith.ori %or3A_436, %or3A_437 : i1
          %or3A_439 = arith.constant false
          %or3A_440 = arith.ori %or3A_438, %or3A_439 : i1
          %or3A_441 = arith.ori %or3A_440, %eq3A_240 : i1
          %convert_element_type3A_442 = arith.extui %or3A_441 : i1 to i32
          %cond3A_443 = arith.constant 0 : i32
          %cond3A_444 = arith.cmpi ne, %convert_element_type3A_442, %cond3A_443 : i32
          scf.if %cond3A_444 {
            "tpu.trace_start"() <{level = 10 : i32, message = "ep_wait_in"}> : () -> ()
            %get3A_739 = arith.index_cast %add3A_245 : i32 to index
            %get3A_740 = memref.load %arg1[%get3A_739] : memref<32xi32, #tpu.memory_space<smem>>
            %mul3A_741 = arith.constant 1 : i32
            %mul3A_742 = arith.muli %mul3A_741, %get3A_740 : i32
            %rem3A_743 = arith.constant 2 : i32
            %rem3A_744 = arith.remui %while3A_232, %rem3A_743 : i32
            %dma_wait3A = tpu.memref_slice %run_scoped3A_8[%rem3A_744] : memref<2x!tpu.dma_semaphore, #tpu.memory_space<semaphore_mem>> -> memref<1x!tpu.dma_semaphore, #tpu.memory_space<semaphore_mem>>
            %dma_wait3A_745 = tpu.memref_squeeze %dma_wait3A : memref<1x!tpu.dma_semaphore, #tpu.memory_space<semaphore_mem>> -> memref<!tpu.dma_semaphore, #tpu.memory_space<semaphore_mem>>
            %dma_wait3A_746 = arith.constant 0 : i32
            %dma_wait3A_747 = arith.constant 0 : i32
            %dma_wait3A_748 = arith.constant 0 : i32
            %dma_wait3A_749 = tpu.memref_slice %run_scoped3A_7[%rem3A_744, %dma_wait3A_746, %dma_wait3A_747, %dma_wait3A_748] : memref<2x1x2048x1024xf32, #tpu.memory_space<vmem>> -> memref<1x1x2048x1024xf32, #tpu.memory_space<vmem>>
            %dma_wait3A_750 = tpu.memref_squeeze %dma_wait3A_749 : memref<1x1x2048x1024xf32, #tpu.memory_space<vmem>> -> memref<1x2048x1024xf32, #tpu.memory_space<vmem>>
            %dma_wait3A_751 = arith.constant 0 : i32
            %dma_wait3A_752 = arith.constant 0 : i32
            %dma_wait3A_753 = tpu.memref_slice %arg6[%mul3A_742, %dma_wait3A_751, %dma_wait3A_752] : memref<16x2048x1024xf32, #tpu.memory_space<hbm>> -> memref<1x2048x1024xf32, #tpu.memory_space<hbm>>
            tpu.wait_dma2 semaphore(%dma_wait3A_745 : memref<!tpu.dma_semaphore, #tpu.memory_space<semaphore_mem>>) src(%dma_wait3A_753 : memref<1x2048x1024xf32, #tpu.memory_space<hbm>>) dst(%dma_wait3A_750 : memref<1x2048x1024xf32, #tpu.memory_space<vmem>>)
            "tpu.trace_stop"() : () -> ()
          } else {
          }
          %ne3A_445 = arith.cmpi ne, %add3A_245, %add3A_256 : i32
          %or3A_446 = arith.constant false
          %or3A_447 = arith.ori %or3A_446, %ne3A_445 : i1
          %or3A_448 = arith.constant false
          %or3A_449 = arith.ori %or3A_447, %or3A_448 : i1
          %or3A_450 = arith.ori %or3A_449, %eq3A_240 : i1
          %convert_element_type3A_451 = arith.extui %or3A_450 : i1 to i32
          %cond3A_452 = arith.constant 0 : i32
          %cond3A_453 = arith.cmpi ne, %convert_element_type3A_451, %cond3A_452 : i32
          scf.if %cond3A_453 {
          } else {
          }
          %rem3A_454 = arith.constant 2 : i32
          %rem3A_455 = arith.remui %while3A_224, %rem3A_454 : i32
          %rem3A_456 = arith.constant 2 : i32
          %rem3A_457 = arith.remui %while3A_226, %rem3A_456 : i32
          %rem3A_458 = arith.constant 2 : i32
          %rem3A_459 = arith.remui %while3A_229, %rem3A_458 : i32
          %rem3A_460 = arith.constant 2 : i32
          %rem3A_461 = arith.remui %while3A_232, %rem3A_460 : i32
          %rem3A_462 = arith.constant 2 : i32
          %rem3A_463 = arith.remui %while3A_234, %rem3A_462 : i32
          "tpu.trace_start"() <{level = 10 : i32, message = "ep_run_kernel"}> : () -> ()
          %get3A_464 = arith.index_cast %rem3A_455 : i32 to index
          %get3A_465 = arith.constant 0 : index
          %get3A_466 = arith.constant 0 : index
          %get3A_467 = vector.load %run_scoped3A[%get3A_464, %get3A_465, %get3A_466] : memref<2x256x1024xf32, #tpu.memory_space<vmem>>, vector<1x256x1024xf32>
          %get3A_468 = vector.shape_cast %get3A_467 : vector<1x256x1024xf32> to vector<256x1024xf32>
          %get3A_469 = arith.constant 0 : i32
          %get3A_470 = arith.constant 0 : i32
          %get3A_471 = arith.constant 0 : i32
          %get3A_472 = tpu.memref_slice %run_scoped3A_3[%rem3A_457, %get3A_469, %get3A_470, %get3A_471] : memref<2x1x1024x2048xf32, #tpu.memory_space<vmem>> -> memref<1x1x1024x2048xf32, #tpu.memory_space<vmem>>
          %get3A_473 = tpu.memref_squeeze %get3A_472 : memref<1x1x1024x2048xf32, #tpu.memory_space<vmem>> -> memref<1x1024x2048xf32, #tpu.memory_space<vmem>>
          %get3A_474 = arith.constant 0 : index
          %get3A_475 = arith.constant 0 : index
          %get3A_476 = arith.constant 0 : index
          %get3A_477 = vector.load %get3A_473[%get3A_474, %get3A_475, %get3A_476] : memref<1x1024x2048xf32, #tpu.memory_space<vmem>>, vector<1x1024x2048xf32>
          %get3A_478 = vector.shape_cast %get3A_477 : vector<1x1024x2048xf32> to vector<1024x2048xf32>
          %dot_general3A = arith.constant dense<0.000000e+00> : vector<256x2048xf32>
          %dot_general3A_479 = tpu.matmul %get3A_468, %get3A_478, %dot_general3A {dimension_numbers = #tpu.dot_dimension_numbers<[1], [0], [0], [1], [0, 0, 1, 1], [], []>, transpose_lhs_hint = false} : vector<256x1024xf32>, vector<1024x2048xf32>, vector<256x2048xf32> -> vector<256x2048xf32>
          %get3A_480 = arith.constant 0 : i32
          %get3A_481 = arith.constant 0 : i32
          %get3A_482 = arith.constant 0 : i32
          %get3A_483 = tpu.memref_slice %run_scoped3A_5[%rem3A_459, %get3A_480, %get3A_481, %get3A_482] : memref<2x1x1024x2048xf32, #tpu.memory_space<vmem>> -> memref<1x1x1024x2048xf32, #tpu.memory_space<vmem>>
          %get3A_484 = tpu.memref_squeeze %get3A_483 : memref<1x1x1024x2048xf32, #tpu.memory_space<vmem>> -> memref<1x1024x2048xf32, #tpu.memory_space<vmem>>
          %get3A_485 = arith.constant 0 : index
          %get3A_486 = arith.constant 0 : index
          %get3A_487 = arith.constant 0 : index
          %get3A_488 = vector.load %get3A_484[%get3A_485, %get3A_486, %get3A_487] : memref<1x1024x2048xf32, #tpu.memory_space<vmem>>, vector<1x1024x2048xf32>
          %get3A_489 = vector.shape_cast %get3A_488 : vector<1x1024x2048xf32> to vector<1024x2048xf32>
          %dot_general3A_490 = arith.constant dense<0.000000e+00> : vector<256x2048xf32>
          %dot_general3A_491 = tpu.matmul %get3A_468, %get3A_489, %dot_general3A_490 {dimension_numbers = #tpu.dot_dimension_numbers<[1], [0], [0], [1], [0, 0, 1, 1], [], []>, transpose_lhs_hint = false} : vector<256x1024xf32>, vector<1024x2048xf32>, vector<256x2048xf32> -> vector<256x2048xf32>
          %logistic3A = arith.negf %dot_general3A_479 : vector<256x2048xf32>
          %logistic3A_492 = math.exp %logistic3A : vector<256x2048xf32>
          %logistic3A_493 = arith.constant 1.000000e+00 : f32
          %logistic3A_494 = vector.broadcast %logistic3A_493 : f32 to vector<256x2048xf32>
          %logistic3A_495 = arith.addf %logistic3A_494, %logistic3A_492 : vector<256x2048xf32>
          %logistic3A_496 = arith.divf %logistic3A_494, %logistic3A_495 : vector<256x2048xf32>
          %mul3A_497 = arith.mulf %dot_general3A_479, %logistic3A_496 : vector<256x2048xf32>
          %mul3A_498 = arith.mulf %mul3A_497, %dot_general3A_491 : vector<256x2048xf32>
          %get3A_499 = arith.constant 0 : i32
          %get3A_500 = arith.constant 0 : i32
          %get3A_501 = arith.constant 0 : i32
          %get3A_502 = tpu.memref_slice %run_scoped3A_7[%rem3A_461, %get3A_499, %get3A_500, %get3A_501] : memref<2x1x2048x1024xf32, #tpu.memory_space<vmem>> -> memref<1x1x2048x1024xf32, #tpu.memory_space<vmem>>
          %get3A_503 = tpu.memref_squeeze %get3A_502 : memref<1x1x2048x1024xf32, #tpu.memory_space<vmem>> -> memref<1x2048x1024xf32, #tpu.memory_space<vmem>>
          %get3A_504 = arith.constant 0 : index
          %get3A_505 = arith.constant 0 : index
          %get3A_506 = arith.constant 0 : index
          %get3A_507 = vector.load %get3A_503[%get3A_504, %get3A_505, %get3A_506] : memref<1x2048x1024xf32, #tpu.memory_space<vmem>>, vector<1x2048x1024xf32>
          %get3A_508 = vector.shape_cast %get3A_507 : vector<1x2048x1024xf32> to vector<2048x1024xf32>
          %dot_general3A_509 = arith.constant dense<0.000000e+00> : vector<256x1024xf32>
          %dot_general3A_510 = tpu.matmul %mul3A_498, %get3A_508, %dot_general3A_509 {dimension_numbers = #tpu.dot_dimension_numbers<[1], [0], [0], [1], [0, 0, 1, 1], [], []>, transpose_lhs_hint = false} : vector<256x2048xf32>, vector<2048x1024xf32>, vector<256x1024xf32> -> vector<256x1024xf32>
          %swap3A = arith.index_cast %rem3A_463 : i32 to index
          %swap3A_511 = arith.constant 0 : index
          %swap3A_512 = arith.constant 0 : index
          %swap3A_513 = vector.load %run_scoped3A_9[%swap3A, %swap3A_511, %swap3A_512] : memref<2x256x1024xf32, #tpu.memory_space<vmem>>, vector<1x256x1024xf32>
          %swap3A_514 = vector.shape_cast %swap3A_513 : vector<1x256x1024xf32> to vector<256x1024xf32>
          %swap3A_515 = vector.shape_cast %dot_general3A_510 : vector<256x1024xf32> to vector<1x256x1024xf32>
          tpu.vector_store %run_scoped3A_9[%swap3A, %swap3A_511, %swap3A_512], %swap3A_515 {strides = array<i32>} : memref<2x256x1024xf32, #tpu.memory_space<vmem>>, vector<1x256x1024xf32>,
          "tpu.trace_stop"() : () -> ()
          %ne3A_516 = arith.cmpi ne, %add3A_245, %add3A_265 : i32
          %or3A_517 = arith.constant false
          %or3A_518 = arith.ori %or3A_517, %ne3A_516 : i1
          %or3A_519 = arith.constant false
          %or3A_520 = arith.ori %or3A_518, %or3A_519 : i1
          %or3A_521 = arith.ori %or3A_520, %eq3A_243 : i1
          %convert_element_type3A_522 = arith.extui %or3A_521 : i1 to i32
          %cond3A_523 = arith.constant 0 : i32
          %cond3A_524 = arith.cmpi ne, %convert_element_type3A_522, %cond3A_523 : i32
          scf.if %cond3A_524 {
          } else {
          }
          %and3A_525 = arith.constant false
          %and3A_526 = arith.andi %or3A_521, %and3A_525 : i1
          %get3A_527 = arith.index_cast %add3A_245 : i32 to index
          %get3A_528 = memref.load %arg1[%get3A_527] : memref<32xi32, #tpu.memory_space<smem>>
          %get3A_529 = arith.index_cast %add3A_265 : i32 to index
          %get3A_530 = memref.load %arg1[%get3A_529] : memref<32xi32, #tpu.memory_space<smem>>
          %ne3A_531 = arith.cmpi ne, %get3A_528, %get3A_530 : i32
          %or3A_532 = arith.constant false
          %or3A_533 = arith.ori %or3A_532, %ne3A_531 : i1
          %or3A_534 = arith.constant false
          %or3A_535 = arith.ori %or3A_533, %or3A_534 : i1
          %or3A_536 = arith.constant false
          %or3A_537 = arith.ori %or3A_535, %or3A_536 : i1
          %or3A_538 = arith.ori %or3A_537, %eq3A_243 : i1
          %convert_element_type3A_539 = arith.extui %or3A_538 : i1 to i32
          %cond3A_540 = arith.constant 0 : i32
          %cond3A_541 = arith.cmpi ne, %convert_element_type3A_539, %cond3A_540 : i32
          scf.if %cond3A_541 {
          } else {
          }
          %and3A_542 = arith.constant false
          %and3A_543 = arith.andi %or3A_538, %and3A_542 : i1
          %get3A_544 = arith.index_cast %add3A_245 : i32 to index
          %get3A_545 = memref.load %arg1[%get3A_544] : memref<32xi32, #tpu.memory_space<smem>>
          %get3A_546 = arith.index_cast %add3A_265 : i32 to index
          %get3A_547 = memref.load %arg1[%get3A_546] : memref<32xi32, #tpu.memory_space<smem>>
          %ne3A_548 = arith.cmpi ne, %get3A_545, %get3A_547 : i32
          %or3A_549 = arith.constant false
          %or3A_550 = arith.ori %or3A_549, %ne3A_548 : i1
          %or3A_551 = arith.constant false
          %or3A_552 = arith.ori %or3A_550, %or3A_551 : i1
          %or3A_553 = arith.constant false
          %or3A_554 = arith.ori %or3A_552, %or3A_553 : i1
          %or3A_555 = arith.ori %or3A_554, %eq3A_243 : i1
          %convert_element_type3A_556 = arith.extui %or3A_555 : i1 to i32
          %cond3A_557 = arith.constant 0 : i32
          %cond3A_558 = arith.cmpi ne, %convert_element_type3A_556, %cond3A_557 : i32
          scf.if %cond3A_558 {
          } else {
          }
          %and3A_559 = arith.constant false
          %and3A_560 = arith.andi %or3A_555, %and3A_559 : i1
          %get3A_561 = arith.index_cast %add3A_245 : i32 to index
          %get3A_562 = memref.load %arg1[%get3A_561] : memref<32xi32, #tpu.memory_space<smem>>
          %get3A_563 = arith.index_cast %add3A_265 : i32 to index
          %get3A_564 = memref.load %arg1[%get3A_563] : memref<32xi32, #tpu.memory_space<smem>>
          %ne3A_565 = arith.cmpi ne, %get3A_562, %get3A_564 : i32
          %or3A_566 = arith.constant false
          %or3A_567 = arith.ori %or3A_566, %ne3A_565 : i1
          %or3A_568 = arith.constant false
          %or3A_569 = arith.ori %or3A_567, %or3A_568 : i1
          %or3A_570 = arith.constant false
          %or3A_571 = arith.ori %or3A_569, %or3A_570 : i1
          %or3A_572 = arith.ori %or3A_571, %eq3A_243 : i1
          %convert_element_type3A_573 = arith.extui %or3A_572 : i1 to i32
          %cond3A_574 = arith.constant 0 : i32
          %cond3A_575 = arith.cmpi ne, %convert_element_type3A_573, %cond3A_574 : i32
          scf.if %cond3A_575 {
          } else {
          }
          %and3A_576 = arith.constant false
          %and3A_577 = arith.andi %or3A_572, %and3A_576 : i1
          %ne3A_578 = arith.cmpi ne, %add3A_245, %add3A_265 : i32
          %or3A_579 = arith.constant false
          %or3A_580 = arith.ori %or3A_579, %ne3A_578 : i1
          %or3A_581 = arith.constant false
          %or3A_582 = arith.ori %or3A_580, %or3A_581 : i1
          %or3A_583 = arith.ori %or3A_582, %eq3A_243 : i1
          %convert_element_type3A_584 = arith.extui %or3A_583 : i1 to i32
          %cond3A_585 = arith.constant 0 : i32
          %cond3A_586 = arith.cmpi ne, %convert_element_type3A_584, %cond3A_585 : i32
          scf.if %cond3A_586 {
            "tpu.trace_start"() <{level = 10 : i32, message = "ep_copy_out"}> : () -> ()
            %rem3A_739 = arith.constant 2 : i32
            %rem3A_740 = arith.remui %while3A_234, %rem3A_739 : i32
            %mul3A_741 = arith.constant 256 : i32
            %mul3A_742 = arith.muli %mul3A_741, %add3A_245 : i32
            %dma_start3A_743 = tpu.memref_slice %run_scoped3A_10[%rem3A_740] : memref<2x!tpu.dma_semaphore, #tpu.memory_space<semaphore_mem>> -> memref<1x!tpu.dma_semaphore, #tpu.memory_space<semaphore_mem>>
            %dma_start3A_744 = tpu.memref_squeeze %dma_start3A_743 : memref<1x!tpu.dma_semaphore, #tpu.memory_space<semaphore_mem>> -> memref<!tpu.dma_semaphore, #tpu.memory_space<semaphore_mem>>
            %dma_start3A_745 = arith.constant 0 : i32
            %dma_start3A_746 = tpu.memref_slice %arg7[%mul3A_742, %dma_start3A_745] : memref<8192x1024xf32, #tpu.memory_space<hbm>> -> memref<256x1024xf32, #tpu.memory_space<hbm>>
            %dma_start3A_747 = arith.constant 0 : i32
            %dma_start3A_748 = arith.constant 0 : i32
            %dma_start3A_749 = tpu.memref_slice %run_scoped3A_9[%rem3A_740, %dma_start3A_747, %dma_start3A_748] : memref<2x256x1024xf32, #tpu.memory_space<vmem>> -> memref<1x256x1024xf32, #tpu.memory_space<vmem>>
            %dma_start3A_750 = tpu.memref_squeeze %dma_start3A_749 : memref<1x256x1024xf32, #tpu.memory_space<vmem>> -> memref<256x1024xf32, #tpu.memory_space<vmem>>
            tpu.enqueue_dma source(%dma_start3A_750 : memref<256x1024xf32, #tpu.memory_space<vmem>>) target(%dma_start3A_746 : memref<256x1024xf32, #tpu.memory_space<hbm>>) target_semaphore(%dma_start3A_744 : memref<!tpu.dma_semaphore, #tpu.memory_space<semaphore_mem>>)
            "tpu.trace_stop"() : () -> ()
          } else {
          }
          %and3A_587 = arith.constant true
          %and3A_588 = arith.andi %or3A_583, %and3A_587 : i1
          %add3A_589 = arith.constant 1 : i32
          %add3A_590 = arith.addi %while3A_234, %add3A_589 : i32
          %select_n3A_591 = arith.select %and3A_588, %add3A_590, %while3A_234 : i32
          %ne3A_592 = arith.cmpi ne, %add3A_245, %add3A_256 : i32
          %or3A_593 = arith.constant false
          %or3A_594 = arith.ori %or3A_593, %ne3A_592 : i1
          %or3A_595 = arith.constant false
          %or3A_596 = arith.ori %or3A_594, %or3A_595 : i1
          %not3A_597 = arith.constant true
          %not3A_598 = arith.xori %eq3A_240, %not3A_597 : i1
          %and3A_599 = arith.andi %or3A_596, %not3A_598 : i1
          %convert_element_type3A_600 = arith.extui %and3A_599 : i1 to i32
          %cond3A_601 = arith.constant 0 : i32
          %cond3A_602 = arith.cmpi ne, %convert_element_type3A_600, %cond3A_601 : i32
          scf.if %cond3A_602 {
          } else {
          }
          %and3A_603 = arith.constant false
          %and3A_604 = arith.andi %and3A_599, %and3A_603 : i1
          %get3A_605 = arith.index_cast %add3A_245 : i32 to index
          %get3A_606 = memref.load %arg1[%get3A_605] : memref<32xi32, #tpu.memory_space<smem>>
          %get3A_607 = arith.index_cast %add3A_256 : i32 to index
          %get3A_608 = memref.load %arg1[%get3A_607] : memref<32xi32, #tpu.memory_space<smem>>
          %ne3A_609 = arith.cmpi ne, %get3A_606, %get3A_608 : i32
          %or3A_610 = arith.constant false
          %or3A_611 = arith.ori %or3A_610, %ne3A_609 : i1
          %or3A_612 = arith.constant false
          %or3A_613 = arith.ori %or3A_611, %or3A_612 : i1
          %or3A_614 = arith.constant false
          %or3A_615 = arith.ori %or3A_613, %or3A_614 : i1
          %not3A_616 = arith.constant true
          %not3A_617 = arith.xori %eq3A_240, %not3A_616 : i1
          %and3A_618 = arith.andi %or3A_615, %not3A_617 : i1
          %convert_element_type3A_619 = arith.extui %and3A_618 : i1 to i32
          %cond3A_620 = arith.constant 0 : i32
          %cond3A_621 = arith.cmpi ne, %convert_element_type3A_619, %cond3A_620 : i32
          scf.if %cond3A_621 {
          } else {
          }
          %and3A_622 = arith.constant false
          %and3A_623 = arith.andi %and3A_618, %and3A_622 : i1
          %get3A_624 = arith.index_cast %add3A_245 : i32 to index
          %get3A_625 = memref.load %arg1[%get3A_624] : memref<32xi32, #tpu.memory_space<smem>>
          %get3A_626 = arith.index_cast %add3A_256 : i32 to index
          %get3A_627 = memref.load %arg1[%get3A_626] : memref<32xi32, #tpu.memory_space<smem>>
          %ne3A_628 = arith.cmpi ne, %get3A_625, %get3A_627 : i32
          %or3A_629 = arith.constant false
          %or3A_630 = arith.ori %or3A_629, %ne3A_628 : i1
          %or3A_631 = arith.constant false
          %or3A_632 = arith.ori %or3A_630, %or3A_631 : i1
          %or3A_633 = arith.constant false
          %or3A_634 = arith.ori %or3A_632, %or3A_633 : i1
          %not3A_635 = arith.constant true
          %not3A_636 = arith.xori %eq3A_240, %not3A_635 : i1
          %and3A_637 = arith.andi %or3A_634, %not3A_636 : i1
          %convert_element_type3A_638 = arith.extui %and3A_637 : i1 to i32
          %cond3A_639 = arith.constant 0 : i32
          %cond3A_640 = arith.cmpi ne, %convert_element_type3A_638, %cond3A_639 : i32
          scf.if %cond3A_640 {
          } else {
          }
          %and3A_641 = arith.constant false
          %and3A_642 = arith.andi %and3A_637, %and3A_641 : i1
          %get3A_643 = arith.index_cast %add3A_245 : i32 to index
          %get3A_644 = memref.load %arg1[%get3A_643] : memref<32xi32, #tpu.memory_space<smem>>
          %get3A_645 = arith.index_cast %add3A_256 : i32 to index
          %get3A_646 = memref.load %arg1[%get3A_645] : memref<32xi32, #tpu.memory_space<smem>>
          %ne3A_647 = arith.cmpi ne, %get3A_644, %get3A_646 : i32
          %or3A_648 = arith.constant false
          %or3A_649 = arith.ori %or3A_648, %ne3A_647 : i1
          %or3A_650 = arith.constant false
          %or3A_651 = arith.ori %or3A_649, %or3A_650 : i1
          %or3A_652 = arith.constant false
          %or3A_653 = arith.ori %or3A_651, %or3A_652 : i1
          %not3A_654 = arith.constant true
          %not3A_655 = arith.xori %eq3A_240, %not3A_654 : i1
          %and3A_656 = arith.andi %or3A_653, %not3A_655 : i1
          %convert_element_type3A_657 = arith.extui %and3A_656 : i1 to i32
          %cond3A_658 = arith.constant 0 : i32
          %cond3A_659 = arith.cmpi ne, %convert_element_type3A_657, %cond3A_658 : i32
          scf.if %cond3A_659 {
          } else {
          }
          %and3A_660 = arith.constant false
          %and3A_661 = arith.andi %and3A_656, %and3A_660 : i1
          %ne3A_662 = arith.cmpi ne, %add3A_245, %add3A_256 : i32
          %or3A_663 = arith.constant false
          %or3A_664 = arith.ori %or3A_663, %ne3A_662 : i1
          %or3A_665 = arith.constant false
          %or3A_666 = arith.ori %or3A_664, %or3A_665 : i1
          %not3A_667 = arith.constant true
          %not3A_668 = arith.xori %eq3A_240, %not3A_667 : i1
          %and3A_669 = arith.andi %or3A_666, %not3A_668 : i1
          %convert_element_type3A_670 = arith.extui %and3A_669 : i1 to i32
          %cond3A_671 = arith.constant 0 : i32
          %cond3A_672 = arith.cmpi ne, %convert_element_type3A_670, %cond3A_671 : i32
          scf.if %cond3A_672 {
            "tpu.trace_start"() <{level = 10 : i32, message = "ep_wait_out"}> : () -> ()
            %rem3A_739 = arith.constant 2 : i32
            %rem3A_740 = arith.remui %while3A_235, %rem3A_739 : i32
            %mul3A_741 = arith.constant 256 : i32
            %mul3A_742 = arith.muli %mul3A_741, %add3A_256 : i32
            %dma_wait3A = tpu.memref_slice %run_scoped3A_10[%rem3A_740] : memref<2x!tpu.dma_semaphore, #tpu.memory_space<semaphore_mem>> -> memref<1x!tpu.dma_semaphore, #tpu.memory_space<semaphore_mem>>
            %dma_wait3A_743 = tpu.memref_squeeze %dma_wait3A : memref<1x!tpu.dma_semaphore, #tpu.memory_space<semaphore_mem>> -> memref<!tpu.dma_semaphore, #tpu.memory_space<semaphore_mem>>
            %dma_wait3A_744 = arith.constant 0 : i32
            %dma_wait3A_745 = tpu.memref_slice %arg7[%mul3A_742, %dma_wait3A_744] : memref<8192x1024xf32, #tpu.memory_space<hbm>> -> memref<256x1024xf32, #tpu.memory_space<hbm>>
            %dma_wait3A_746 = arith.constant 0 : i32
            %dma_wait3A_747 = arith.constant 0 : i32
            %dma_wait3A_748 = tpu.memref_slice %run_scoped3A_9[%rem3A_740, %dma_wait3A_746, %dma_wait3A_747] : memref<2x256x1024xf32, #tpu.memory_space<vmem>> -> memref<1x256x1024xf32, #tpu.memory_space<vmem>>
            %dma_wait3A_749 = tpu.memref_squeeze %dma_wait3A_748 : memref<1x256x1024xf32, #tpu.memory_space<vmem>> -> memref<256x1024xf32, #tpu.memory_space<vmem>>
            tpu.wait_dma2 semaphore(%dma_wait3A_743 : memref<!tpu.dma_semaphore, #tpu.memory_space<semaphore_mem>>) src(%dma_wait3A_749 : memref<256x1024xf32, #tpu.memory_space<vmem>>) dst(%dma_wait3A_745 : memref<256x1024xf32, #tpu.memory_space<hbm>>)
            "tpu.trace_stop"() : () -> ()
          } else {
          }
          %and3A_673 = arith.constant true
          %and3A_674 = arith.andi %and3A_669, %and3A_673 : i1
          %add3A_675 = arith.constant 1 : i32
          %add3A_676 = arith.addi %while3A_235, %add3A_675 : i32
          %select_n3A_677 = arith.select %and3A_674, %add3A_676, %while3A_235 : i32
          %ne3A_678 = arith.cmpi ne, %add3A_245, %add3A_265 : i32
          %or3A_679 = arith.constant false
          %or3A_680 = arith.ori %or3A_679, %ne3A_678 : i1
          %or3A_681 = arith.constant false
          %or3A_682 = arith.ori %or3A_680, %or3A_681 : i1
          %or3A_683 = arith.ori %or3A_682, %eq3A_243 : i1
          %add3A_684 = arith.constant 1 : i32
          %add3A_685 = arith.addi %while3A_224, %add3A_684 : i32
          %select_n3A_686 = arith.select %or3A_683, %add3A_685, %while3A_224 : i32
          %get3A_687 = arith.index_cast %add3A_245 : i32 to index
          %get3A_688 = memref.load %arg1[%get3A_687] : memref<32xi32, #tpu.memory_space<smem>>
          %get3A_689 = arith.index_cast %add3A_265 : i32 to index
          %get3A_690 = memref.load %arg1[%get3A_689] : memref<32xi32, #tpu.memory_space<smem>>
          %ne3A_691 = arith.cmpi ne, %get3A_688, %get3A_690 : i32
          %or3A_692 = arith.constant false
          %or3A_693 = arith.ori %or3A_692, %ne3A_691 : i1
          %or3A_694 = arith.constant false
          %or3A_695 = arith.ori %or3A_693, %or3A_694 : i1
          %or3A_696 = arith.constant false
          %or3A_697 = arith.ori %or3A_695, %or3A_696 : i1
          %or3A_698 = arith.ori %or3A_697, %eq3A_243 : i1
          %add3A_699 = arith.constant 1 : i32
          %add3A_700 = arith.addi %while3A_226, %add3A_699 : i32
          %select_n3A_701 = arith.select %or3A_698, %add3A_700, %while3A_226 : i32
          %get3A_702 = arith.index_cast %add3A_245 : i32 to index
          %get3A_703 = memref.load %arg1[%get3A_702] : memref<32xi32, #tpu.memory_space<smem>>
          %get3A_704 = arith.index_cast %add3A_265 : i32 to index
          %get3A_705 = memref.load %arg1[%get3A_704] : memref<32xi32, #tpu.memory_space<smem>>
          %ne3A_706 = arith.cmpi ne, %get3A_703, %get3A_705 : i32
          %or3A_707 = arith.constant false
          %or3A_708 = arith.ori %or3A_707, %ne3A_706 : i1
          %or3A_709 = arith.constant false
          %or3A_710 = arith.ori %or3A_708, %or3A_709 : i1
          %or3A_711 = arith.constant false
          %or3A_712 = arith.ori %or3A_710, %or3A_711 : i1
          %or3A_713 = arith.ori %or3A_712, %eq3A_243 : i1
          %add3A_714 = arith.constant 1 : i32
          %add3A_715 = arith.addi %while3A_229, %add3A_714 : i32
          %select_n3A_716 = arith.select %or3A_713, %add3A_715, %while3A_229 : i32
          %get3A_717 = arith.index_cast %add3A_245 : i32 to index
          %get3A_718 = memref.load %arg1[%get3A_717] : memref<32xi32, #tpu.memory_space<smem>>
          %get3A_719 = arith.index_cast %add3A_265 : i32 to index
          %get3A_720 = memref.load %arg1[%get3A_719] : memref<32xi32, #tpu.memory_space<smem>>
          %ne3A_721 = arith.cmpi ne, %get3A_718, %get3A_720 : i32
          %or3A_722 = arith.constant false
          %or3A_723 = arith.ori %or3A_722, %ne3A_721 : i1
          %or3A_724 = arith.constant false
          %or3A_725 = arith.ori %or3A_723, %or3A_724 : i1
          %or3A_726 = arith.constant false
          %or3A_727 = arith.ori %or3A_725, %or3A_726 : i1
          %or3A_728 = arith.ori %or3A_727, %eq3A_243 : i1
          %add3A_729 = arith.constant 1 : i32
          %add3A_730 = arith.addi %while3A_232, %add3A_729 : i32
          %select_n3A_731 = arith.select %or3A_728, %add3A_730, %while3A_232 : i32
          %add3A_732 = arith.constant 1 : i32
          %add3A_733 = arith.addi %while3A_236, %add3A_732 : i32
          %select_n3A_734 = arith.constant true
          %select_n3A_735 = arith.select %select_n3A_734, %add3A_733, %while3A_236 : i32
          %eq3A_736 = arith.cmpi eq, %select_n3A_735, %get3A_0 : i32
          %select_n3A_737 = arith.constant 0 : i32
          %select_n3A_738 = arith.select %eq3A_736, %select_n3A_737, %select_n3A_735 : i32
          scf.yield %select_n3A_290, %select_n3A_686, %while3A_319#2, %select_n3A_701, %while3A_319#0, %while3A_348#2, %select_n3A_716, %while3A_348#0, %while3A_377#2, %select_n3A_731, %while3A_377#0, %select_n3A_591, %select_n3A_677, %select_n3A_738 : i32, i32, i32, i32, i32, i32, i32, i32, i32, i32, i32, i32, i32, i32
        }
        %sub3A_158 = arith.constant 1 : i32
        %sub3A_159 = arith.subi %while3A_157#13, %sub3A_158 : i32
        %select_n3A_160 = arith.constant true
        %select_n3A_161 = arith.select %select_n3A_160, %sub3A_159, %while3A_157#13 : i32
        %eq3A_162 = arith.constant -1 : i32
        %eq3A_163 = arith.cmpi eq, %select_n3A_161, %eq3A_162 : i32
        %sub3A_164 = arith.constant 1 : i32
        %sub3A_165 = arith.subi %get3A_0, %sub3A_164 : i32
        %select_n3A_166 = arith.select %eq3A_163, %sub3A_165, %select_n3A_161 : i32
        %sub3A_167 = arith.constant 1 : i32
        %sub3A_168 = arith.subi %mul3A_1, %sub3A_167 : i32
        %mul3A_169 = arith.constant 1 : i32
        %mul3A_170 = arith.muli %mul3A_169, %get3A_0 : i32
        %eq3A_171 = arith.constant 0 : i32
        %eq3A_172 = arith.cmpi eq, %sub3A_168, %eq3A_171 : i32
        %sub3A_173 = arith.constant 1 : i32
        %sub3A_174 = arith.subi %mul3A_170, %sub3A_173 : i32
        %eq3A_175 = arith.cmpi eq, %sub3A_168, %sub3A_174 : i32
        %add3A_176 = arith.constant 0 : i32
        %add3A_177 = arith.addi %select_n3A_166, %add3A_176 : i32
        %sub3A_178 = arith.constant 1 : i32
        %sub3A_179 = arith.subi %select_n3A_166, %sub3A_178 : i32
        %select_n3A_180 = arith.constant true
        %select_n3A_181 = arith.select %select_n3A_180, %sub3A_179, %select_n3A_166 : i32
        %eq3A_182 = arith.constant -1 : i32
        %eq3A_183 = arith.cmpi eq, %select_n3A_181, %eq3A_182 : i32
        %sub3A_184 = arith.constant 1 : i32
        %sub3A_185 = arith.subi %get3A_0, %sub3A_184 : i32
        %select_n3A_186 = arith.select %eq3A_183, %sub3A_185, %select_n3A_181 : i32
        %add3A_187 = arith.constant 0 : i32
        %add3A_188 = arith.addi %select_n3A_186, %add3A_187 : i32
        %add3A_189 = arith.constant 1 : i32
        %add3A_190 = arith.addi %select_n3A_166, %add3A_189 : i32
        %select_n3A_191 = arith.constant true
        %select_n3A_192 = arith.select %select_n3A_191, %add3A_190, %select_n3A_166 : i32
        %eq3A_193 = arith.cmpi eq, %select_n3A_192, %get3A_0 : i32
        %select_n3A_194 = arith.constant 0 : i32
        %select_n3A_195 = arith.select %eq3A_193, %select_n3A_194, %select_n3A_192 : i32
        %add3A_196 = arith.constant 0 : i32
        %add3A_197 = arith.addi %select_n3A_195, %add3A_196 : i32
        %add3A_198 = arith.constant 1 : i32
        %add3A_199 = arith.addi %select_n3A_195, %add3A_198 : i32
        %select_n3A_200 = arith.constant true
        %select_n3A_201 = arith.select %select_n3A_200, %add3A_199, %select_n3A_195 : i32
        %eq3A_202 = arith.cmpi eq, %select_n3A_201, %get3A_0 : i32
        %select_n3A_203 = arith.constant 0 : i32
        %select_n3A_204 = arith.select %eq3A_202, %select_n3A_203, %select_n3A_201 : i32
        %add3A_205 = arith.constant 0 : i32
        %add3A_206 = arith.addi %select_n3A_204, %add3A_205 : i32
        %convert_element_type3A_207 = arith.extui %eq3A_175 : i1 to i32
        %cond3A_208 = arith.constant 0 : i32
        %cond3A_209 = arith.cmpi ne, %convert_element_type3A_207, %cond3A_208 : i32
        scf.if %cond3A_209 {
        } else {
        }
        %convert_element_type3A_210 = arith.extui %eq3A_175 : i1 to i32
        %cond3A_211 = arith.constant 0 : i32
        %cond3A_212 = arith.cmpi ne, %convert_element_type3A_210, %cond3A_211 : i32
        scf.if %cond3A_212 {
        } else {
        }
        %convert_element_type3A_213 = arith.extui %eq3A_175 : i1 to i32
        %cond3A_214 = arith.constant 0 : i32
        %cond3A_215 = arith.cmpi ne, %convert_element_type3A_213, %cond3A_214 : i32
        scf.if %cond3A_215 {
        } else {
        }
        %convert_element_type3A_216 = arith.extui %eq3A_175 : i1 to i32
        %cond3A_217 = arith.constant 0 : i32
        %cond3A_218 = arith.cmpi ne, %convert_element_type3A_216, %cond3A_217 : i32
        scf.if %cond3A_218 {
        } else {
        }
        %convert_element_type3A_219 = arith.extui %eq3A_175 : i1 to i32
        %cond3A_220 = arith.constant 0 : i32
        %cond3A_221 = arith.cmpi ne, %convert_element_type3A_219, %cond3A_220 : i32
        scf.if %cond3A_221 {
          "tpu.trace_start"() <{level = 10 : i32, message = "ep_finalize"}> : () -> ()
          %rem3A_222 = arith.constant 2 : i32
          %rem3A_223 = arith.remui %while3A_157#12, %rem3A_222 : i32
          %mul3A_224 = arith.constant 256 : i32
          %mul3A_225 = arith.muli %mul3A_224, %add3A_177 : i32
          %dma_wait3A = tpu.memref_slice %run_scoped3A_10[%rem3A_223] : memref<2x!tpu.dma_semaphore, #tpu.memory_space<semaphore_mem>> -> memref<1x!tpu.dma_semaphore, #tpu.memory_space<semaphore_mem>>
          %dma_wait3A_226 = tpu.memref_squeeze %dma_wait3A : memref<1x!tpu.dma_semaphore, #tpu.memory_space<semaphore_mem>> -> memref<!tpu.dma_semaphore, #tpu.memory_space<semaphore_mem>>
          %dma_wait3A_227 = arith.constant 0 : i32
          %dma_wait3A_228 = tpu.memref_slice %arg7[%mul3A_225, %dma_wait3A_227] : memref<8192x1024xf32, #tpu.memory_space<hbm>> -> memref<256x1024xf32, #tpu.memory_space<hbm>>
          %dma_wait3A_229 = arith.constant 0 : i32
          %dma_wait3A_230 = arith.constant 0 : i32
          %dma_wait3A_231 = tpu.memref_slice %run_scoped3A_9[%rem3A_223, %dma_wait3A_229, %dma_wait3A_230] : memref<2x256x1024xf32, #tpu.memory_space<vmem>> -> memref<1x256x1024xf32, #tpu.memory_space<vmem>>
          %dma_wait3A_232 = tpu.memref_squeeze %dma_wait3A_231 : memref<1x256x1024xf32, #tpu.memory_space<vmem>> -> memref<256x1024xf32, #tpu.memory_space<vmem>>
          tpu.wait_dma2 semaphore(%dma_wait3A_226 : memref<!tpu.dma_semaphore, #tpu.memory_space<semaphore_mem>>) src(%dma_wait3A_232 : memref<256x1024xf32, #tpu.memory_space<vmem>>) dst(%dma_wait3A_228 : memref<256x1024xf32, #tpu.memory_space<hbm>>)
          "tpu.trace_stop"() : () -> ()
        } else {
        }
      } else {
      }
      tpu.yield
    }) : () -> ()
    return
  }
}

module attributes {stable_mosaic.version = 14 : i64} {
  func.func @_combine_body(%arg0: i32, %arg1: memref<2048x2xf32, #tpu.memory_space<vmem>>, %arg2: memref<2048x1024xf32, #tpu.memory_space<vmem>>, %arg3: memref<2048x1024xf32, #tpu.memory_space<vmem>>, %arg4: memref<2048x1024xf32, #tpu.memory_space<vmem>>) attributes {dimension_semantics = [#tpu.dimension_semantics<arbitrary>], iteration_bounds = array<i64: 1>, scalar_prefetch = 0 : i64, scratch_operands = 0 : i64, tpu.core_type = #tpu.core_type<tc>, window_params = [{pipeline_mode = #tpu.pipeline_mode<synchronous>, transform_indices = @transform_0, window_bounds = array<i64: 2048, 2>}, {transform_indices = @transform_1, window_bounds = array<i64: 2048, 1024>}, {transform_indices = @transform_2, window_bounds = array<i64: 2048, 1024>}, {pipeline_mode = #tpu.pipeline_mode<synchronous>, transform_indices = @transform_3, window_bounds = array<i64: 2048, 1024>}]} {
    %get3A = arith.constant 0 : index
    %get3A_0 = arith.constant 0 : index
    %get3A_1 = vector.load %arg1[%get3A, %get3A_0] : memref<2048x2xf32, #tpu.memory_space<vmem>>, vector<2048x1xf32>
    %get3A_2 = arith.constant 0 : index
    %get3A_3 = arith.constant 1 : index
    %get3A_4 = vector.load %arg1[%get3A_2, %get3A_3] : memref<2048x2xf32, #tpu.memory_space<vmem>>, vector<2048x1xf32>
    %get3A_5 = arith.constant 0 : index
    %get3A_6 = arith.constant 0 : index
    %get3A_7 = vector.load %arg2[%get3A_5, %get3A_6] : memref<2048x1024xf32, #tpu.memory_space<vmem>>, vector<2048x1024xf32>
    %mul3A = vector.broadcast %get3A_1 : vector<2048x1xf32> to vector<2048x1024xf32>
    %mul3A_8 = arith.mulf %mul3A, %get3A_7 : vector<2048x1024xf32>
    %get3A_9 = arith.constant 0 : index
    %get3A_10 = arith.constant 0 : index
    %get3A_11 = vector.load %arg3[%get3A_9, %get3A_10] : memref<2048x1024xf32, #tpu.memory_space<vmem>>, vector<2048x1024xf32>
    %mul3A_12 = vector.broadcast %get3A_4 : vector<2048x1xf32> to vector<2048x1024xf32>
    %mul3A_13 = arith.mulf %mul3A_12, %get3A_11 : vector<2048x1024xf32>
    %add3A = arith.addf %mul3A_8, %mul3A_13 : vector<2048x1024xf32>
    %swap3A = arith.constant 0 : index
    %swap3A_14 = arith.constant 0 : index
    %swap3A_15 = vector.load %arg4[%swap3A, %swap3A_14] : memref<2048x1024xf32, #tpu.memory_space<vmem>>, vector<2048x1024xf32>
    tpu.vector_store %arg4[%swap3A, %swap3A_14], %add3A {strides = array<i32>} : memref<2048x1024xf32, #tpu.memory_space<vmem>>, vector<2048x1024xf32>,
    return
  }
  func.func @transform_0(%arg0: i32) -> (i32, i32) {
    %c0_i32 = arith.constant 0 : i32
    %c0_i32_0 = arith.constant 0 : i32
    %c0_i32_1 = arith.constant 0 : i32
    return %c0_i32, %c0_i32_0 : i32, i32
  }
  func.func @transform_1(%arg0: i32) -> (i32, i32) {
    %c0_i32 = arith.constant 0 : i32
    %c0_i32_0 = arith.constant 0 : i32
    %c0_i32_1 = arith.constant 0 : i32
    return %c0_i32, %c0_i32_0 : i32, i32
  }
  func.func @transform_2(%arg0: i32) -> (i32, i32) {
    %c1_i32 = arith.constant 1 : i32
    %c0_i32 = arith.constant 0 : i32
    %c0_i32_0 = arith.constant 0 : i32
    return %c1_i32, %c0_i32 : i32, i32
  }
  func.func @transform_3(%arg0: i32) -> (i32, i32) {
    %c0_i32 = arith.constant 0 : i32
    %c0_i32_0 = arith.constant 0 : i32
    %c0_i32_1 = arith.constant 0 : i32
    return %c0_i32, %c0_i32_0 : i32, i32
  }
}

</mosaic_0001>

<sc_bundles>
// kernel: kernel.10.cloned.1.call-start
scs
__scs_entry_jumppad:
0x0: {  	(pc) =	sbr.rel $0x88, $3  }
0x1: {  	(tag) =	ssettag $0x0;
	lr =	simm.s32 $0x1  }
0x2: {  	[smem:$0x3F9C] =	sst lr;
	_ =	strace $0xD0000000  }
0x3: {  	_ = 	snop  }
0x4: {  	_ = 	snop  }
0x5: {  	_ = 	snop  }
0x6: {  	_ = 	snop  }
0x7: {  	_ = 	snop  }
__scs_overlays_trampoline_lowered:
0x8: {  	[smem:$0x3FAB] =	sst s0  }
0x9: {  	[smem:$0x3FAC] =	sst s1  }
0xa: {  	[smem:$0x3FAD] =	sst s2  }
0xb: {  	[smem:$0x3FAE] =	sst s3  }
0xc: {  	[smem:$0x3FAF] =	sst s4  }
0xd: {  	[smem:$0x3FB0] =	sst s5  }
0xe: {  	[smem:$0x3FB1] =	sst s6  }
0xf: {  	[smem:$0x3FB2] =	sst s7  }
0x10: {  	[smem:$0x3FB3] =	sst s8  }
0x11: {  	[smem:$0x3FB4] =	sst s9;
	s0 =	simm.s32 @!p0 $0x0  }
0x12: {  	s1 =	sld [smem:$0x3F9A];
	s0 =	simm.s32 @p0 $0x1  }
0x13: {  	[smem:$0x3FB5] =	sst s0;
	s0 =	simm.s32 @!p1 $0x0  }
0x14: {  	s2 =	sld [smem:$0x3F99];
	s0 =	simm.s32 @p1 $0x1  }
0x15: {  	[smem:$0x3FB6] =	sst s0;
	s0 =	simm.s32 @!p2 $0x0  }
0x16: {  	s3 =	sld [smem:$0x3FDB];
	s0 =	simm.s32 @p2 $0x1  }
0x17: {  	s4 =	simm.s32 $0x1BF5;
	[smem:$0x3FB8] =	sst s0  }
0x18: {  	s0 =	sld [smem:$0x3F9B];
	_ =	swait.ge [sflag:s4], $0x0  }
0x19: {  	s7 =	sld [smem:$0x3F9C]  }
0x1a: {  	s8 =	sadd.s32 $0xFFFFE003, lr  }
0x1b: {  	s9 =	sadd.s32 $0xFFFFFEF7, lr;
	s5 =	simm.s32 $0xFFFFFFFF;
	p2 =	slt.u32 s8, $0xFFFFF086  }
0x1c: {  	p1 =	slt.u32 s9, $0xF7A;
	s5 =	simm.s32 @!p2 $0x0  }
0x1d: {  	s5 =	simm.s32 @p1 $0x1;
	p0 =	seq.s32 s7, s2  }
0x1e: {  	s7 =	smul.u32 @!p0 $0xF7A, s2;
	p2 =	seq.s32 @!p0 s5, $0x0  }
0x1f: {  	s9 =	smul.u32 $0xF7A, s1;
	s8 =	simm.s32 @!p0 $0x1BF5;
	p2 =	por !p2, p0  }
0x20: {  	[sflag:s8] =	ssyncset.s32 @!p0 $0xFFFFF086;
	s6 =	sadd.s32 @!p0 s3, s7;
	s7 =	simm.s32 @!p0 $0x108  }
0x21: {  	s3 =	sadd.s32 s3, s9;
	s6 =	sadd.s32 @!p0 $0x88, s6;
	s7 =	simm.s32 @p2 $0x1082  }
0x22: {  	[simem:s7], [sflag:s8] =	dma.local @!p0 [hbm:s6], $0xF7A  }
0x23: {  	s9 =	sor.u32 $0xD0000000, s2;
	s6 =	simm.s32 $0x108;
	_ =	swait.ge @!p0 [sflag:s8], $0x0  }
0x24: {  	s3 =	sadd.s32 $0x88, s3;
	s6 =	simm.s32 @!p1 $0x1082;
	[sflag:s4] =	ssyncset.s32 $0xFFFFF086  }
0x25: {  	[simem:s6], [sflag:s4] =	dma.local [hbm:s3], $0xF7A  }
0x26: {  	[smem:$0x3F9C] =	sst s1;
	(tag) =	ssettag s2;
	_ =	strace s9  }
0x27: {  	s1 =	sld [smem:$0x3FAC]  }
0x28: {  	s2 =	sld [smem:$0x3FAD]  }
0x29: {  	s4 =	sld [smem:$0x3FAF]  }
0x2a: {  	p0 =	seq.s32 s5, $0x0;
	s5 =	sld [smem:$0x3FB0]  }
0x2b: {  	s6 =	sld [smem:$0x3FB1]  }
0x2c: {  	s7 =	sld [smem:$0x3FB2]  }
0x2d: {  	s3 =	simm.s32 $0x108;
	s8 =	sld [smem:$0x3FB3]  }
0x2e: {  	s3 =	simm.s32 @!p0 $0x1082;
	s9 =	sld [smem:$0x3FB4]  }
0x2f: {  	lr =	sadd.s32 s0, s3;
	s0 =	sld [smem:$0x3FAB]  }
0x30: {  	s3 =	sld [smem:$0x3FAE]  }
0x31: {  	[smem:$0x3FB7] =	sst s10  }
0x32: {  	s10 =	sld [smem:$0x3FB5];
	_ =	sdelay $0x3  }
0x33: {  	p0 =	seq.s32 s10, $0x1;
	s10 =	sld [smem:$0x3FB7];
	_ =	sdelay $0x3  }
0x34: {  	[smem:$0x3FB7] =	sst s10  }
0x35: {  	s10 =	sld [smem:$0x3FB6];
	_ =	sdelay $0x3  }
0x36: {  	p1 =	seq.s32 s10, $0x1;
	s10 =	sld [smem:$0x3FB7];
	_ =	sdelay $0x3  }
0x37: {  	[smem:$0x3FB7] =	sst s10  }
0x38: {  	s10 =	sld [smem:$0x3FB8]  }
0x39: {  	_ = 	snop;
	(pc) =	sbr.ind lr, $3  }
0x3a: {  	_ = 	snop  }
0x3b: {  	_ = 	snop  }
0x3c: {  	p2 =	seq.s32 s10, $0x1;
	s10 =	sld [smem:$0x3FB7]  }
0x3d: {  	_ =	shalt  }
0x3e: {  	_ =	shalt  }
0x3f: {  	_ =	shalt  }
0x40: {  	_ =	shalt  }
0x41: {  	_ =	shalt  }
0x42: {  	_ =	shalt  }
0x43: {  	_ =	shalt  }
0x44: {  	_ =	shalt  }
0x45: {  	_ =	shalt  }
0x46: {  	_ =	shalt  }
0x47: {  	_ =	shalt  }
0x48: {  	_ =	shalt  }
0x49: {  	_ =	shalt  }
0x4a: {  	_ =	shalt  }
0x4b: {  	_ =	shalt  }
0x4c: {  	_ =	shalt  }
0x4d: {  	_ =	shalt  }
0x4e: {  	_ =	shalt  }
0x4f: {  	_ =	shalt  }
0x50: {  	_ =	shalt  }
0x51: {  	_ =	shalt  }
0x52: {  	_ =	shalt  }
0x53: {  	_ =	shalt  }
0x54: {  	_ =	shalt  }
0x55: {  	_ =	shalt  }
0x56: {  	_ =	shalt  }
0x57: {  	_ =	shalt  }
0x58: {  	_ =	shalt  }
0x59: {  	_ =	shalt  }
0x5a: {  	_ =	shalt  }
0x5b: {  	_ =	shalt  }
0x5c: {  	_ =	shalt  }
0x5d: {  	_ =	shalt  }
0x5e: {  	_ =	shalt  }
0x5f: {  	_ =	shalt  }
0x60: {  	_ =	shalt  }
0x61: {  	_ =	shalt  }
0x62: {  	_ =	shalt  }
0x63: {  	_ =	shalt  }
0x64: {  	_ =	shalt  }
0x65: {  	_ =	shalt  }
0x66: {  	_ =	shalt  }
0x67: {  	_ =	shalt  }
0x68: {  	_ =	shalt  }
0x69: {  	_ =	shalt  }
0x6a: {  	_ =	shalt  }
0x6b: {  	_ =	shalt  }
0x6c: {  	_ =	shalt  }
0x6d: {  	_ =	shalt  }
0x6e: {  	_ =	shalt  }
0x6f: {  	_ =	shalt  }
0x70: {  	_ =	shalt  }
0x71: {  	_ =	shalt  }
0x72: {  	_ =	shalt  }
0x73: {  	_ =	shalt  }
0x74: {  	_ =	shalt  }
0x75: {  	_ =	shalt  }
0x76: {  	_ =	shalt  }
0x77: {  	_ =	shalt  }
0x78: {  	_ =	shalt  }
0x79: {  	_ =	shalt  }
0x7a: {  	_ =	shalt  }
0x7b: {  	_ =	shalt  }
0x7c: {  	_ =	shalt  }
0x7d: {  	_ =	shalt  }
0x7e: {  	_ =	shalt  }
0x7f: {  	_ =	shalt  }
0x80: {  	_ =	shalt  }
0x81: {  	_ =	shalt  }
0x82: {  	_ =	shalt  }
0x83: {  	_ =	shalt  }
0x84: {  	_ =	shalt  }
0x85: {  	_ =	shalt  }
0x86: {  	_ =	shalt  }
0x87: {  	_ =	shalt  }
.Lfunc_end0:
.L_simem_size_0:
called_computation.1_lowered:
.L_overlay_start_0:
0x88: {  	s2 =	sld [smem:$0x3FD9]  }
0x89: {  	s3 =	sld [smem:$0x3FFE];
	_ =	sdelay $0x1  }
0x8a: {  	s1 =	srdreg.scid  }
0x8b: {  	s0 =	sand.u32 $0x1, s1  }
0x8c: {  	s16 =	sshll.u32 s0, $0xA;
	s2 =	sadd.s32 s3, s2  }
0x8d: {  	s2 =	sadd.s32 s2, s16  }
0x8e: {  	[smem:$0x3FC3] =	sst s2  }
0x8f: {  	_ = 	snop  }
0x90: {  	(tm) =	ssettm $0x1  }
0x91: {  	s17 =	sld [smem:$0x3FFB];
	_ =	sdelay $0x3  }
0x92: {  	_ =	strace s17  }
0x93: {  	s2 =	sld [smem:$0x3FFC];
	_ =	sdelay $0x3  }
0x94: {  	_ =	strace s2  }
0x95: {  	s2 =	sld [smem:$0x3FFD];
	_ =	sdelay $0x3  }
0x96: {  	_ =	strace s2  }
0x97: {  	_ =	strace $0x8FFFFFFF  }
0x98: {  	s18 =	sld [smem:$0x3FDB];
	_ =	sdelay $0x1  }
0x99: {  	s19 =	simm.s32 $_scs_section_size  }
0x9a: {  	s4 =	simm.s32 $_size__tile_overlayer_lowered;
	s5 =	simm.s32 $_tile_overlayer_lowered  }
0x9b: {  	s22 =	simm.s32 $0x1BFF;
	s21 =	sshll.u32 s5, $0x1;
	s2 =	sadd.s32 s19, s18  }
0x9c: {  	s6 =	simm.s32 $0x0;
	s20 =	sshll.u32 s4, $0x1;
	s4 =	sadd.s32 s21, s2  }
0x9d: {  	[timem:s6], [sflag:s22] =	dma.local [hbm:s4], s20  }
0x9e: {  	_ =	swait.ge [sflag:s22], s20  }
0x9f: {  	s3 =	ssub.s32 $0x0, s20;
	[sflag:s22] =	ssyncset.done $0x0  }
0xa0: {  	[sflag:s22] =	ssyncadd.s32 s3;
	_ =	sdelay $0x1  }
0xa1: {  	s23 =	simm.s32 $0x1B8B  }
0xa2: {  	_ =	swait.ge [sflag:s23], $0x1  }
0xa3: {  	[sflag:s23] =	ssyncset.done $0x0  }
0xa4: {  	s25 =	simm.s32 $0x1B8E;
	s24 =	sld [smem:$0x3FFE];
	[sflag:s23] =	ssyncadd.s32 $0xFFFFFFFF  }
0xa5: {  	s26 =	simm.s32 $execute0_lowered;
	[smem:$0x3FD2] =	sst s25  }
0xa6: {  	s4 =	sshll.u32 s26, $0x1;
	_ =	strace $0x80000049;
	[dreg:$0x1] =	wrdreg $0xFFFFFFFF  }
0xa7: {  	s28 =	simm.s32 $_size_execute0_lowered;
	s2 =	sadd.s32 s2, s4;
	[dreg:$0x0] =	wrdreg $0x0  }
0xa8: {  	s4 =	sshll.u32 s28, $0x1;
	[dreg:$0x2] =	wrdreg s2  }
0xa9: {  	[dreg:$0x3] =	wrdreg s4  }
0xaa: {  	[dreg:$0x4] =	wrdreg $0xC0  }
0xab: {  	_ =	task [dreg:s6], $0x5FFFF  }
0xac: {  	[dreg:$0x1] =	wrdreg $0xFFFFFFFF  }
0xad: {  	[dreg:$0x0] =	wrdreg $0x60  }
0xae: {  	[dreg:$0x2] =	wrdreg s24  }
0xaf: {  	[dreg:$0x3] =	wrdreg $0x9  }
0xb0: {  	_ =	task.clear_ibuf [dreg:s6], $0x4FFFF;
	_ =	strace $0x90000049  }
0xb1: {  	s29 =	simm.s32 $0x9;
	_ =	strace $0x8000004B  }
0xb2: {  	_ =	swait.ge [sflag:s29], $0x1  }
0xb3: {  	[sflag:s29] =	ssyncadd.s32 $0xFFFFFFFF  }
0xb4: {  	_ =	strace $0x9000004B  }
0xb5: {  	_ =	sfence  }
0xb6: {  	s30 =	sld [smem:$0x0];
	_ =	sdelay $0x2  }
0xb7: {  	s31 =	sshll.u32 s1, $0xD;
	s1 =	sshrl.u32 s1, $0x2  }
0xb8: {  	s3 =	sand.u32 $0x4000, s31;
	s1 =	sadd.s32 s1, s30  }
0xb9: {  	s0 =	sor.u32 s3, s0;
	s1 =	sshll.u32 s1, $0x11  }
0xba: {  	s0 =	sor.u32 s1, s0  }
0xbb: {  	s0 =	sadd.s32 $0x8F2B, s0  }
0xbc: {  	[sflag:s0] =	ssyncadd.remote.s32 $0x1  }
0xbd: {  	_ =	sfence.sel $0xFFFF  }
0xbe: {  	[dreg:$0x0] =	wrdreg $0xFFFFFFFF;
	(pc) =	sbr.abs _section_cstart, $3  }
0xbf: {  	[dreg:$0x1] =	wrdreg $0xFFFFFFFF  }
0xc0: {  	_ =	task.clear_ibuf [dreg:s6], $0x2FFFF;
	_ =	strace $0x9FFFFFFF  }
0xc1: {  	(tm) =	ssettm $0x7FFFFFFF  }
tec
execute0_lowered:
.L_overlay_start_1:
0x0: {  	(tag) =	ssettag $0x1  }
0x1: {  	s0 =	rddreg [dreg:$0x0]  }
0x2: {  	s1 =	simm.s32 $0x0;
	s2 =	srdreg.scid;
	s7 =	stileid.u32  }
0x3: {  	s19 =	simm.s32 $0x3;
	s20 =	simm.s32 $0x2;
	s21 =	simm.s32 $0x4  }
0x4: {  	s28 =	simm.s32 $0x2200;
	s29 =	simm.s32 $0x2A00;
	s30 =	simm.s32 $0x3200  }
0x5: {  	s31 =	simm.s32 $0x3A00;
	s10 =	simm.s32 $0x5200;
	s11 =	simm.s32 $0x5A00  }
0x6: {  	s12 =	simm.s32 $0x6200;
	s13 =	simm.s32 $0x6A00;
	s14 =	simm.s32 $0x7200  }
0x7: {  	s15 =	simm.s32 $0x7A00;
	s18 =	simm.s32 $0x8200;
	s16 =	simm.s32 $0x8A00  }
0x8: {  	s17 =	simm.s32 $0x9200;
	[smem:$0x7FF] =	sst s1;
	s2 =	sand.u32 $0x1, s2  }
0x9: {  	s3 =	sadd.s32 $0x101400, s0;
	s5 =	sshll.u32 s7, $0xF;
	s7 =	sshll.u32 s7, $0x7  }
0xa: {  	_ =	strace $0x8000004A;
	s4 =	sshll.u32 s2, $0x6;
	s6 =	sshll.u32 s2, $0xE  }
0xb: {  	s2 =	ssub.s32 $0x2, s2;
	s4 =	sadd.s32 s4, s0;
	s5 =	sor.u32 s6, s5  }
0xc: {  	s23 =	sshrl.u32 s2, $0x1;
	s6 =	sadd.s32 $0x101700, s0;
	s4 =	sadd.s32 s7, s4  }
0xd: {  	s22 =	sadd.s32 s5, s0;
	s2 =	ssub.s32 s2, s23;
	s4 =	sadd.s32 $0xA00, s4  }
0xe: {  	s5 =	sadd.s32 $0x101600, s0;
	s24 =	sadd.s32 $0x1200, s22;
	[dreg:$0x2] =	wrdreg s4  }
0xf: {  	s23 =	simm.s32 $0xA00;
	s25 =	sadd.s32 $0x2200, s22;
	[dreg:$0x3] =	wrdreg s24  }
0x10: {  	s8 =	sadd.s32 $0x3200, s22;
	s26 =	sadd.s32 $0x4200, s22;
	[dreg:$0x4] =	wrdreg s25  }
0x11: {  	v2 =	vlaneseq.u32;
	s7 =	smax.u32 s2, $0x1;
	s2 =	simm.s32 $0x4A00;
	[dreg:$0x5] =	wrdreg s8  }
0x12: {  	vm0 =	vmmov $0xffff;
	v1 =	vshrl.u32 v2, $0x3;
	s4 =	sadd.s32 $0x101500, s0;
	[dreg:$0x6] =	wrdreg s26;
	s8 =	simm.s32 $0x1  }
0x13: {  	v0 =	vand.u32 $0x7, v2;
	v2 =	vor.u32 $0x8, v2;
	v1 =	vmul.u32 $0x8, v1;
	s25 =	simm.s32 $0x200;
	s24 =	simm.s32 $0x1200;
	s26 =	simm.s32 $0x1A00  }
.LBB2_1:
0x14: {  	s22 =	rddreg [dreg:$0x2];
	s0 =	simm.s32 $0x5  }
0x15: {  	[tilespmem:s1], [sflag:$0x5] =	stream.linear.gather [hbm4b:s22+s1], $0x200, $0x38;
	[tilespmem:$0x10200] =	vst v63  }
0x16: {  	_ =	swait.ge [sflag:s0], $0x200  }
0x17: {  	[sflag:s0] =	ssyncset.done $0x0  }
0x18: {  	[sflag:s0] =	ssyncadd.s32 $0xFFFFFE00  }
0x19: {  	v3 =	vld [tilespmem:$0x0];
	_ =	sdelay $0x4  }
0x1a: {  	v4 =	vshll.u32 v3, $0x3  }
0x1b: {  	v3 =	vand.u32 $0x7, v3;
	v4 =	vand.u32 $0xFFFFFFC0, v4  }
0x1c: {  	v3 =	vor.u32 v3, v4  }
0x1d: {  	v4 =	vperm.xlane v3, v0;
	_ =	sdelay $0x1  }
0x1e: {  	v4 =	vadd.s32 v1, v4;
	_ =	sdelay $0x4  }
0x1f: {  	[tilespmem:s25], [sflag:$0x1] =	stream.indirect_vreg.gather [hbm4b:s3+s1], $0x80, v4, vm0, $0xb8;
	[tilespmem:$0x10200] =	vst v63  }
0x20: {  	v3 =	vperm.xlane v3, v2  }
0x21: {  	[tilespmem:s23], [sflag:$0x1] =	stream.indirect_vreg.gather [hbm4b:s4+s1], $0x80, v4, vm0, $0xb8;
	[tilespmem:$0x10200] =	vst v63  }
0x22: {  	v3 =	vadd.s32 v1, v3  }
0x23: {  	[tilespmem:s24], [sflag:$0x1] =	stream.indirect_vreg.gather [hbm4b:s5+s1], $0x80, v4, vm0, $0xb8;
	[tilespmem:$0x10200] =	vst v63  }
0x24: {  	_ = 	snop  }
0x25: {  	[tilespmem:s26], [sflag:$0x1] =	stream.indirect_vreg.gather [hbm4b:s6+s1], $0x80, v4, vm0, $0xb8;
	[tilespmem:$0x10200] =	vst v63  }
0x26: {  	_ = 	snop  }
0x27: {  	[tilespmem:s28], [sflag:$0x1] =	stream.indirect_vreg.gather [hbm4b:s3+s1], $0x80, v3, vm0, $0xb8;
	[tilespmem:$0x10200] =	vst v63  }
0x28: {  	_ = 	snop  }
0x29: {  	[tilespmem:s29], [sflag:$0x1] =	stream.indirect_vreg.gather [hbm4b:s4+s1], $0x80, v3, vm0, $0xb8;
	[tilespmem:$0x10200] =	vst v63  }
0x2a: {  	_ = 	snop  }
0x2b: {  	[tilespmem:s30], [sflag:$0x1] =	stream.indirect_vreg.gather [hbm4b:s5+s1], $0x80, v3, vm0, $0xb8;
	[tilespmem:$0x10200] =	vst v63  }
0x2c: {  	_ = 	snop  }
0x2d: {  	[tilespmem:s31], [sflag:$0x1] =	stream.indirect_vreg.gather [hbm4b:s6+s1], $0x80, v3, vm0, $0xb8;
	[tilespmem:$0x10200] =	vst v63  }
0x2e: {  	v3 =	vld [tilespmem:$0x10];
	_ =	sdelay $0x4  }
0x2f: {  	v57 =	vshll.u32 v3, $0x3  }
0x30: {  	v3 =	vand.u32 $0x7, v3;
	v4 =	vand.u32 $0xFFFFFFC0, v57  }
0x31: {  	v3 =	vor.u32 v3, v4  }
0x32: {  	v4 =	vperm.xlane v3, v0;
	_ =	sdelay $0x1  }
0x33: {  	v4 =	vadd.s32 v1, v4;
	_ =	sdelay $0x3  }
0x34: {  	s0 =	simm.s32 $0x4200  }
0x35: {  	[tilespmem:s0], [sflag:$0x1] =	stream.indirect_vreg.gather [hbm4b:s3+s1], $0x80, v4, vm0, $0xb8;
	[tilespmem:$0x10200] =	vst v63  }
0x36: {  	v3 =	vperm.xlane v3, v2  }
0x37: {  	[tilespmem:s2], [sflag:$0x1] =	stream.indirect_vreg.gather [hbm4b:s4+s1], $0x80, v4, vm0, $0xb8;
	[tilespmem:$0x10200] =	vst v63  }
0x38: {  	v3 =	vadd.s32 v1, v3  }
0x39: {  	[tilespmem:s10], [sflag:$0x1] =	stream.indirect_vreg.gather [hbm4b:s5+s1], $0x80, v4, vm0, $0xb8;
	[tilespmem:$0x10200] =	vst v63  }
0x3a: {  	_ = 	snop  }
0x3b: {  	[tilespmem:s11], [sflag:$0x1] =	stream.indirect_vreg.gather [hbm4b:s6+s1], $0x80, v4, vm0, $0xb8;
	[tilespmem:$0x10200] =	vst v63  }
0x3c: {  	_ = 	snop  }
0x3d: {  	[tilespmem:s12], [sflag:$0x1] =	stream.indirect_vreg.gather [hbm4b:s3+s1], $0x80, v3, vm0, $0xb8;
	[tilespmem:$0x10200] =	vst v63  }
0x3e: {  	_ = 	snop  }
0x3f: {  	[tilespmem:s13], [sflag:$0x1] =	stream.indirect_vreg.gather [hbm4b:s4+s1], $0x80, v3, vm0, $0xb8;
	[tilespmem:$0x10200] =	vst v63  }
0x40: {  	_ = 	snop  }
0x41: {  	[tilespmem:s14], [sflag:$0x1] =	stream.indirect_vreg.gather [hbm4b:s5+s1], $0x80, v3, vm0, $0xb8;
	[tilespmem:$0x10200] =	vst v63  }
0x42: {  	_ = 	snop  }
0x43: {  	[tilespmem:s15], [sflag:$0x1] =	stream.indirect_vreg.gather [hbm4b:s6+s1], $0x80, v3, vm0, $0xb8;
	[tilespmem:$0x10200] =	vst v63  }
0x44: {  	v3 =	vld [tilespmem:$0x80];
	_ =	sdelay $0x4  }
0x45: {  	v58 =	vshll.u32 v3, $0x3  }
0x46: {  	v3 =	vand.u32 $0x7, v3;
	v4 =	vand.u32 $0xFFFFFFC0, v58  }
0x47: {  	v3 =	vor.u32 v3, v4  }
0x48: {  	v4 =	vperm.xlane v3, v0;
	_ =	sdelay $0x1  }
0x49: {  	v4 =	vadd.s32 v1, v4;
	_ =	sdelay $0x4  }
0x4a: {  	[tilespmem:s18], [sflag:$0x2] =	stream.indirect_vreg.gather [hbm4b:s3+s1], $0x80, v4, vm0, $0xb8;
	[tilespmem:$0x10200] =	vst v63  }
0x4b: {  	v3 =	vperm.xlane v3, v2  }
0x4c: {  	[tilespmem:s16], [sflag:$0x2] =	stream.indirect_vreg.gather [hbm4b:s4+s1], $0x80, v4, vm0, $0xb8;
	[tilespmem:$0x10200] =	vst v63  }
0x4d: {  	v3 =	vadd.s32 v1, v3  }
0x4e: {  	[tilespmem:s17], [sflag:$0x2] =	stream.indirect_vreg.gather [hbm4b:s5+s1], $0x80, v4, vm0, $0xb8;
	[tilespmem:$0x10200] =	vst v63  }
0x4f: {  	s9 =	simm.s32 $0x9A00  }
0x50: {  	[tilespmem:s9], [sflag:$0x2] =	stream.indirect_vreg.gather [hbm4b:s6+s1], $0x80, v4, vm0, $0xb8;
	[tilespmem:$0x10200] =	vst v63  }
0x51: {  	s9 =	simm.s32 $0xA200  }
0x52: {  	[tilespmem:s9], [sflag:$0x2] =	stream.indirect_vreg.gather [hbm4b:s3+s1], $0x80, v3, vm0, $0xb8;
	[tilespmem:$0x10200] =	vst v63  }
0x53: {  	s22 =	simm.s32 $0xAA00  }
0x54: {  	[tilespmem:s22], [sflag:$0x2] =	stream.indirect_vreg.gather [hbm4b:s4+s1], $0x80, v3, vm0, $0xb8;
	[tilespmem:$0x10200] =	vst v63  }
0x55: {  	s22 =	simm.s32 $0xB200  }
0x56: {  	[tilespmem:s22], [sflag:$0x2] =	stream.indirect_vreg.gather [hbm4b:s5+s1], $0x80, v3, vm0, $0xb8;
	[tilespmem:$0x10200] =	vst v63  }
0x57: {  	s22 =	simm.s32 $0xBA00  }
0x58: {  	[tilespmem:s22], [sflag:$0x2] =	stream.indirect_vreg.gather [hbm4b:s6+s1], $0x80, v3, vm0, $0xb8;
	[tilespmem:$0x10200] =	vst v63  }
0x59: {  	v3 =	vld [tilespmem:$0x90];
	_ =	sdelay $0x4  }
0x5a: {  	v59 =	vshll.u32 v3, $0x3  }
0x5b: {  	v3 =	vand.u32 $0x7, v3;
	v4 =	vand.u32 $0xFFFFFFC0, v59  }
0x5c: {  	v3 =	vor.u32 v3, v4  }
0x5d: {  	v4 =	vperm.xlane v3, v0;
	_ =	sdelay $0x1  }
0x5e: {  	v4 =	vadd.s32 v1, v4;
	_ =	sdelay $0x3  }
0x5f: {  	s22 =	simm.s32 $0xC200  }
0x60: {  	[tilespmem:s22], [sflag:$0x2] =	stream.indirect_vreg.gather [hbm4b:s3+s1], $0x80, v4, vm0, $0xb8;
	[tilespmem:$0x10200] =	vst v63  }
0x61: {  	v3 =	vperm.xlane v3, v2;
	s22 =	simm.s32 $0xCA00  }
0x62: {  	[tilespmem:s22], [sflag:$0x2] =	stream.indirect_vreg.gather [hbm4b:s4+s1], $0x80, v4, vm0, $0xb8;
	[tilespmem:$0x10200] =	vst v63  }
0x63: {  	v3 =	vadd.s32 v1, v3;
	s22 =	simm.s32 $0xD200  }
0x64: {  	[tilespmem:s22], [sflag:$0x2] =	stream.indirect_vreg.gather [hbm4b:s5+s1], $0x80, v4, vm0, $0xb8;
	[tilespmem:$0x10200] =	vst v63  }
0x65: {  	s22 =	simm.s32 $0xDA00  }
0x66: {  	[tilespmem:s22], [sflag:$0x2] =	stream.indirect_vreg.gather [hbm4b:s6+s1], $0x80, v4, vm0, $0xb8;
	[tilespmem:$0x10200] =	vst v63  }
0x67: {  	s22 =	simm.s32 $0xE200  }
0x68: {  	[tilespmem:s22], [sflag:$0x2] =	stream.indirect_vreg.gather [hbm4b:s3+s1], $0x80, v3, vm0, $0xb8;
	[tilespmem:$0x10200] =	vst v63  }
0x69: {  	s22 =	simm.s32 $0xEA00  }
0x6a: {  	[tilespmem:s22], [sflag:$0x2] =	stream.indirect_vreg.gather [hbm4b:s4+s1], $0x80, v3, vm0, $0xb8;
	[tilespmem:$0x10200] =	vst v63  }
0x6b: {  	s22 =	simm.s32 $0xF200  }
0x6c: {  	[tilespmem:s22], [sflag:$0x2] =	stream.indirect_vreg.gather [hbm4b:s5+s1], $0x80, v3, vm0, $0xb8;
	[tilespmem:$0x10200] =	vst v63  }
0x6d: {  	s22 =	simm.s32 $0xFA00  }
0x6e: {  	[tilespmem:s22], [sflag:$0x2] =	stream.indirect_vreg.gather [hbm4b:s6+s1], $0x80, v3, vm0, $0xb8;
	[tilespmem:$0x10200] =	vst v63  }
0x6f: {  	_ =	swait.ge [sflag:s8], $0x8000  }
0x70: {  	[sflag:s8] =	ssyncset.done $0x0  }
0x71: {  	s22 =	rddreg [dreg:$0x3];
	[sflag:s8] =	ssyncadd.s32 $0xFFFF8000  }
0x72: {  	[hbm4b:s22+s1] =	stream.linear.scatter [tilespmem:s25], [sflag:$0x3], $0x8000, $0x38;
	[tilespmem:$0x10200] =	vst v63  }
0x73: {  	_ =	swait.ge [sflag:s19], $0x8000  }
0x74: {  	[sflag:s19] =	ssyncset.done $0x0  }
0x75: {  	[sflag:s19] =	ssyncadd.s32 $0xFFFF8000  }
0x76: {  	v3 =	vld [tilespmem:$0x100];
	_ =	sdelay $0x4  }
0x77: {  	v60 =	vshll.u32 v3, $0x3  }
0x78: {  	v3 =	vand.u32 $0x7, v3;
	v4 =	vand.u32 $0xFFFFFFC0, v60  }
0x79: {  	v3 =	vor.u32 v3, v4  }
0x7a: {  	v4 =	vperm.xlane v3, v0;
	_ =	sdelay $0x1  }
0x7b: {  	v4 =	vadd.s32 v1, v4;
	_ =	sdelay $0x4  }
0x7c: {  	[tilespmem:s25], [sflag:$0x1] =	stream.indirect_vreg.gather [hbm4b:s3+s1], $0x80, v4, vm0, $0xb8;
	[tilespmem:$0x10200] =	vst v63  }
0x7d: {  	v3 =	vperm.xlane v3, v2  }
0x7e: {  	[tilespmem:s23], [sflag:$0x1] =	stream.indirect_vreg.gather [hbm4b:s4+s1], $0x80, v4, vm0, $0xb8;
	[tilespmem:$0x10200] =	vst v63  }
0x7f: {  	v3 =	vadd.s32 v1, v3  }
0x80: {  	[tilespmem:s24], [sflag:$0x1] =	stream.indirect_vreg.gather [hbm4b:s5+s1], $0x80, v4, vm0, $0xb8;
	[tilespmem:$0x10200] =	vst v63  }
0x81: {  	_ = 	snop  }
0x82: {  	[tilespmem:s26], [sflag:$0x1] =	stream.indirect_vreg.gather [hbm4b:s6+s1], $0x80, v4, vm0, $0xb8;
	[tilespmem:$0x10200] =	vst v63  }
0x83: {  	_ = 	snop  }
0x84: {  	[tilespmem:s28], [sflag:$0x1] =	stream.indirect_vreg.gather [hbm4b:s3+s1], $0x80, v3, vm0, $0xb8;
	[tilespmem:$0x10200] =	vst v63  }
0x85: {  	_ = 	snop  }
0x86: {  	[tilespmem:s29], [sflag:$0x1] =	stream.indirect_vreg.gather [hbm4b:s4+s1], $0x80, v3, vm0, $0xb8;
	[tilespmem:$0x10200] =	vst v63  }
0x87: {  	_ = 	snop  }
0x88: {  	[tilespmem:s30], [sflag:$0x1] =	stream.indirect_vreg.gather [hbm4b:s5+s1], $0x80, v3, vm0, $0xb8;
	[tilespmem:$0x10200] =	vst v63  }
0x89: {  	_ = 	snop  }
0x8a: {  	[tilespmem:s31], [sflag:$0x1] =	stream.indirect_vreg.gather [hbm4b:s6+s1], $0x80, v3, vm0, $0xb8;
	[tilespmem:$0x10200] =	vst v63  }
0x8b: {  	v3 =	vld [tilespmem:$0x110];
	_ =	sdelay $0x4  }
0x8c: {  	v61 =	vshll.u32 v3, $0x3  }
0x8d: {  	v3 =	vand.u32 $0x7, v3;
	v4 =	vand.u32 $0xFFFFFFC0, v61  }
0x8e: {  	v3 =	vor.u32 v3, v4  }
0x8f: {  	v4 =	vperm.xlane v3, v0;
	_ =	sdelay $0x1  }
0x90: {  	v4 =	vadd.s32 v1, v4;
	_ =	sdelay $0x4  }
0x91: {  	[tilespmem:s0], [sflag:$0x1] =	stream.indirect_vreg.gather [hbm4b:s3+s1], $0x80, v4, vm0, $0xb8;
	[tilespmem:$0x10200] =	vst v63  }
0x92: {  	v3 =	vperm.xlane v3, v2  }
0x93: {  	[tilespmem:s2], [sflag:$0x1] =	stream.indirect_vreg.gather [hbm4b:s4+s1], $0x80, v4, vm0, $0xb8;
	[tilespmem:$0x10200] =	vst v63  }
0x94: {  	v3 =	vadd.s32 v1, v3  }
0x95: {  	[tilespmem:s10], [sflag:$0x1] =	stream.indirect_vreg.gather [hbm4b:s5+s1], $0x80, v4, vm0, $0xb8;
	[tilespmem:$0x10200] =	vst v63  }
0x96: {  	_ = 	snop  }
0x97: {  	[tilespmem:s11], [sflag:$0x1] =	stream.indirect_vreg.gather [hbm4b:s6+s1], $0x80, v4, vm0, $0xb8;
	[tilespmem:$0x10200] =	vst v63  }
0x98: {  	_ = 	snop  }
0x99: {  	[tilespmem:s12], [sflag:$0x1] =	stream.indirect_vreg.gather [hbm4b:s3+s1], $0x80, v3, vm0, $0xb8;
	[tilespmem:$0x10200] =	vst v63  }
0x9a: {  	_ = 	snop  }
0x9b: {  	[tilespmem:s13], [sflag:$0x1] =	stream.indirect_vreg.gather [hbm4b:s4+s1], $0x80, v3, vm0, $0xb8;
	[tilespmem:$0x10200] =	vst v63  }
0x9c: {  	_ = 	snop  }
0x9d: {  	[tilespmem:s14], [sflag:$0x1] =	stream.indirect_vreg.gather [hbm4b:s5+s1], $0x80, v3, vm0, $0xb8;
	[tilespmem:$0x10200] =	vst v63  }
0x9e: {  	_ = 	snop  }
0x9f: {  	[tilespmem:s15], [sflag:$0x1] =	stream.indirect_vreg.gather [hbm4b:s6+s1], $0x80, v3, vm0, $0xb8;
	[tilespmem:$0x10200] =	vst v63  }
0xa0: {  	_ =	swait.ge [sflag:s20], $0x8000  }
0xa1: {  	[sflag:s20] =	ssyncset.done $0x0  }
0xa2: {  	s0 =	rddreg [dreg:$0x4];
	[sflag:s20] =	ssyncadd.s32 $0xFFFF8000  }
0xa3: {  	[hbm4b:s0+s1] =	stream.linear.scatter [tilespmem:s18], [sflag:$0x4], $0x8000, $0x38;
	[tilespmem:$0x10200] =	vst v63  }
0xa4: {  	_ =	swait.ge [sflag:s21], $0x8000  }
0xa5: {  	[sflag:s21] =	ssyncset.done $0x0  }
0xa6: {  	[sflag:s21] =	ssyncadd.s32 $0xFFFF8000  }
0xa7: {  	v3 =	vld [tilespmem:$0x180];
	_ =	sdelay $0x4  }
0xa8: {  	v62 =	vshll.u32 v3, $0x3  }
0xa9: {  	v3 =	vand.u32 $0x7, v3;
	v4 =	vand.u32 $0xFFFFFFC0, v62  }
0xaa: {  	v3 =	vor.u32 v3, v4  }
0xab: {  	v4 =	vperm.xlane v3, v0;
	_ =	sdelay $0x1  }
0xac: {  	v4 =	vadd.s32 v1, v4;
	_ =	sdelay $0x4  }
0xad: {  	[tilespmem:s18], [sflag:$0x2] =	stream.indirect_vreg.gather [hbm4b:s3+s1], $0x80, v4, vm0, $0xb8;
	[tilespmem:$0x10200] =	vst v63  }
0xae: {  	v3 =	vperm.xlane v3, v2  }
0xaf: {  	[tilespmem:s16], [sflag:$0x2] =	stream.indirect_vreg.gather [hbm4b:s4+s1], $0x80, v4, vm0, $0xb8;
	[tilespmem:$0x10200] =	vst v63  }
0xb0: {  	v3 =	vadd.s32 v1, v3  }
0xb1: {  	[tilespmem:s17], [sflag:$0x2] =	stream.indirect_vreg.gather [hbm4b:s5+s1], $0x80, v4, vm0, $0xb8;
	[tilespmem:$0x10200] =	vst v63  }
0xb2: {  	s22 =	simm.s32 $0x9A00  }
0xb3: {  	[tilespmem:s22], [sflag:$0x2] =	stream.indirect_vreg.gather [hbm4b:s6+s1], $0x80, v4, vm0, $0xb8;
	[tilespmem:$0x10200] =	vst v63  }
0xb4: {  	_ = 	snop  }
0xb5: {  	[tilespmem:s9], [sflag:$0x2] =	stream.indirect_vreg.gather [hbm4b:s3+s1], $0x80, v3, vm0, $0xb8;
	[tilespmem:$0x10200] =	vst v63  }
0xb6: {  	s22 =	simm.s32 $0xAA00  }
0xb7: {  	[tilespmem:s22], [sflag:$0x2] =	stream.indirect_vreg.gather [hbm4b:s4+s1], $0x80, v3, vm0, $0xb8;
	[tilespmem:$0x10200] =	vst v63  }
0xb8: {  	s9 =	simm.s32 $0xB200  }
0xb9: {  	[tilespmem:s9], [sflag:$0x2] =	stream.indirect_vreg.gather [hbm4b:s5+s1], $0x80, v3, vm0, $0xb8;
	[tilespmem:$0x10200] =	vst v63  }
0xba: {  	s22 =	simm.s32 $0xBA00  }
0xbb: {  	[tilespmem:s22], [sflag:$0x2] =	stream.indirect_vreg.gather [hbm4b:s6+s1], $0x80, v3, vm0, $0xb8;
	[tilespmem:$0x10200] =	vst v63  }
0xbc: {  	v3 =	vld [tilespmem:$0x190];
	_ =	sdelay $0x4  }
0xbd: {  	v63 =	vshll.u32 v3, $0x3  }
0xbe: {  	v3 =	vand.u32 $0x7, v3;
	v4 =	vand.u32 $0xFFFFFFC0, v63  }
0xbf: {  	v3 =	vor.u32 v3, v4  }
0xc0: {  	v4 =	vperm.xlane v3, v0;
	_ =	sdelay $0x1  }
0xc1: {  	v4 =	vadd.s32 v1, v4;
	_ =	sdelay $0x3  }
0xc2: {  	s9 =	simm.s32 $0xC200  }
0xc3: {  	[tilespmem:s9], [sflag:$0x2] =	stream.indirect_vreg.gather [hbm4b:s3+s1], $0x80, v4, vm0, $0xb8;
	[tilespmem:$0x10200] =	vst v63  }
0xc4: {  	s22 =	simm.s32 $0xCA00;
	v3 =	vperm.xlane v3, v2  }
0xc5: {  	[tilespmem:s22], [sflag:$0x2] =	stream.indirect_vreg.gather [hbm4b:s4+s1], $0x80, v4, vm0, $0xb8;
	[tilespmem:$0x10200] =	vst v63  }
0xc6: {  	v3 =	vadd.s32 v1, v3;
	s9 =	simm.s32 $0xD200  }
0xc7: {  	[tilespmem:s9], [sflag:$0x2] =	stream.indirect_vreg.gather [hbm4b:s5+s1], $0x80, v4, vm0, $0xb8;
	[tilespmem:$0x10200] =	vst v63  }
0xc8: {  	s22 =	simm.s32 $0xDA00  }
0xc9: {  	[tilespmem:s22], [sflag:$0x2] =	stream.indirect_vreg.gather [hbm4b:s6+s1], $0x80, v4, vm0, $0xb8;
	[tilespmem:$0x10200] =	vst v63  }
0xca: {  	s9 =	simm.s32 $0xE200  }
0xcb: {  	[tilespmem:s9], [sflag:$0x2] =	stream.indirect_vreg.gather [hbm4b:s3+s1], $0x80, v3, vm0, $0xb8;
	[tilespmem:$0x10200] =	vst v63  }
0xcc: {  	s22 =	simm.s32 $0xEA00  }
0xcd: {  	[tilespmem:s22], [sflag:$0x2] =	stream.indirect_vreg.gather [hbm4b:s4+s1], $0x80, v3, vm0, $0xb8;
	[tilespmem:$0x10200] =	vst v63  }
0xce: {  	s9 =	simm.s32 $0xF200  }
0xcf: {  	[tilespmem:s9], [sflag:$0x2] =	stream.indirect_vreg.gather [hbm4b:s5+s1], $0x80, v3, vm0, $0xb8;
	[tilespmem:$0x10200] =	vst v63  }
0xd0: {  	s22 =	simm.s32 $0xFA00  }
0xd1: {  	[tilespmem:s22], [sflag:$0x2] =	stream.indirect_vreg.gather [hbm4b:s6+s1], $0x80, v3, vm0, $0xb8;
	[tilespmem:$0x10200] =	vst v63  }
0xd2: {  	_ =	swait.ge [sflag:s8], $0x8000  }
0xd3: {  	[sflag:s8] =	ssyncset.done $0x0  }
0xd4: {  	s0 =	rddreg [dreg:$0x5];
	[sflag:s8] =	ssyncadd.s32 $0xFFFF8000  }
0xd5: {  	[hbm4b:s0+s1] =	stream.linear.scatter [tilespmem:s25], [sflag:$0x3], $0x8000, $0x38;
	[tilespmem:$0x10200] =	vst v63  }
0xd6: {  	_ =	swait.ge [sflag:s19], $0x8000  }
0xd7: {  	[sflag:s19] =	ssyncset.done $0x0  }
0xd8: {  	[sflag:s19] =	ssyncadd.s32 $0xFFFF8000  }
0xd9: {  	_ =	swait.ge [sflag:s20], $0x8000  }
0xda: {  	p0 =	sne.s32 s7, $0x1;
	[sflag:s20] =	ssyncset.done $0x0  }
.Ltmp0:
0xdb: {  	s9 =	rddreg [dreg:$0x6];
	[sflag:s20] =	ssyncadd.s32 $0xFFFF8000;
	(pc) =	sbr.rel @p0 .LBB2_1-.Ltmp0, $4  }
0xdc: {  	[hbm4b:s9+s1] =	stream.linear.scatter [tilespmem:s18], [sflag:$0x4], $0x8000, $0x38;
	[tilespmem:$0x10200] =	vst v63  }
0xdd: {  	_ =	swait.ge [sflag:s21], $0x8000  }
0xde: {  	[sflag:s21] =	ssyncset.done $0x0  }
0xdf: {  	s7 =	sadd.s32 $0xFFFFFFFF, s7;
	[sflag:s21] =	ssyncadd.s32 $0xFFFF8000  }
0xe0: {  	_ =	sfence.sel $0x180000  }
0xe1: {  	[bflag:$0x0] =	sbarrier.arrive $0xFFFF  }
0xe2: {  	_ =	strace $0x9000004A  }
0xe3: {  	s0 =	stileid.u32;
	[bflag:$0x2] =	sbarrier.arrive $0xFFFF  }
0xe4: {  	p0 =	sne.s32 s0, $0x0;
	s0 =	rddreg [dreg:$0x1]  }
0xe5: {  	s0 =	sadd.s32 @!p0 $0x100000, s0  }
0xe6: {  	[sflag:s0] =	ssyncadd.tile.s32 @!p0 $0x1;
	_ =	shalt  }
.Lfunc_end2:
_tile_overlayer_lowered:
.L_overlay_start_2:
0xe7: {  	(tag) =	ssettag $0x2  }
0xe8: {  	s0 =	rddreg [dreg:$0x0];
	s2 =	stileid.u32  }
0xe9: {  	s1 =	rddreg [dreg:$0x1];
	p0 =	sne.s32 s2, $0x0  }
0xea: {  	s3 =	rddreg [dreg:$0x2];
	[bflag:$0x3] =	sbarrier.arrive $0xFFFF;
	s2 =	simm.s32 @!p0 $0x1C05  }
0xeb: {  	[timem:s3], [sflag:s2] =	dma.local @!p0 [hbm:s0], s1  }
0xec: {  	s0 =	simm.s32 @!p0 $0x5  }
0xed: {  	_ =	swait.ge @!p0 [sflag:s0], s1  }
0xee: {  	s1 =	ssub.s32 @!p0 $0x0, s1;
	[sflag:s0] =	ssyncset.done @!p0 $0x0  }
0xef: {  	[sflag:s0] =	ssyncadd.s32 @!p0 s1  }
0xf0: {  	[bflag:$0x3] =	sbarrier.arrive $0xFFFF  }
0xf1: {  	_ =	shalt  }

// kernel: kernel.7.cloned.1.call-start
scs
__scs_entry_jumppad:
0x0: {  	(pc) =	sbr.rel $0x88, $3  }
0x1: {  	(tag) =	ssettag $0x0;
	lr =	simm.s32 $0x1  }
0x2: {  	[smem:$0x3F9C] =	sst lr;
	_ =	strace $0xD0000000  }
0x3: {  	_ = 	snop  }
0x4: {  	_ = 	snop  }
0x5: {  	_ = 	snop  }
0x6: {  	_ = 	snop  }
0x7: {  	_ = 	snop  }
__scs_overlays_trampoline_lowered:
0x8: {  	[smem:$0x3FAB] =	sst s0  }
0x9: {  	[smem:$0x3FAC] =	sst s1  }
0xa: {  	[smem:$0x3FAD] =	sst s2  }
0xb: {  	[smem:$0x3FAE] =	sst s3  }
0xc: {  	[smem:$0x3FAF] =	sst s4  }
0xd: {  	[smem:$0x3FB0] =	sst s5  }
0xe: {  	[smem:$0x3FB1] =	sst s6  }
0xf: {  	[smem:$0x3FB2] =	sst s7  }
0x10: {  	[smem:$0x3FB3] =	sst s8  }
0x11: {  	[smem:$0x3FB4] =	sst s9;
	s0 =	simm.s32 @!p0 $0x0  }
0x12: {  	s1 =	sld [smem:$0x3F9A];
	s0 =	simm.s32 @p0 $0x1  }
0x13: {  	[smem:$0x3FB5] =	sst s0;
	s0 =	simm.s32 @!p1 $0x0  }
0x14: {  	s2 =	sld [smem:$0x3F99];
	s0 =	simm.s32 @p1 $0x1  }
0x15: {  	[smem:$0x3FB6] =	sst s0;
	s0 =	simm.s32 @!p2 $0x0  }
0x16: {  	s3 =	sld [smem:$0x3FDB];
	s0 =	simm.s32 @p2 $0x1  }
0x17: {  	s4 =	simm.s32 $0x1BF5;
	[smem:$0x3FB8] =	sst s0  }
0x18: {  	s0 =	sld [smem:$0x3F9B];
	_ =	swait.ge [sflag:s4], $0x0  }
0x19: {  	s7 =	sld [smem:$0x3F9C]  }
0x1a: {  	s8 =	sadd.s32 $0xFFFFE003, lr  }
0x1b: {  	s9 =	sadd.s32 $0xFFFFFEF7, lr;
	s5 =	simm.s32 $0xFFFFFFFF;
	p2 =	slt.u32 s8, $0xFFFFF086  }
0x1c: {  	p1 =	slt.u32 s9, $0xF7A;
	s5 =	simm.s32 @!p2 $0x0  }
0x1d: {  	s5 =	simm.s32 @p1 $0x1;
	p0 =	seq.s32 s7, s2  }
0x1e: {  	s7 =	smul.u32 @!p0 $0xF7A, s2;
	p2 =	seq.s32 @!p0 s5, $0x0  }
0x1f: {  	s9 =	smul.u32 $0xF7A, s1;
	s8 =	simm.s32 @!p0 $0x1BF5;
	p2 =	por !p2, p0  }
0x20: {  	[sflag:s8] =	ssyncset.s32 @!p0 $0xFFFFF086;
	s6 =	sadd.s32 @!p0 s3, s7;
	s7 =	simm.s32 @!p0 $0x108  }
0x21: {  	s3 =	sadd.s32 s3, s9;
	s6 =	sadd.s32 @!p0 $0x88, s6;
	s7 =	simm.s32 @p2 $0x1082  }
0x22: {  	[simem:s7], [sflag:s8] =	dma.local @!p0 [hbm:s6], $0xF7A  }
0x23: {  	s9 =	sor.u32 $0xD0000000, s2;
	s6 =	simm.s32 $0x108;
	_ =	swait.ge @!p0 [sflag:s8], $0x0  }
0x24: {  	s3 =	sadd.s32 $0x88, s3;
	s6 =	simm.s32 @!p1 $0x1082;
	[sflag:s4] =	ssyncset.s32 $0xFFFFF086  }
0x25: {  	[simem:s6], [sflag:s4] =	dma.local [hbm:s3], $0xF7A  }
0x26: {  	[smem:$0x3F9C] =	sst s1;
	(tag) =	ssettag s2;
	_ =	strace s9  }
0x27: {  	s1 =	sld [smem:$0x3FAC]  }
0x28: {  	s2 =	sld [smem:$0x3FAD]  }
0x29: {  	s4 =	sld [smem:$0x3FAF]  }
0x2a: {  	p0 =	seq.s32 s5, $0x0;
	s5 =	sld [smem:$0x3FB0]  }
0x2b: {  	s6 =	sld [smem:$0x3FB1]  }
0x2c: {  	s7 =	sld [smem:$0x3FB2]  }
0x2d: {  	s3 =	simm.s32 $0x108;
	s8 =	sld [smem:$0x3FB3]  }
0x2e: {  	s3 =	simm.s32 @!p0 $0x1082;
	s9 =	sld [smem:$0x3FB4]  }
0x2f: {  	lr =	sadd.s32 s0, s3;
	s0 =	sld [smem:$0x3FAB]  }
0x30: {  	s3 =	sld [smem:$0x3FAE]  }
0x31: {  	[smem:$0x3FB7] =	sst s10  }
0x32: {  	s10 =	sld [smem:$0x3FB5];
	_ =	sdelay $0x3  }
0x33: {  	p0 =	seq.s32 s10, $0x1;
	s10 =	sld [smem:$0x3FB7];
	_ =	sdelay $0x3  }
0x34: {  	[smem:$0x3FB7] =	sst s10  }
0x35: {  	s10 =	sld [smem:$0x3FB6];
	_ =	sdelay $0x3  }
0x36: {  	p1 =	seq.s32 s10, $0x1;
	s10 =	sld [smem:$0x3FB7];
	_ =	sdelay $0x3  }
0x37: {  	[smem:$0x3FB7] =	sst s10  }
0x38: {  	s10 =	sld [smem:$0x3FB8]  }
0x39: {  	_ = 	snop;
	(pc) =	sbr.ind lr, $3  }
0x3a: {  	_ = 	snop  }
0x3b: {  	_ = 	snop  }
0x3c: {  	p2 =	seq.s32 s10, $0x1;
	s10 =	sld [smem:$0x3FB7]  }
0x3d: {  	_ =	shalt  }
0x3e: {  	_ =	shalt  }
0x3f: {  	_ =	shalt  }
0x40: {  	_ =	shalt  }
0x41: {  	_ =	shalt  }
0x42: {  	_ =	shalt  }
0x43: {  	_ =	shalt  }
0x44: {  	_ =	shalt  }
0x45: {  	_ =	shalt  }
0x46: {  	_ =	shalt  }
0x47: {  	_ =	shalt  }
0x48: {  	_ =	shalt  }
0x49: {  	_ =	shalt  }
0x4a: {  	_ =	shalt  }
0x4b: {  	_ =	shalt  }
0x4c: {  	_ =	shalt  }
0x4d: {  	_ =	shalt  }
0x4e: {  	_ =	shalt  }
0x4f: {  	_ =	shalt  }
0x50: {  	_ =	shalt  }
0x51: {  	_ =	shalt  }
0x52: {  	_ =	shalt  }
0x53: {  	_ =	shalt  }
0x54: {  	_ =	shalt  }
0x55: {  	_ =	shalt  }
0x56: {  	_ =	shalt  }
0x57: {  	_ =	shalt  }
0x58: {  	_ =	shalt  }
0x59: {  	_ =	shalt  }
0x5a: {  	_ =	shalt  }
0x5b: {  	_ =	shalt  }
0x5c: {  	_ =	shalt  }
0x5d: {  	_ =	shalt  }
0x5e: {  	_ =	shalt  }
0x5f: {  	_ =	shalt  }
0x60: {  	_ =	shalt  }
0x61: {  	_ =	shalt  }
0x62: {  	_ =	shalt  }
0x63: {  	_ =	shalt  }
0x64: {  	_ =	shalt  }
0x65: {  	_ =	shalt  }
0x66: {  	_ =	shalt  }
0x67: {  	_ =	shalt  }
0x68: {  	_ =	shalt  }
0x69: {  	_ =	shalt  }
0x6a: {  	_ =	shalt  }
0x6b: {  	_ =	shalt  }
0x6c: {  	_ =	shalt  }
0x6d: {  	_ =	shalt  }
0x6e: {  	_ =	shalt  }
0x6f: {  	_ =	shalt  }
0x70: {  	_ =	shalt  }
0x71: {  	_ =	shalt  }
0x72: {  	_ =	shalt  }
0x73: {  	_ =	shalt  }
0x74: {  	_ =	shalt  }
0x75: {  	_ =	shalt  }
0x76: {  	_ =	shalt  }
0x77: {  	_ =	shalt  }
0x78: {  	_ =	shalt  }
0x79: {  	_ =	shalt  }
0x7a: {  	_ =	shalt  }
0x7b: {  	_ =	shalt  }
0x7c: {  	_ =	shalt  }
0x7d: {  	_ =	shalt  }
0x7e: {  	_ =	shalt  }
0x7f: {  	_ =	shalt  }
0x80: {  	_ =	shalt  }
0x81: {  	_ =	shalt  }
0x82: {  	_ =	shalt  }
0x83: {  	_ =	shalt  }
0x84: {  	_ =	shalt  }
0x85: {  	_ =	shalt  }
0x86: {  	_ =	shalt  }
0x87: {  	_ =	shalt  }
.Lfunc_end0:
.L_simem_size_0:
called_computation_lowered:
.L_overlay_start_0:
0x88: {  	s2 =	sld [smem:$0x3FD9]  }
0x89: {  	s3 =	sld [smem:$0x3FFE];
	_ =	sdelay $0x1  }
0x8a: {  	s1 =	srdreg.scid  }
0x8b: {  	s0 =	sand.u32 $0x1, s1  }
0x8c: {  	s17 =	sshll.u32 s0, $0xA;
	s2 =	sadd.s32 s3, s2  }
0x8d: {  	s2 =	sadd.s32 s2, s17  }
0x8e: {  	[smem:$0x3FC3] =	sst s2  }
0x8f: {  	_ = 	snop  }
0x90: {  	s2 =	sld [smem:$0x3FC9];
	(tm) =	ssettm $0x1  }
0x91: {  	s18 =	sld [smem:$0x3FFB];
	_ =	sdelay $0x3  }
0x92: {  	_ =	strace s18  }
0x93: {  	s3 =	sld [smem:$0x3FFC];
	_ =	sdelay $0x3  }
0x94: {  	_ =	strace s3  }
0x95: {  	s3 =	sld [smem:$0x3FFD];
	_ =	sdelay $0x3  }
0x96: {  	_ =	strace s3  }
0x97: {  	_ =	strace $0x8FFFFFFF  }
0x98: {  	s19 =	sld [smem:$0x3FDB];
	_ =	sdelay $0x1  }
0x99: {  	s4 =	simm.s32 $_scs_section_size  }
0x9a: {  	s5 =	simm.s32 $_size__tile_overlayer_lowered;
	s6 =	simm.s32 $_tile_overlayer_lowered  }
0x9b: {  	s22 =	simm.s32 $0x1BFF;
	s21 =	sshll.u32 s6, $0x1;
	s3 =	sadd.s32 s4, s19  }
0x9c: {  	s7 =	simm.s32 $0x0;
	s20 =	sshll.u32 s5, $0x1;
	s5 =	sadd.s32 s21, s3  }
0x9d: {  	[timem:s7], [sflag:s22] =	dma.local [hbm:s5], s20  }
0x9e: {  	_ =	swait.ge [sflag:s22], s20  }
0x9f: {  	s4 =	ssub.s32 $0x0, s20;
	[sflag:s22] =	ssyncset.done $0x0  }
0xa0: {  	[sflag:s22] =	ssyncadd.s32 s4;
	_ =	sdelay $0x1  }
0xa1: {  	s23 =	simm.s32 $0x1B8B  }
0xa2: {  	_ =	swait.ge [sflag:s23], $0x1  }
0xa3: {  	[sflag:s23] =	ssyncset.done $0x0  }
0xa4: {  	s25 =	simm.s32 $0x1B8E;
	s24 =	sld [smem:$0x3FFE];
	[sflag:s23] =	ssyncadd.s32 $0xFFFFFFFF  }
0xa5: {  	s26 =	simm.s32 $execute0_lowered;
	[smem:$0x3FD2] =	sst s25  }
0xa6: {  	s5 =	sshll.u32 s26, $0x1;
	_ =	strace $0x80000046;
	[dreg:$0x1] =	wrdreg $0xFFFFFFFF  }
0xa7: {  	s28 =	simm.s32 $_size_execute0_lowered;
	s3 =	sadd.s32 s3, s5;
	[dreg:$0x0] =	wrdreg $0x0  }
0xa8: {  	s5 =	sshll.u32 s28, $0x1;
	[dreg:$0x2] =	wrdreg s3  }
0xa9: {  	[dreg:$0x3] =	wrdreg s5  }
0xaa: {  	[dreg:$0x4] =	wrdreg $0xC0  }
0xab: {  	_ =	task [dreg:s7], $0x5FFFF  }
0xac: {  	[dreg:$0x1] =	wrdreg $0xFFFFFFFF  }
0xad: {  	[dreg:$0x0] =	wrdreg $0x60  }
0xae: {  	[dreg:$0x2] =	wrdreg s2  }
0xaf: {  	[dreg:$0x3] =	wrdreg s24  }
0xb0: {  	[dreg:$0x4] =	wrdreg $0x9  }
0xb1: {  	_ =	task.clear_ibuf [dreg:s7], $0x5FFFF;
	_ =	strace $0x90000046  }
0xb2: {  	s29 =	simm.s32 $0x9;
	_ =	strace $0x80000048  }
0xb3: {  	_ =	swait.ge [sflag:s29], $0x1  }
0xb4: {  	[sflag:s29] =	ssyncadd.s32 $0xFFFFFFFF  }
0xb5: {  	_ =	strace $0x90000048  }
0xb6: {  	_ =	sfence  }
0xb7: {  	s30 =	sld [smem:$0x0];
	_ =	sdelay $0x2  }
0xb8: {  	s31 =	sshll.u32 s1, $0xD;
	s1 =	sshrl.u32 s1, $0x2  }
0xb9: {  	s3 =	sand.u32 $0x4000, s31;
	s1 =	sadd.s32 s1, s30  }
0xba: {  	s0 =	sor.u32 s3, s0;
	s1 =	sshll.u32 s1, $0x11  }
0xbb: {  	s0 =	sor.u32 s1, s0  }
0xbc: {  	s0 =	sadd.s32 $0x8F2B, s0  }
0xbd: {  	[sflag:s0] =	ssyncadd.remote.s32 $0x1  }
0xbe: {  	_ =	sfence.sel $0xFFFF  }
0xbf: {  	[dreg:$0x0] =	wrdreg $0xFFFFFFFF;
	(pc) =	sbr.abs _section_cstart, $3  }
0xc0: {  	[dreg:$0x1] =	wrdreg $0xFFFFFFFF  }
0xc1: {  	_ =	task.clear_ibuf [dreg:s7], $0x2FFFF;
	_ =	strace $0x9FFFFFFF  }
0xc2: {  	(tm) =	ssettm $0x7FFFFFFF  }
0xc3: {  	_ =	shalt  }
tec
execute0_lowered:
.L_overlay_start_1:
0x0: {  	(tag) =	ssettag $0x1  }
0x1: {  	s0 =	rddreg [dreg:$0x0]  }
0x2: {  	s1 =	rddreg [dreg:$0x1]  }
0x3: {  	s2 =	srdreg.scid;
	s6 =	stileid.u32  }
0x4: {  	s12 =	simm.s32 $0x8200;
	s29 =	simm.s32 $0x1;
	s28 =	simm.s32 $0x1200  }
0x5: {  	s31 =	simm.s32 $0x1A00;
	s30 =	simm.s32 $0x3;
	s22 =	simm.s32 $0x8A00  }
0x6: {  	s23 =	simm.s32 $0x9200;
	s9 =	simm.s32 $0x9A00;
	s10 =	simm.s32 $0xA200  }
0x7: {  	s13 =	simm.s32 $0xBA00;
	s14 =	simm.s32 $0xC200;
	s15 =	simm.s32 $0xCA00  }
0x8: {  	s16 =	simm.s32 $0xD200;
	s17 =	simm.s32 $0xDA00;
	s18 =	simm.s32 $0xE200  }
0x9: {  	s19 =	simm.s32 $0xEA00;
	s20 =	simm.s32 $0xF200;
	s21 =	simm.s32 $0xFA00  }
0xa: {  	s3 =	sand.u32 $0x1, s2;
	s2 =	simm.s32 $0x0;
	s5 =	sshll.u32 s6, $0xF  }
0xb: {  	s6 =	sshll.u32 s6, $0x7;
	s4 =	sshll.u32 s3, $0x6;
	[smem:$0x7FF] =	sst s2  }
0xc: {  	s7 =	sshll.u32 s3, $0xE;
	s5 =	sand.u32 $0x38000, s5;
	s3 =	ssub.s32 $0x2, s3  }
0xd: {  	s4 =	sadd.s32 s4, s1;
	_ =	strace $0x80000047;
	s5 =	sor.u32 s7, s5  }
0xe: {  	s24 =	sshrl.u32 s3, $0x1;
	s7 =	sadd.s32 $0x1500, s1;
	s4 =	sadd.s32 s6, s4  }
0xf: {  	s8 =	sadd.s32 s0, s5;
	s0 =	ssub.s32 s3, s24;
	s6 =	sadd.s32 $0x1400, s1  }
0x10: {  	s24 =	simm.s32 $0x4;
	s4 =	sadd.s32 $0xA00, s4;
	[dreg:$0x7] =	wrdreg s8  }
0x11: {  	s3 =	simm.s32 $0xB200;
	s5 =	sadd.s32 $0x1000, s8;
	[dreg:$0x3] =	wrdreg s4  }
0x12: {  	v2 =	vlaneseq.u32;
	s25 =	sadd.s32 $0x2000, s8;
	s26 =	sadd.s32 $0x3000, s8;
	[dreg:$0x4] =	wrdreg s5  }
0x13: {  	vm0 =	vmmov $0xffff;
	v1 =	vshrl.u32 v2, $0x3;
	s8 =	smax.u32 s0, $0x1;
	s4 =	sadd.s32 $0x1200, s1;
	[dreg:$0x5] =	wrdreg s25  }
0x14: {  	v0 =	vand.u32 $0x7, v2;
	v2 =	vor.u32 $0x8, v2;
	v1 =	vmul.u32 $0x8, v1;
	s5 =	sadd.s32 $0x1300, s1;
	[dreg:$0x6] =	wrdreg s26;
	s1 =	simm.s32 $0xAA00  }
.LBB2_1:
0x15: {  	s25 =	rddreg [dreg:$0x3];
	s0 =	simm.s32 $0x5  }
0x16: {  	[tilespmem:s2], [sflag:$0x5] =	stream.linear.gather [hbm4b:s25+s2], $0x200, $0x38;
	[tilespmem:$0x10200] =	vst v63  }
0x17: {  	_ =	swait.ge [sflag:s0], $0x200  }
0x18: {  	[sflag:s0] =	ssyncset.done $0x0  }
0x19: {  	s11 =	simm.s32 $0x200;
	s26 =	rddreg [dreg:$0x7];
	[sflag:s0] =	ssyncadd.s32 $0xFFFFFE00  }
0x1a: {  	[tilespmem:s11], [sflag:$0x1] =	stream.linear.gather [hbm4b:s26+s2], $0x8000, $0x38;
	[tilespmem:$0x10200] =	vst v63  }
0x1b: {  	s0 =	rddreg [dreg:$0x4]  }
0x1c: {  	[tilespmem:s12], [sflag:$0x2] =	stream.linear.gather [hbm4b:s0+s2], $0x8000, $0x38;
	[tilespmem:$0x10200] =	vst v63  }
0x1d: {  	_ =	swait.ge [sflag:s29], $0x8000  }
0x1e: {  	[sflag:s29] =	ssyncset.done $0x0  }
0x1f: {  	[sflag:s29] =	ssyncadd.s32 $0xFFFF8000  }
0x20: {  	v3 =	vld [tilespmem:$0x0];
	_ =	sdelay $0x4  }
0x21: {  	v4 =	vshll.u32 v3, $0x3  }
0x22: {  	v3 =	vand.u32 $0x7, v3;
	v4 =	vand.u32 $0xFFFFFFC0, v4  }
0x23: {  	v3 =	vor.u32 v3, v4  }
0x24: {  	v4 =	vperm.xlane v3, v0;
	_ =	sdelay $0x1  }
0x25: {  	v4 =	vadd.s32 v1, v4;
	_ =	sdelay $0x4  }
0x26: {  	[hbm4b:s4+s2] =	stream.indirect_vreg.scatter [tilespmem:s11], [sflag:$0x3], $0x80, v4, vm0, $0xb8;
	[tilespmem:$0x10200] =	vst v63  }
0x27: {  	s26 =	simm.s32 $0xA00;
	v3 =	vperm.xlane v3, v2  }
0x28: {  	[hbm4b:s5+s2] =	stream.indirect_vreg.scatter [tilespmem:s26], [sflag:$0x3], $0x80, v4, vm0, $0xb8;
	[tilespmem:$0x10200] =	vst v63  }
0x29: {  	v3 =	vadd.s32 v1, v3  }
0x2a: {  	[hbm4b:s6+s2] =	stream.indirect_vreg.scatter [tilespmem:s28], [sflag:$0x3], $0x80, v4, vm0, $0xb8;
	[tilespmem:$0x10200] =	vst v63  }
0x2b: {  	_ = 	snop  }
0x2c: {  	[hbm4b:s7+s2] =	stream.indirect_vreg.scatter [tilespmem:s31], [sflag:$0x3], $0x80, v4, vm0, $0xb8;
	[tilespmem:$0x10200] =	vst v63  }
0x2d: {  	s25 =	simm.s32 $0x2200  }
0x2e: {  	[hbm4b:s4+s2] =	stream.indirect_vreg.scatter [tilespmem:s25], [sflag:$0x3], $0x80, v3, vm0, $0xb8;
	[tilespmem:$0x10200] =	vst v63  }
0x2f: {  	s25 =	simm.s32 $0x2A00  }
0x30: {  	[hbm4b:s5+s2] =	stream.indirect_vreg.scatter [tilespmem:s25], [sflag:$0x3], $0x80, v3, vm0, $0xb8;
	[tilespmem:$0x10200] =	vst v63  }
0x31: {  	s25 =	simm.s32 $0x3200  }
0x32: {  	[hbm4b:s6+s2] =	stream.indirect_vreg.scatter [tilespmem:s25], [sflag:$0x3], $0x80, v3, vm0, $0xb8;
	[tilespmem:$0x10200] =	vst v63  }
0x33: {  	s25 =	simm.s32 $0x3A00  }
0x34: {  	[hbm4b:s7+s2] =	stream.indirect_vreg.scatter [tilespmem:s25], [sflag:$0x3], $0x80, v3, vm0, $0xb8;
	[tilespmem:$0x10200] =	vst v63  }
0x35: {  	v3 =	vld [tilespmem:$0x10];
	_ =	sdelay $0x4  }
0x36: {  	v57 =	vshll.u32 v3, $0x3  }
0x37: {  	v3 =	vand.u32 $0x7, v3;
	v4 =	vand.u32 $0xFFFFFFC0, v57  }
0x38: {  	v3 =	vor.u32 v3, v4  }
0x39: {  	v4 =	vperm.xlane v3, v0;
	_ =	sdelay $0x1  }
0x3a: {  	v4 =	vadd.s32 v1, v4;
	_ =	sdelay $0x3  }
0x3b: {  	s25 =	simm.s32 $0x4200  }
0x3c: {  	[hbm4b:s4+s2] =	stream.indirect_vreg.scatter [tilespmem:s25], [sflag:$0x3], $0x80, v4, vm0, $0xb8;
	[tilespmem:$0x10200] =	vst v63  }
0x3d: {  	v3 =	vperm.xlane v3, v2;
	s25 =	simm.s32 $0x4A00  }
0x3e: {  	[hbm4b:s5+s2] =	stream.indirect_vreg.scatter [tilespmem:s25], [sflag:$0x3], $0x80, v4, vm0, $0xb8;
	[tilespmem:$0x10200] =	vst v63  }
0x3f: {  	v3 =	vadd.s32 v1, v3;
	s25 =	simm.s32 $0x5200  }
0x40: {  	[hbm4b:s6+s2] =	stream.indirect_vreg.scatter [tilespmem:s25], [sflag:$0x3], $0x80, v4, vm0, $0xb8;
	[tilespmem:$0x10200] =	vst v63  }
0x41: {  	s25 =	simm.s32 $0x5A00  }
0x42: {  	[hbm4b:s7+s2] =	stream.indirect_vreg.scatter [tilespmem:s25], [sflag:$0x3], $0x80, v4, vm0, $0xb8;
	[tilespmem:$0x10200] =	vst v63  }
0x43: {  	s25 =	simm.s32 $0x6200  }
0x44: {  	[hbm4b:s4+s2] =	stream.indirect_vreg.scatter [tilespmem:s25], [sflag:$0x3], $0x80, v3, vm0, $0xb8;
	[tilespmem:$0x10200] =	vst v63  }
0x45: {  	s25 =	simm.s32 $0x6A00  }
0x46: {  	[hbm4b:s5+s2] =	stream.indirect_vreg.scatter [tilespmem:s25], [sflag:$0x3], $0x80, v3, vm0, $0xb8;
	[tilespmem:$0x10200] =	vst v63  }
0x47: {  	s25 =	simm.s32 $0x7200  }
0x48: {  	[hbm4b:s6+s2] =	stream.indirect_vreg.scatter [tilespmem:s25], [sflag:$0x3], $0x80, v3, vm0, $0xb8;
	[tilespmem:$0x10200] =	vst v63  }
0x49: {  	s25 =	simm.s32 $0x7A00  }
0x4a: {  	[hbm4b:s7+s2] =	stream.indirect_vreg.scatter [tilespmem:s25], [sflag:$0x3], $0x80, v3, vm0, $0xb8;
	[tilespmem:$0x10200] =	vst v63  }
0x4b: {  	_ =	swait.ge [sflag:s30], $0x8000  }
0x4c: {  	[sflag:s30] =	ssyncset.done $0x0  }
0x4d: {  	s0 =	rddreg [dreg:$0x5];
	[sflag:s30] =	ssyncadd.s32 $0xFFFF8000  }
0x4e: {  	[tilespmem:s11], [sflag:$0x1] =	stream.linear.gather [hbm4b:s0+s2], $0x8000, $0x38;
	[tilespmem:$0x10200] =	vst v63  }
0x4f: {  	s0 =	simm.s32 $0x2  }
0x50: {  	_ =	swait.ge [sflag:s0], $0x8000  }
0x51: {  	[sflag:s0] =	ssyncset.done $0x0  }
0x52: {  	[sflag:s0] =	ssyncadd.s32 $0xFFFF8000  }
0x53: {  	v3 =	vld [tilespmem:$0x80];
	_ =	sdelay $0x4  }
0x54: {  	v58 =	vshll.u32 v3, $0x3  }
0x55: {  	v3 =	vand.u32 $0x7, v3;
	v4 =	vand.u32 $0xFFFFFFC0, v58  }
0x56: {  	v3 =	vor.u32 v3, v4  }
0x57: {  	v4 =	vperm.xlane v3, v0;
	_ =	sdelay $0x1  }
0x58: {  	v4 =	vadd.s32 v1, v4;
	_ =	sdelay $0x4  }
0x59: {  	[hbm4b:s4+s2] =	stream.indirect_vreg.scatter [tilespmem:s12], [sflag:$0x4], $0x80, v4, vm0, $0xb8;
	[tilespmem:$0x10200] =	vst v63  }
0x5a: {  	v3 =	vperm.xlane v3, v2  }
0x5b: {  	[hbm4b:s5+s2] =	stream.indirect_vreg.scatter [tilespmem:s22], [sflag:$0x4], $0x80, v4, vm0, $0xb8;
	[tilespmem:$0x10200] =	vst v63  }
0x5c: {  	v3 =	vadd.s32 v1, v3  }
0x5d: {  	[hbm4b:s6+s2] =	stream.indirect_vreg.scatter [tilespmem:s23], [sflag:$0x4], $0x80, v4, vm0, $0xb8;
	[tilespmem:$0x10200] =	vst v63  }
0x5e: {  	_ = 	snop  }
0x5f: {  	[hbm4b:s7+s2] =	stream.indirect_vreg.scatter [tilespmem:s9], [sflag:$0x4], $0x80, v4, vm0, $0xb8;
	[tilespmem:$0x10200] =	vst v63  }
0x60: {  	_ = 	snop  }
0x61: {  	[hbm4b:s4+s2] =	stream.indirect_vreg.scatter [tilespmem:s10], [sflag:$0x4], $0x80, v3, vm0, $0xb8;
	[tilespmem:$0x10200] =	vst v63  }
0x62: {  	_ = 	snop  }
0x63: {  	[hbm4b:s5+s2] =	stream.indirect_vreg.scatter [tilespmem:s1], [sflag:$0x4], $0x80, v3, vm0, $0xb8;
	[tilespmem:$0x10200] =	vst v63  }
0x64: {  	_ = 	snop  }
0x65: {  	[hbm4b:s6+s2] =	stream.indirect_vreg.scatter [tilespmem:s3], [sflag:$0x4], $0x80, v3, vm0, $0xb8;
	[tilespmem:$0x10200] =	vst v63  }
0x66: {  	_ = 	snop  }
0x67: {  	[hbm4b:s7+s2] =	stream.indirect_vreg.scatter [tilespmem:s13], [sflag:$0x4], $0x80, v3, vm0, $0xb8;
	[tilespmem:$0x10200] =	vst v63  }
0x68: {  	v3 =	vld [tilespmem:$0x90];
	_ =	sdelay $0x4  }
0x69: {  	v59 =	vshll.u32 v3, $0x3  }
0x6a: {  	v3 =	vand.u32 $0x7, v3;
	v4 =	vand.u32 $0xFFFFFFC0, v59  }
0x6b: {  	v3 =	vor.u32 v3, v4  }
0x6c: {  	v4 =	vperm.xlane v3, v0;
	_ =	sdelay $0x1  }
0x6d: {  	v4 =	vadd.s32 v1, v4;
	_ =	sdelay $0x4  }
0x6e: {  	[hbm4b:s4+s2] =	stream.indirect_vreg.scatter [tilespmem:s14], [sflag:$0x4], $0x80, v4, vm0, $0xb8;
	[tilespmem:$0x10200] =	vst v63  }
0x6f: {  	v3 =	vperm.xlane v3, v2  }
0x70: {  	[hbm4b:s5+s2] =	stream.indirect_vreg.scatter [tilespmem:s15], [sflag:$0x4], $0x80, v4, vm0, $0xb8;
	[tilespmem:$0x10200] =	vst v63  }
0x71: {  	v3 =	vadd.s32 v1, v3  }
0x72: {  	[hbm4b:s6+s2] =	stream.indirect_vreg.scatter [tilespmem:s16], [sflag:$0x4], $0x80, v4, vm0, $0xb8;
	[tilespmem:$0x10200] =	vst v63  }
0x73: {  	_ = 	snop  }
0x74: {  	[hbm4b:s7+s2] =	stream.indirect_vreg.scatter [tilespmem:s17], [sflag:$0x4], $0x80, v4, vm0, $0xb8;
	[tilespmem:$0x10200] =	vst v63  }
0x75: {  	_ = 	snop  }
0x76: {  	[hbm4b:s4+s2] =	stream.indirect_vreg.scatter [tilespmem:s18], [sflag:$0x4], $0x80, v3, vm0, $0xb8;
	[tilespmem:$0x10200] =	vst v63  }
0x77: {  	_ = 	snop  }
0x78: {  	[hbm4b:s5+s2] =	stream.indirect_vreg.scatter [tilespmem:s19], [sflag:$0x4], $0x80, v3, vm0, $0xb8;
	[tilespmem:$0x10200] =	vst v63  }
0x79: {  	_ = 	snop  }
0x7a: {  	[hbm4b:s6+s2] =	stream.indirect_vreg.scatter [tilespmem:s20], [sflag:$0x4], $0x80, v3, vm0, $0xb8;
	[tilespmem:$0x10200] =	vst v63  }
0x7b: {  	_ = 	snop  }
0x7c: {  	[hbm4b:s7+s2] =	stream.indirect_vreg.scatter [tilespmem:s21], [sflag:$0x4], $0x80, v3, vm0, $0xb8;
	[tilespmem:$0x10200] =	vst v63  }
0x7d: {  	_ =	swait.ge [sflag:s24], $0x8000  }
0x7e: {  	[sflag:s24] =	ssyncset.done $0x0  }
0x7f: {  	s25 =	rddreg [dreg:$0x6];
	[sflag:s24] =	ssyncadd.s32 $0xFFFF8000  }
0x80: {  	[tilespmem:s12], [sflag:$0x2] =	stream.linear.gather [hbm4b:s25+s2], $0x8000, $0x38;
	[tilespmem:$0x10200] =	vst v63  }
0x81: {  	_ =	swait.ge [sflag:s29], $0x8000  }
0x82: {  	[sflag:s29] =	ssyncset.done $0x0  }
0x83: {  	[sflag:s29] =	ssyncadd.s32 $0xFFFF8000  }
0x84: {  	v3 =	vld [tilespmem:$0x100];
	_ =	sdelay $0x4  }
0x85: {  	v60 =	vshll.u32 v3, $0x3  }
0x86: {  	v3 =	vand.u32 $0x7, v3;
	v4 =	vand.u32 $0xFFFFFFC0, v60  }
0x87: {  	v3 =	vor.u32 v3, v4  }
0x88: {  	v4 =	vperm.xlane v3, v0;
	_ =	sdelay $0x1  }
0x89: {  	v4 =	vadd.s32 v1, v4;
	_ =	sdelay $0x4  }
0x8a: {  	[hbm4b:s4+s2] =	stream.indirect_vreg.scatter [tilespmem:s11], [sflag:$0x3], $0x80, v4, vm0, $0xb8;
	[tilespmem:$0x10200] =	vst v63  }
0x8b: {  	v3 =	vperm.xlane v3, v2  }
0x8c: {  	[hbm4b:s5+s2] =	stream.indirect_vreg.scatter [tilespmem:s26], [sflag:$0x3], $0x80, v4, vm0, $0xb8;
	[tilespmem:$0x10200] =	vst v63  }
0x8d: {  	v3 =	vadd.s32 v1, v3  }
0x8e: {  	[hbm4b:s6+s2] =	stream.indirect_vreg.scatter [tilespmem:s28], [sflag:$0x3], $0x80, v4, vm0, $0xb8;
	[tilespmem:$0x10200] =	vst v63  }
0x8f: {  	_ = 	snop  }
0x90: {  	[hbm4b:s7+s2] =	stream.indirect_vreg.scatter [tilespmem:s31], [sflag:$0x3], $0x80, v4, vm0, $0xb8;
	[tilespmem:$0x10200] =	vst v63  }
0x91: {  	s25 =	simm.s32 $0x2200  }
0x92: {  	[hbm4b:s4+s2] =	stream.indirect_vreg.scatter [tilespmem:s25], [sflag:$0x3], $0x80, v3, vm0, $0xb8;
	[tilespmem:$0x10200] =	vst v63  }
0x93: {  	s26 =	simm.s32 $0x2A00  }
0x94: {  	[hbm4b:s5+s2] =	stream.indirect_vreg.scatter [tilespmem:s26], [sflag:$0x3], $0x80, v3, vm0, $0xb8;
	[tilespmem:$0x10200] =	vst v63  }
0x95: {  	s25 =	simm.s32 $0x3200  }
0x96: {  	[hbm4b:s6+s2] =	stream.indirect_vreg.scatter [tilespmem:s25], [sflag:$0x3], $0x80, v3, vm0, $0xb8;
	[tilespmem:$0x10200] =	vst v63  }
0x97: {  	s26 =	simm.s32 $0x3A00  }
0x98: {  	[hbm4b:s7+s2] =	stream.indirect_vreg.scatter [tilespmem:s26], [sflag:$0x3], $0x80, v3, vm0, $0xb8;
	[tilespmem:$0x10200] =	vst v63  }
0x99: {  	v3 =	vld [tilespmem:$0x110];
	_ =	sdelay $0x4  }
0x9a: {  	v61 =	vshll.u32 v3, $0x3  }
0x9b: {  	v3 =	vand.u32 $0x7, v3;
	v4 =	vand.u32 $0xFFFFFFC0, v61  }
0x9c: {  	v3 =	vor.u32 v3, v4  }
0x9d: {  	v4 =	vperm.xlane v3, v0;
	_ =	sdelay $0x1  }
0x9e: {  	v4 =	vadd.s32 v1, v4;
	_ =	sdelay $0x3  }
0x9f: {  	s25 =	simm.s32 $0x4200  }
0xa0: {  	[hbm4b:s4+s2] =	stream.indirect_vreg.scatter [tilespmem:s25], [sflag:$0x3], $0x80, v4, vm0, $0xb8;
	[tilespmem:$0x10200] =	vst v63  }
0xa1: {  	s26 =	simm.s32 $0x4A00;
	v3 =	vperm.xlane v3, v2  }
0xa2: {  	[hbm4b:s5+s2] =	stream.indirect_vreg.scatter [tilespmem:s26], [sflag:$0x3], $0x80, v4, vm0, $0xb8;
	[tilespmem:$0x10200] =	vst v63  }
0xa3: {  	v3 =	vadd.s32 v1, v3;
	s25 =	simm.s32 $0x5200  }
0xa4: {  	[hbm4b:s6+s2] =	stream.indirect_vreg.scatter [tilespmem:s25], [sflag:$0x3], $0x80, v4, vm0, $0xb8;
	[tilespmem:$0x10200] =	vst v63  }
0xa5: {  	s26 =	simm.s32 $0x5A00  }
0xa6: {  	[hbm4b:s7+s2] =	stream.indirect_vreg.scatter [tilespmem:s26], [sflag:$0x3], $0x80, v4, vm0, $0xb8;
	[tilespmem:$0x10200] =	vst v63  }
0xa7: {  	s25 =	simm.s32 $0x6200  }
0xa8: {  	[hbm4b:s4+s2] =	stream.indirect_vreg.scatter [tilespmem:s25], [sflag:$0x3], $0x80, v3, vm0, $0xb8;
	[tilespmem:$0x10200] =	vst v63  }
0xa9: {  	s26 =	simm.s32 $0x6A00  }
0xaa: {  	[hbm4b:s5+s2] =	stream.indirect_vreg.scatter [tilespmem:s26], [sflag:$0x3], $0x80, v3, vm0, $0xb8;
	[tilespmem:$0x10200] =	vst v63  }
0xab: {  	s25 =	simm.s32 $0x7200  }
0xac: {  	[hbm4b:s6+s2] =	stream.indirect_vreg.scatter [tilespmem:s25], [sflag:$0x3], $0x80, v3, vm0, $0xb8;
	[tilespmem:$0x10200] =	vst v63  }
0xad: {  	s26 =	simm.s32 $0x7A00  }
0xae: {  	[hbm4b:s7+s2] =	stream.indirect_vreg.scatter [tilespmem:s26], [sflag:$0x3], $0x80, v3, vm0, $0xb8;
	[tilespmem:$0x10200] =	vst v63  }
0xaf: {  	_ =	swait.ge [sflag:s30], $0x8000  }
0xb0: {  	[sflag:s30] =	ssyncset.done $0x0  }
0xb1: {  	[sflag:s30] =	ssyncadd.s32 $0xFFFF8000  }
0xb2: {  	_ =	swait.ge [sflag:s0], $0x8000  }
0xb3: {  	[sflag:s0] =	ssyncset.done $0x0  }
0xb4: {  	[sflag:s0] =	ssyncadd.s32 $0xFFFF8000  }
0xb5: {  	v3 =	vld [tilespmem:$0x180];
	_ =	sdelay $0x4  }
0xb6: {  	v62 =	vshll.u32 v3, $0x3  }
0xb7: {  	v3 =	vand.u32 $0x7, v3;
	v4 =	vand.u32 $0xFFFFFFC0, v62  }
0xb8: {  	v3 =	vor.u32 v3, v4  }
0xb9: {  	v4 =	vperm.xlane v3, v0;
	_ =	sdelay $0x1  }
0xba: {  	v4 =	vadd.s32 v1, v4;
	_ =	sdelay $0x4  }
0xbb: {  	[hbm4b:s4+s2] =	stream.indirect_vreg.scatter [tilespmem:s12], [sflag:$0x4], $0x80, v4, vm0, $0xb8;
	[tilespmem:$0x10200] =	vst v63  }
0xbc: {  	v3 =	vperm.xlane v3, v2  }
0xbd: {  	[hbm4b:s5+s2] =	stream.indirect_vreg.scatter [tilespmem:s22], [sflag:$0x4], $0x80, v4, vm0, $0xb8;
	[tilespmem:$0x10200] =	vst v63  }
0xbe: {  	v3 =	vadd.s32 v1, v3  }
0xbf: {  	[hbm4b:s6+s2] =	stream.indirect_vreg.scatter [tilespmem:s23], [sflag:$0x4], $0x80, v4, vm0, $0xb8;
	[tilespmem:$0x10200] =	vst v63  }
0xc0: {  	_ = 	snop  }
0xc1: {  	[hbm4b:s7+s2] =	stream.indirect_vreg.scatter [tilespmem:s9], [sflag:$0x4], $0x80, v4, vm0, $0xb8;
	[tilespmem:$0x10200] =	vst v63  }
0xc2: {  	_ = 	snop  }
0xc3: {  	[hbm4b:s4+s2] =	stream.indirect_vreg.scatter [tilespmem:s10], [sflag:$0x4], $0x80, v3, vm0, $0xb8;
	[tilespmem:$0x10200] =	vst v63  }
0xc4: {  	_ = 	snop  }
0xc5: {  	[hbm4b:s5+s2] =	stream.indirect_vreg.scatter [tilespmem:s1], [sflag:$0x4], $0x80, v3, vm0, $0xb8;
	[tilespmem:$0x10200] =	vst v63  }
0xc6: {  	_ = 	snop  }
0xc7: {  	[hbm4b:s6+s2] =	stream.indirect_vreg.scatter [tilespmem:s3], [sflag:$0x4], $0x80, v3, vm0, $0xb8;
	[tilespmem:$0x10200] =	vst v63  }
0xc8: {  	_ = 	snop  }
0xc9: {  	[hbm4b:s7+s2] =	stream.indirect_vreg.scatter [tilespmem:s13], [sflag:$0x4], $0x80, v3, vm0, $0xb8;
	[tilespmem:$0x10200] =	vst v63  }
0xca: {  	v3 =	vld [tilespmem:$0x190];
	_ =	sdelay $0x4  }
0xcb: {  	v63 =	vshll.u32 v3, $0x3  }
0xcc: {  	v3 =	vand.u32 $0x7, v3;
	v4 =	vand.u32 $0xFFFFFFC0, v63  }
0xcd: {  	v3 =	vor.u32 v3, v4  }
0xce: {  	v4 =	vperm.xlane v3, v0;
	_ =	sdelay $0x1  }
0xcf: {  	v4 =	vadd.s32 v1, v4;
	_ =	sdelay $0x4  }
0xd0: {  	[hbm4b:s4+s2] =	stream.indirect_vreg.scatter [tilespmem:s14], [sflag:$0x4], $0x80, v4, vm0, $0xb8;
	[tilespmem:$0x10200] =	vst v63  }
0xd1: {  	v3 =	vperm.xlane v3, v2  }
0xd2: {  	[hbm4b:s5+s2] =	stream.indirect_vreg.scatter [tilespmem:s15], [sflag:$0x4], $0x80, v4, vm0, $0xb8;
	[tilespmem:$0x10200] =	vst v63  }
0xd3: {  	v3 =	vadd.s32 v1, v3  }
0xd4: {  	[hbm4b:s6+s2] =	stream.indirect_vreg.scatter [tilespmem:s16], [sflag:$0x4], $0x80, v4, vm0, $0xb8;
	[tilespmem:$0x10200] =	vst v63  }
0xd5: {  	_ = 	snop  }
0xd6: {  	[hbm4b:s7+s2] =	stream.indirect_vreg.scatter [tilespmem:s17], [sflag:$0x4], $0x80, v4, vm0, $0xb8;
	[tilespmem:$0x10200] =	vst v63  }
0xd7: {  	_ = 	snop  }
0xd8: {  	[hbm4b:s4+s2] =	stream.indirect_vreg.scatter [tilespmem:s18], [sflag:$0x4], $0x80, v3, vm0, $0xb8;
	[tilespmem:$0x10200] =	vst v63  }
0xd9: {  	_ = 	snop  }
0xda: {  	[hbm4b:s5+s2] =	stream.indirect_vreg.scatter [tilespmem:s19], [sflag:$0x4], $0x80, v3, vm0, $0xb8;
	[tilespmem:$0x10200] =	vst v63  }
0xdb: {  	p0 =	sne.s32 s8, $0x1  }
0xdc: {  	[hbm4b:s6+s2] =	stream.indirect_vreg.scatter [tilespmem:s20], [sflag:$0x4], $0x80, v3, vm0, $0xb8;
	[tilespmem:$0x10200] =	vst v63  }
.Ltmp0:
0xdd: {  	_ = 	snop;
	(pc) =	sbr.rel @p0 .LBB2_1-.Ltmp0, $4  }
0xde: {  	[hbm4b:s7+s2] =	stream.indirect_vreg.scatter [tilespmem:s21], [sflag:$0x4], $0x80, v3, vm0, $0xb8;
	[tilespmem:$0x10200] =	vst v63  }
0xdf: {  	_ =	swait.ge [sflag:s24], $0x8000  }
0xe0: {  	[sflag:s24] =	ssyncset.done $0x0  }
0xe1: {  	s8 =	sadd.s32 $0xFFFFFFFF, s8;
	[sflag:s24] =	ssyncadd.s32 $0xFFFF8000  }
0xe2: {  	_ =	sfence.sel $0x180000  }
0xe3: {  	[bflag:$0x0] =	sbarrier.arrive $0xFFFF  }
0xe4: {  	_ =	strace $0x90000047  }
0xe5: {  	s0 =	stileid.u32;
	[bflag:$0x2] =	sbarrier.arrive $0xFFFF  }
0xe6: {  	p0 =	sne.s32 s0, $0x0;
	s0 =	rddreg [dreg:$0x2]  }
0xe7: {  	s0 =	sadd.s32 @!p0 $0x100000, s0  }
0xe8: {  	[sflag:s0] =	ssyncadd.tile.s32 @!p0 $0x1;
	_ =	shalt  }
.Lfunc_end2:
_tile_overlayer_lowered:
.L_overlay_start_2:
0xe9: {  	(tag) =	ssettag $0x2  }
0xea: {  	s0 =	rddreg [dreg:$0x0];
	s2 =	stileid.u32  }
0xeb: {  	s1 =	rddreg [dreg:$0x1];
	p0 =	sne.s32 s2, $0x0  }
0xec: {  	s3 =	rddreg [dreg:$0x2];
	[bflag:$0x3] =	sbarrier.arrive $0xFFFF;
	s2 =	simm.s32 @!p0 $0x1C05  }
0xed: {  	[timem:s3], [sflag:s2] =	dma.local @!p0 [hbm:s0], s1  }
0xee: {  	s0 =	simm.s32 @!p0 $0x5  }
0xef: {  	_ =	swait.ge @!p0 [sflag:s0], s1  }
0xf0: {  	s1 =	ssub.s32 @!p0 $0x0, s1;
	[sflag:s0] =	ssyncset.done @!p0 $0x0  }
0xf1: {  	[sflag:s0] =	ssyncadd.s32 @!p0 s1  }
0xf2: {  	[bflag:$0x3] =	sbarrier.arrive $0xFFFF  }
0xf3: {  	_ =	shalt  }

</sc_bundles>
